<compile_context>
chip_gen: v7x
topology: tpu7x:2x2x1
jax: 0.10.2.dev20260603
libtpu: 0.0.44.dev20260713+nightly
codegen_flags: <defaults>
</compile_context>

<pallas_src>
import functools

import numpy as np
import jax
import jax.numpy as jnp
from jax.experimental import pallas as pl
from jax.experimental.pallas import tpu as pltpu
from jax.experimental.pallas import tpu_sc as plsc

_N, _D, _K = 4096, 256, 512
_MAX_ITER = 10
_TOL = 1e-4
_NC, _NS = 2, 16
_NW = _NC * _NS
_RPW = _N // _NW


@functools.lru_cache(maxsize=1)
def _pp_consts():

    def build():
        key = jax.random.key(42)
        i0 = jax.random.randint(jax.random.fold_in(key, 0), (), 0, _N)
        ks = jax.vmap(lambda i: jax.random.fold_in(key, i))(
            jnp.arange(1, _K, dtype=jnp.int32))
        g = jax.vmap(lambda k: jax.random.gumbel(k, (_N,), jnp.float32))(ks)
        return i0, g

    try:
        with jax.default_device(jax.devices("cpu")[0]):
            i0, g = build()
    except Exception:
        i0, g = build()
    e = np.exp(np.asarray(g, np.float64)).astype(np.float32)
    return int(i0), e.reshape(_K - 1, 1, _N)



def _init_body(i0, x_ref, xt_ref, g_ref, out_ref, tol_ref):
    f32 = jnp.float32
    xt = xt_ref[:]
    xsq = jnp.sum(xt * xt, axis=0, keepdims=True)

    def dist_row(c):
        cc = jnp.sum(c * c)
        m = jax.lax.dot_general(c, xt, (((1,), (0,)), ((), ())),
                                preferred_element_type=f32,
                                precision=jax.lax.Precision.HIGHEST)
        return xsq - 2.0 * m + cc

    c0 = x_ref[pl.ds(i0, 1), :]
    out_ref[pl.ds(0, 1), :] = c0
    lin = jax.lax.broadcasted_iota(jnp.int32, (1, _N), 1)

    def pp_step(i, d2):
        z = jnp.maximum(d2, 1e-12) * g_ref[i - 1]
        idx = jnp.min(jnp.where(z == jnp.max(z), lin, _N))
        c = x_ref[pl.ds(idx, 1), :]
        out_ref[pl.ds(i, 1), :] = c
        return jnp.minimum(d2, dist_row(c))

    jax.lax.fori_loop(1, _K, pp_step, dist_row(c0))

    x = x_ref[:]
    colmean = jnp.mean(x, axis=0, keepdims=True)
    tol_ref[...] = jnp.broadcast_to(_TOL * jnp.mean((x - colmean) ** 2), (1, 1))



def _labsum_body(x_ref, cents_ref, lab_ref, sums_ref):
    f32 = jnp.float32
    x = x_ref[:]
    cents = cents_ref[:]
    csq = jnp.transpose(jnp.sum(cents * cents, axis=1, keepdims=True))
    m = jax.lax.dot_general(x, cents, (((1,), (1,)), ((), ())),
                            preferred_element_type=f32)
    dd = csq - 2.0 * m
    rowmin = jnp.min(dd, axis=1, keepdims=True)
    kiota = jax.lax.broadcasted_iota(jnp.int32, (_N, _K), 1)
    lab = jnp.min(jnp.where(dd == rowmin, kiota, _K), axis=1,
                  keepdims=True)
    lab_ref[:] = lab
    oh = (lab == kiota).astype(f32)
    sums_ref[:] = jax.lax.dot_general(oh, x, (((0,), (0,)), ((), ())),
                                      preferred_element_type=f32,
                                      precision=jax.lax.Precision.HIGHEST)



def _counts_body(lab_hbm, cnts_out, lab_v, cnt_v):
    i32, f32 = jnp.int32, jnp.float32
    c = jax.lax.axis_index("c")
    s = jax.lax.axis_index("s")
    w = s * _NC + c
    pltpu.sync_copy(lab_hbm.at[pl.ds(w * _RPW, _RPW)], lab_v)

    lanes = jax.lax.iota(i32, 16)
    kvecs = [lanes + (cb * 16) for cb in range(_K // 16)]
    one16 = jnp.ones((16,), f32)
    zero16 = jnp.zeros((16,), f32)

    def chunk(j, acc):
        lab16 = lab_v[pl.ds(j * 16, 16)]
        for e in range(16):
            b = jnp.full((16,), lab16[e], i32)
            acc = tuple(
                a + jnp.where(kvecs[cb] == b, one16, zero16)
                for cb, a in enumerate(acc))
        return acc

    acc = jax.lax.fori_loop(0, _RPW // 16, chunk,
                            tuple(zero16 for _ in range(_K // 16)))
    for cb in range(_K // 16):
        cnt_v[pl.ds(cb * 16, 16)] = acc[cb]
    pltpu.sync_copy(cnt_v, cnts_out.at[w])


_sc_counts = functools.partial(
    pl.kernel,
    mesh=plsc.VectorSubcoreMesh(core_axis_name="c", subcore_axis_name="s",
                                num_cores=_NC, num_subcores=_NS),
    out_type=jax.ShapeDtypeStruct((_NW, _K), jnp.float32),
    scratch_types=[pltpu.VMEM((_RPW,), jnp.int32),
                   pltpu.VMEM((_K,), jnp.float32)],
)(_counts_body)



def _update_body(cents_ref, sums_ref, cnts_ref, new_ref, shift_ref):
    cents = cents_ref[:]
    sums = sums_ref[:]
    counts = jnp.transpose(jnp.sum(cnts_ref[:], axis=0, keepdims=True))
    new = jnp.where(counts > 0, sums / jnp.maximum(counts, 1.0), cents)
    new_ref[:] = new
    shift_ref[...] = jnp.broadcast_to(jnp.sum((new - cents) ** 2), (1, 1))


_I0, _G = _pp_consts()


def kernel(X):
    f32 = jnp.float32
    X = X.astype(f32)

    cents0, tol = pl.pallas_call(
        functools.partial(_init_body, _I0),
        out_shape=(jax.ShapeDtypeStruct((_K, _D), f32),
                   jax.ShapeDtypeStruct((1, 1), f32)),
    )(X, X.T, jnp.asarray(_G))

    labsum_call = pl.pallas_call(
        _labsum_body,
        out_shape=(jax.ShapeDtypeStruct((_N, 1), jnp.int32),
                   jax.ShapeDtypeStruct((_K, _D), f32)),
    )
    update_call = pl.pallas_call(
        _update_body,
        out_shape=(jax.ShapeDtypeStruct((_K, _D), f32),
                   jax.ShapeDtypeStruct((1, 1), f32)),
    )

    def body(state):
        cents, _, it = state
        lab, sums = labsum_call(X, cents)
        cnts_p = _sc_counts(lab.reshape(_N))
        new, shift = update_call(cents, sums, cnts_p)
        return (new, shift[0, 0], it + 1)

    cents, _, _ = jax.lax.while_loop(
        lambda s: jnp.logical_and(s[2] < _MAX_ITER, s[1] > tol[0, 0]),
        body,
        (cents0, jnp.asarray(jnp.inf, f32), jnp.int32(0)),
    )
    return cents

# --- scband reference (transcript-rebuilt; emitter-appended) ---
"""Pipeline reference for scband-kmeans-29076928594605 (READ-ONLY COPY).

The authoritative reference and input builder live on the scoring server;
editing this copy changes nothing except your own understanding.
"""

import jax, jax.numpy as jnp
import numpy as np

RATIO = 0.125
MAX_ITER = 10
TOL = 1e-4


def _kmeans_pp_init(X, K, key):
    N, D = X.shape
    k0 = jax.random.fold_in(key, 0)
    i0 = jax.random.randint(k0, (), 0, N)
    c0 = X[i0]
    cents = jnp.zeros((K, D), X.dtype).at[0].set(c0)
    d2 = jnp.sum((X - c0) ** 2, axis=1)

    def body(i, carry):
        cents, d2 = carry
        ki = jax.random.fold_in(key, i)
        logits = jnp.log(jnp.maximum(d2, 1e-12))
        idx = jax.random.categorical(ki, logits)
        c = X[idx]
        cents = cents.at[i].set(c)
        d2 = jnp.minimum(d2, jnp.sum((X - c) ** 2, axis=1))
        return (cents, d2)

    cents, _ = jax.lax.fori_loop(1, K, body, (cents, d2))
    return cents


def _lloyd(X, cents, max_iter, tol_scaled):
    K = cents.shape[0]
    x_sq = jnp.sum(X * X, axis=1, keepdims=True)

    def cond(state):
        _, shift, it = state
        return jnp.logical_and(it < max_iter, shift > tol_scaled)

    def body(state):
        cents, _, it = state
        d = x_sq - 2.0 * (X @ cents.T) + jnp.sum(cents * cents, axis=1)[None, :]
        labels = jnp.argmin(d, axis=1)
        sums = jax.ops.segment_sum(X, labels, num_segments=K)
        counts = jax.ops.segment_sum(jnp.ones((X.shape[0],), X.dtype), labels, num_segments=K)
        new = jnp.where(counts[:, None] > 0, sums / jnp.maximum(counts, 1.0)[:, None], cents)
        shift = jnp.sum((new - cents) ** 2)
        return (new, shift, it + 1)

    cents, _, _ = jax.lax.while_loop(cond, body, (cents, jnp.array(jnp.inf, X.dtype), 0))
    return cents


def _kmeans_forward(X):
    N = X.shape[0]
    K = int(round(RATIO * N))
    key = jax.random.key(42)
    tol_scaled = jnp.asarray(TOL, X.dtype) * jnp.mean(jnp.var(X, axis=0))
    cents = _kmeans_pp_init(X, K, key)
    cents = _lloyd(X, cents, MAX_ITER, tol_scaled)
    return cents


def setup_inputs(seed: int = 0) -> dict:
    key = jax.random.key(seed)
    X = jax.random.normal(key, (4096, 256), dtype=jnp.float32)
    return {"X": X}


def reference(X):
    return _kmeans_forward(X)

if __name__ == "__main__":
    import jax
    _d = setup_inputs()
    print(jax.jit(kernel)(*tuple(_d.values())))

</pallas_src>

<mosaic_0001>
#map = affine_map<(d0, d1) -> (0)>
#map1 = affine_map<(d0, d1) -> (0, 0)>
module attributes {stable_mosaic.version = 14 : i64} {
  func.func @_counts_body(%arg0: i32, %arg1: i32, %arg2: memref<4096xi32, #tpu.memory_space<hbm>>, %arg3: memref<32x512xf32, #tpu.memory_space<hbm>>, %arg4: memref<128xi32, #tpu.memory_space<vmem>>, %arg5: memref<512xf32, #tpu.memory_space<vmem>>) attributes {dimension_semantics = [#tpu.dimension_semantics<core_parallel>, #tpu.dimension_semantics<subcore_parallel>], iteration_bounds = array<i64: 2, 16>, scalar_prefetch = 0 : i64, scratch_operands = 2 : i64, tpu.core_type = #tpu.core_type<sc_vector_subcore>, window_params = [{transform_indices = #map}, {transform_indices = #map1}]} {
    %mul3A = arith.constant 2 : i32
    %mul3A_0 = arith.muli %arg1, %mul3A : i32
    %add3A = arith.addi %mul3A_0, %arg0 : i32
    %mul3A_1 = arith.constant 128 : i32
    %mul3A_2 = arith.muli %add3A, %mul3A_1 : i32
    "tpu.region"() ({
      %run_scoped3A = tpu.sem_alloc : memref<!tpu.dma_semaphore, #tpu.memory_space<semaphore_mem>>
      %dma_start3A = tpu.memref_slice %arg2[%mul3A_2] : memref<4096xi32, #tpu.memory_space<hbm>> -> memref<128xi32, #tpu.memory_space<hbm>>
      %dma_start3A_234 = tpu.memref_slice %arg2[%mul3A_2] : memref<4096xi32, #tpu.memory_space<hbm>> -> memref<128xi32, #tpu.memory_space<hbm>>
      tpu.enqueue_dma source(%dma_start3A_234 : memref<128xi32, #tpu.memory_space<hbm>>) target(%arg4 : memref<128xi32, #tpu.memory_space<vmem>>) target_semaphore(%run_scoped3A : memref<!tpu.dma_semaphore, #tpu.memory_space<semaphore_mem>>)
      %dma_wait3A = tpu.memref_slice %arg2[%mul3A_2] : memref<4096xi32, #tpu.memory_space<hbm>> -> memref<128xi32, #tpu.memory_space<hbm>>
      %dma_wait3A_235 = tpu.memref_slice %arg2[%mul3A_2] : memref<4096xi32, #tpu.memory_space<hbm>> -> memref<128xi32, #tpu.memory_space<hbm>>
      tpu.wait_dma2 semaphore(%run_scoped3A : memref<!tpu.dma_semaphore, #tpu.memory_space<semaphore_mem>>) src(%dma_wait3A_235 : memref<128xi32, #tpu.memory_space<hbm>>) dst(%arg4 : memref<128xi32, #tpu.memory_space<vmem>>)
      tpu.yield
    }) : () -> ()
    %iota3A = tpu.iota {dimensions = array<i32: 0>} : vector<16xi32>
    %add3A_3 = arith.constant 0 : i32
    %add3A_4 = vector.broadcast %add3A_3 : i32 to vector<16xi32>
    %add3A_5 = arith.addi %iota3A, %add3A_4 : vector<16xi32>
    %add3A_6 = arith.constant 16 : i32
    %add3A_7 = vector.broadcast %add3A_6 : i32 to vector<16xi32>
    %add3A_8 = arith.addi %iota3A, %add3A_7 : vector<16xi32>
    %add3A_9 = arith.constant 32 : i32
    %add3A_10 = vector.broadcast %add3A_9 : i32 to vector<16xi32>
    %add3A_11 = arith.addi %iota3A, %add3A_10 : vector<16xi32>
    %add3A_12 = arith.constant 48 : i32
    %add3A_13 = vector.broadcast %add3A_12 : i32 to vector<16xi32>
    %add3A_14 = arith.addi %iota3A, %add3A_13 : vector<16xi32>
    %add3A_15 = arith.constant 64 : i32
    %add3A_16 = vector.broadcast %add3A_15 : i32 to vector<16xi32>
    %add3A_17 = arith.addi %iota3A, %add3A_16 : vector<16xi32>
    %add3A_18 = arith.constant 80 : i32
    %add3A_19 = vector.broadcast %add3A_18 : i32 to vector<16xi32>
    %add3A_20 = arith.addi %iota3A, %add3A_19 : vector<16xi32>
    %add3A_21 = arith.constant 96 : i32
    %add3A_22 = vector.broadcast %add3A_21 : i32 to vector<16xi32>
    %add3A_23 = arith.addi %iota3A, %add3A_22 : vector<16xi32>
    %add3A_24 = arith.constant 112 : i32
    %add3A_25 = vector.broadcast %add3A_24 : i32 to vector<16xi32>
    %add3A_26 = arith.addi %iota3A, %add3A_25 : vector<16xi32>
    %add3A_27 = arith.constant 128 : i32
    %add3A_28 = vector.broadcast %add3A_27 : i32 to vector<16xi32>
    %add3A_29 = arith.addi %iota3A, %add3A_28 : vector<16xi32>
    %add3A_30 = arith.constant 144 : i32
    %add3A_31 = vector.broadcast %add3A_30 : i32 to vector<16xi32>
    %add3A_32 = arith.addi %iota3A, %add3A_31 : vector<16xi32>
    %add3A_33 = arith.constant 160 : i32
    %add3A_34 = vector.broadcast %add3A_33 : i32 to vector<16xi32>
    %add3A_35 = arith.addi %iota3A, %add3A_34 : vector<16xi32>
    %add3A_36 = arith.constant 176 : i32
    %add3A_37 = vector.broadcast %add3A_36 : i32 to vector<16xi32>
    %add3A_38 = arith.addi %iota3A, %add3A_37 : vector<16xi32>
    %add3A_39 = arith.constant 192 : i32
    %add3A_40 = vector.broadcast %add3A_39 : i32 to vector<16xi32>
    %add3A_41 = arith.addi %iota3A, %add3A_40 : vector<16xi32>
    %add3A_42 = arith.constant 208 : i32
    %add3A_43 = vector.broadcast %add3A_42 : i32 to vector<16xi32>
    %add3A_44 = arith.addi %iota3A, %add3A_43 : vector<16xi32>
    %add3A_45 = arith.constant 224 : i32
    %add3A_46 = vector.broadcast %add3A_45 : i32 to vector<16xi32>
    %add3A_47 = arith.addi %iota3A, %add3A_46 : vector<16xi32>
    %add3A_48 = arith.constant 240 : i32
    %add3A_49 = vector.broadcast %add3A_48 : i32 to vector<16xi32>
    %add3A_50 = arith.addi %iota3A, %add3A_49 : vector<16xi32>
    %add3A_51 = arith.constant 256 : i32
    %add3A_52 = vector.broadcast %add3A_51 : i32 to vector<16xi32>
    %add3A_53 = arith.addi %iota3A, %add3A_52 : vector<16xi32>
    %add3A_54 = arith.constant 272 : i32
    %add3A_55 = vector.broadcast %add3A_54 : i32 to vector<16xi32>
    %add3A_56 = arith.addi %iota3A, %add3A_55 : vector<16xi32>
    %add3A_57 = arith.constant 288 : i32
    %add3A_58 = vector.broadcast %add3A_57 : i32 to vector<16xi32>
    %add3A_59 = arith.addi %iota3A, %add3A_58 : vector<16xi32>
    %add3A_60 = arith.constant 304 : i32
    %add3A_61 = vector.broadcast %add3A_60 : i32 to vector<16xi32>
    %add3A_62 = arith.addi %iota3A, %add3A_61 : vector<16xi32>
    %add3A_63 = arith.constant 320 : i32
    %add3A_64 = vector.broadcast %add3A_63 : i32 to vector<16xi32>
    %add3A_65 = arith.addi %iota3A, %add3A_64 : vector<16xi32>
    %add3A_66 = arith.constant 336 : i32
    %add3A_67 = vector.broadcast %add3A_66 : i32 to vector<16xi32>
    %add3A_68 = arith.addi %iota3A, %add3A_67 : vector<16xi32>
    %add3A_69 = arith.constant 352 : i32
    %add3A_70 = vector.broadcast %add3A_69 : i32 to vector<16xi32>
    %add3A_71 = arith.addi %iota3A, %add3A_70 : vector<16xi32>
    %add3A_72 = arith.constant 368 : i32
    %add3A_73 = vector.broadcast %add3A_72 : i32 to vector<16xi32>
    %add3A_74 = arith.addi %iota3A, %add3A_73 : vector<16xi32>
    %add3A_75 = arith.constant 384 : i32
    %add3A_76 = vector.broadcast %add3A_75 : i32 to vector<16xi32>
    %add3A_77 = arith.addi %iota3A, %add3A_76 : vector<16xi32>
    %add3A_78 = arith.constant 400 : i32
    %add3A_79 = vector.broadcast %add3A_78 : i32 to vector<16xi32>
    %add3A_80 = arith.addi %iota3A, %add3A_79 : vector<16xi32>
    %add3A_81 = arith.constant 416 : i32
    %add3A_82 = vector.broadcast %add3A_81 : i32 to vector<16xi32>
    %add3A_83 = arith.addi %iota3A, %add3A_82 : vector<16xi32>
    %add3A_84 = arith.constant 432 : i32
    %add3A_85 = vector.broadcast %add3A_84 : i32 to vector<16xi32>
    %add3A_86 = arith.addi %iota3A, %add3A_85 : vector<16xi32>
    %add3A_87 = arith.constant 448 : i32
    %add3A_88 = vector.broadcast %add3A_87 : i32 to vector<16xi32>
    %add3A_89 = arith.addi %iota3A, %add3A_88 : vector<16xi32>
    %add3A_90 = arith.constant 464 : i32
    %add3A_91 = vector.broadcast %add3A_90 : i32 to vector<16xi32>
    %add3A_92 = arith.addi %iota3A, %add3A_91 : vector<16xi32>
    %add3A_93 = arith.constant 480 : i32
    %add3A_94 = vector.broadcast %add3A_93 : i32 to vector<16xi32>
    %add3A_95 = arith.addi %iota3A, %add3A_94 : vector<16xi32>
    %add3A_96 = arith.constant 496 : i32
    %add3A_97 = vector.broadcast %add3A_96 : i32 to vector<16xi32>
    %add3A_98 = arith.addi %iota3A, %add3A_97 : vector<16xi32>
    %broadcast_in_dim3A = arith.constant 1.000000e+00 : f32
    %broadcast_in_dim3A_99 = vector.broadcast %broadcast_in_dim3A : f32 to vector<16xf32>
    %broadcast_in_dim3A_100 = arith.constant 0.000000e+00 : f32
    %broadcast_in_dim3A_101 = vector.broadcast %broadcast_in_dim3A_100 : f32 to vector<16xf32>
    %scan3A = arith.constant 0 : i32
    %scan3A_102 = arith.constant 8 : i32
    %scan3A_103 = arith.addi %scan3A, %scan3A_102 : i32
    %scan3A_104 = arith.constant 1 : i32
    %scan3A_105:32 = scf.for %scan3A_234 = %scan3A to %scan3A_103 step %scan3A_104 iter_args(%scan3A_235 = %broadcast_in_dim3A_101, %scan3A_236 = %broadcast_in_dim3A_101, %scan3A_237 = %broadcast_in_dim3A_101, %scan3A_238 = %broadcast_in_dim3A_101, %scan3A_239 = %broadcast_in_dim3A_101, %scan3A_240 = %broadcast_in_dim3A_101, %scan3A_241 = %broadcast_in_dim3A_101, %scan3A_242 = %broadcast_in_dim3A_101, %scan3A_243 = %broadcast_in_dim3A_101, %scan3A_244 = %broadcast_in_dim3A_101, %scan3A_245 = %broadcast_in_dim3A_101, %scan3A_246 = %broadcast_in_dim3A_101, %scan3A_247 = %broadcast_in_dim3A_101, %scan3A_248 = %broadcast_in_dim3A_101, %scan3A_249 = %broadcast_in_dim3A_101, %scan3A_250 = %broadcast_in_dim3A_101, %scan3A_251 = %broadcast_in_dim3A_101, %scan3A_252 = %broadcast_in_dim3A_101, %scan3A_253 = %broadcast_in_dim3A_101, %scan3A_254 = %broadcast_in_dim3A_101, %scan3A_255 = %broadcast_in_dim3A_101, %scan3A_256 = %broadcast_in_dim3A_101, %scan3A_257 = %broadcast_in_dim3A_101, %scan3A_258 = %broadcast_in_dim3A_101, %scan3A_259 = %broadcast_in_dim3A_101, %scan3A_260 = %broadcast_in_dim3A_101, %scan3A_261 = %broadcast_in_dim3A_101, %scan3A_262 = %broadcast_in_dim3A_101, %scan3A_263 = %broadcast_in_dim3A_101, %scan3A_264 = %broadcast_in_dim3A_101, %scan3A_265 = %broadcast_in_dim3A_101, %scan3A_266 = %broadcast_in_dim3A_101) -> (vector<16xf32>, vector<16xf32>, vector<16xf32>, vector<16xf32>, vector<16xf32>, vector<16xf32>, vector<16xf32>, vector<16xf32>, vector<16xf32>, vector<16xf32>, vector<16xf32>, vector<16xf32>, vector<16xf32>, vector<16xf32>, vector<16xf32>, vector<16xf32>, vector<16xf32>, vector<16xf32>, vector<16xf32>, vector<16xf32>, vector<16xf32>, vector<16xf32>, vector<16xf32>, vector<16xf32>, vector<16xf32>, vector<16xf32>, vector<16xf32>, vector<16xf32>, vector<16xf32>, vector<16xf32>, vector<16xf32>, vector<16xf32>)  : i32 {
      %mul3A_267 = arith.constant 16 : i32
      %mul3A_268 = arith.muli %scan3A_234, %mul3A_267 : i32
      %get3A = arith.index_cast %mul3A_268 : i32 to index
      %get3A_269 = tpu.vector_load %arg4[%get3A] {strides = array<i32>} : memref<128xi32, #tpu.memory_space<vmem>>, vector<16xi32>,
      %get3A_270 = vector.shape_cast %get3A_269 : vector<16xi32> to vector<16xi32>
      %slice3A = vector.extract_strided_slice %get3A_270 {offsets = [0], sizes = [1], strides = [1]} : vector<16xi32> to vector<1xi32>
      %squeeze3A = vector.extract %slice3A[0] : i32 from vector<1xi32>
      %broadcast_in_dim3A_271 = vector.broadcast %squeeze3A : i32 to vector<16xi32>
      %eq3A = arith.cmpi eq, %add3A_5, %broadcast_in_dim3A_271 : vector<16xi32>
      %select_n3A = arith.select %eq3A, %broadcast_in_dim3A_99, %broadcast_in_dim3A_101 : vector<16xi1>, vector<16xf32>
      %add3A_272 = arith.addf %scan3A_235, %select_n3A : vector<16xf32>
      %eq3A_273 = arith.cmpi eq, %add3A_8, %broadcast_in_dim3A_271 : vector<16xi32>
      %select_n3A_274 = arith.select %eq3A_273, %broadcast_in_dim3A_99, %broadcast_in_dim3A_101 : vector<16xi1>, vector<16xf32>
      %add3A_275 = arith.addf %scan3A_236, %select_n3A_274 : vector<16xf32>
      %eq3A_276 = arith.cmpi eq, %add3A_11, %broadcast_in_dim3A_271 : vector<16xi32>
      %select_n3A_277 = arith.select %eq3A_276, %broadcast_in_dim3A_99, %broadcast_in_dim3A_101 : vector<16xi1>, vector<16xf32>
      %add3A_278 = arith.addf %scan3A_237, %select_n3A_277 : vector<16xf32>
      %eq3A_279 = arith.cmpi eq, %add3A_14, %broadcast_in_dim3A_271 : vector<16xi32>
      %select_n3A_280 = arith.select %eq3A_279, %broadcast_in_dim3A_99, %broadcast_in_dim3A_101 : vector<16xi1>, vector<16xf32>
      %add3A_281 = arith.addf %scan3A_238, %select_n3A_280 : vector<16xf32>
      %eq3A_282 = arith.cmpi eq, %add3A_17, %broadcast_in_dim3A_271 : vector<16xi32>
      %select_n3A_283 = arith.select %eq3A_282, %broadcast_in_dim3A_99, %broadcast_in_dim3A_101 : vector<16xi1>, vector<16xf32>
      %add3A_284 = arith.addf %scan3A_239, %select_n3A_283 : vector<16xf32>
      %eq3A_285 = arith.cmpi eq, %add3A_20, %broadcast_in_dim3A_271 : vector<16xi32>
      %select_n3A_286 = arith.select %eq3A_285, %broadcast_in_dim3A_99, %broadcast_in_dim3A_101 : vector<16xi1>, vector<16xf32>
      %add3A_287 = arith.addf %scan3A_240, %select_n3A_286 : vector<16xf32>
      %eq3A_288 = arith.cmpi eq, %add3A_23, %broadcast_in_dim3A_271 : vector<16xi32>
      %select_n3A_289 = arith.select %eq3A_288, %broadcast_in_dim3A_99, %broadcast_in_dim3A_101 : vector<16xi1>, vector<16xf32>
      %add3A_290 = arith.addf %scan3A_241, %select_n3A_289 : vector<16xf32>
      %eq3A_291 = arith.cmpi eq, %add3A_26, %broadcast_in_dim3A_271 : vector<16xi32>
      %select_n3A_292 = arith.select %eq3A_291, %broadcast_in_dim3A_99, %broadcast_in_dim3A_101 : vector<16xi1>, vector<16xf32>
      %add3A_293 = arith.addf %scan3A_242, %select_n3A_292 : vector<16xf32>
      %eq3A_294 = arith.cmpi eq, %add3A_29, %broadcast_in_dim3A_271 : vector<16xi32>
      %select_n3A_295 = arith.select %eq3A_294, %broadcast_in_dim3A_99, %broadcast_in_dim3A_101 : vector<16xi1>, vector<16xf32>
      %add3A_296 = arith.addf %scan3A_243, %select_n3A_295 : vector<16xf32>
      %eq3A_297 = arith.cmpi eq, %add3A_32, %broadcast_in_dim3A_271 : vector<16xi32>
      %select_n3A_298 = arith.select %eq3A_297, %broadcast_in_dim3A_99, %broadcast_in_dim3A_101 : vector<16xi1>, vector<16xf32>
      %add3A_299 = arith.addf %scan3A_244, %select_n3A_298 : vector<16xf32>
      %eq3A_300 = arith.cmpi eq, %add3A_35, %broadcast_in_dim3A_271 : vector<16xi32>
      %select_n3A_301 = arith.select %eq3A_300, %broadcast_in_dim3A_99, %broadcast_in_dim3A_101 : vector<16xi1>, vector<16xf32>
      %add3A_302 = arith.addf %scan3A_245, %select_n3A_301 : vector<16xf32>
      %eq3A_303 = arith.cmpi eq, %add3A_38, %broadcast_in_dim3A_271 : vector<16xi32>
      %select_n3A_304 = arith.select %eq3A_303, %broadcast_in_dim3A_99, %broadcast_in_dim3A_101 : vector<16xi1>, vector<16xf32>
      %add3A_305 = arith.addf %scan3A_246, %select_n3A_304 : vector<16xf32>
      %eq3A_306 = arith.cmpi eq, %add3A_41, %broadcast_in_dim3A_271 : vector<16xi32>
      %select_n3A_307 = arith.select %eq3A_306, %broadcast_in_dim3A_99, %broadcast_in_dim3A_101 : vector<16xi1>, vector<16xf32>
      %add3A_308 = arith.addf %scan3A_247, %select_n3A_307 : vector<16xf32>
      %eq3A_309 = arith.cmpi eq, %add3A_44, %broadcast_in_dim3A_271 : vector<16xi32>
      %select_n3A_310 = arith.select %eq3A_309, %broadcast_in_dim3A_99, %broadcast_in_dim3A_101 : vector<16xi1>, vector<16xf32>
      %add3A_311 = arith.addf %scan3A_248, %select_n3A_310 : vector<16xf32>
      %eq3A_312 = arith.cmpi eq, %add3A_47, %broadcast_in_dim3A_271 : vector<16xi32>
      %select_n3A_313 = arith.select %eq3A_312, %broadcast_in_dim3A_99, %broadcast_in_dim3A_101 : vector<16xi1>, vector<16xf32>
      %add3A_314 = arith.addf %scan3A_249, %select_n3A_313 : vector<16xf32>
      %eq3A_315 = arith.cmpi eq, %add3A_50, %broadcast_in_dim3A_271 : vector<16xi32>
      %select_n3A_316 = arith.select %eq3A_315, %broadcast_in_dim3A_99, %broadcast_in_dim3A_101 : vector<16xi1>, vector<16xf32>
      %add3A_317 = arith.addf %scan3A_250, %select_n3A_316 : vector<16xf32>
      %eq3A_318 = arith.cmpi eq, %add3A_53, %broadcast_in_dim3A_271 : vector<16xi32>
      %select_n3A_319 = arith.select %eq3A_318, %broadcast_in_dim3A_99, %broadcast_in_dim3A_101 : vector<16xi1>, vector<16xf32>
      %add3A_320 = arith.addf %scan3A_251, %select_n3A_319 : vector<16xf32>
      %eq3A_321 = arith.cmpi eq, %add3A_56, %broadcast_in_dim3A_271 : vector<16xi32>
      %select_n3A_322 = arith.select %eq3A_321, %broadcast_in_dim3A_99, %broadcast_in_dim3A_101 : vector<16xi1>, vector<16xf32>
      %add3A_323 = arith.addf %scan3A_252, %select_n3A_322 : vector<16xf32>
      %eq3A_324 = arith.cmpi eq, %add3A_59, %broadcast_in_dim3A_271 : vector<16xi32>
      %select_n3A_325 = arith.select %eq3A_324, %broadcast_in_dim3A_99, %broadcast_in_dim3A_101 : vector<16xi1>, vector<16xf32>
      %add3A_326 = arith.addf %scan3A_253, %select_n3A_325 : vector<16xf32>
      %eq3A_327 = arith.cmpi eq, %add3A_62, %broadcast_in_dim3A_271 : vector<16xi32>
      %select_n3A_328 = arith.select %eq3A_327, %broadcast_in_dim3A_99, %broadcast_in_dim3A_101 : vector<16xi1>, vector<16xf32>
      %add3A_329 = arith.addf %scan3A_254, %select_n3A_328 : vector<16xf32>
      %eq3A_330 = arith.cmpi eq, %add3A_65, %broadcast_in_dim3A_271 : vector<16xi32>
      %select_n3A_331 = arith.select %eq3A_330, %broadcast_in_dim3A_99, %broadcast_in_dim3A_101 : vector<16xi1>, vector<16xf32>
      %add3A_332 = arith.addf %scan3A_255, %select_n3A_331 : vector<16xf32>
      %eq3A_333 = arith.cmpi eq, %add3A_68, %broadcast_in_dim3A_271 : vector<16xi32>
      %select_n3A_334 = arith.select %eq3A_333, %broadcast_in_dim3A_99, %broadcast_in_dim3A_101 : vector<16xi1>, vector<16xf32>
      %add3A_335 = arith.addf %scan3A_256, %select_n3A_334 : vector<16xf32>
      %eq3A_336 = arith.cmpi eq, %add3A_71, %broadcast_in_dim3A_271 : vector<16xi32>
      %select_n3A_337 = arith.select %eq3A_336, %broadcast_in_dim3A_99, %broadcast_in_dim3A_101 : vector<16xi1>, vector<16xf32>
      %add3A_338 = arith.addf %scan3A_257, %select_n3A_337 : vector<16xf32>
      %eq3A_339 = arith.cmpi eq, %add3A_74, %broadcast_in_dim3A_271 : vector<16xi32>
      %select_n3A_340 = arith.select %eq3A_339, %broadcast_in_dim3A_99, %broadcast_in_dim3A_101 : vector<16xi1>, vector<16xf32>
      %add3A_341 = arith.addf %scan3A_258, %select_n3A_340 : vector<16xf32>
      %eq3A_342 = arith.cmpi eq, %add3A_77, %broadcast_in_dim3A_271 : vector<16xi32>
      %select_n3A_343 = arith.select %eq3A_342, %broadcast_in_dim3A_99, %broadcast_in_dim3A_101 : vector<16xi1>, vector<16xf32>
      %add3A_344 = arith.addf %scan3A_259, %select_n3A_343 : vector<16xf32>
      %eq3A_345 = arith.cmpi eq, %add3A_80, %broadcast_in_dim3A_271 : vector<16xi32>
      %select_n3A_346 = arith.select %eq3A_345, %broadcast_in_dim3A_99, %broadcast_in_dim3A_101 : vector<16xi1>, vector<16xf32>
      %add3A_347 = arith.addf %scan3A_260, %select_n3A_346 : vector<16xf32>
      %eq3A_348 = arith.cmpi eq, %add3A_83, %broadcast_in_dim3A_271 : vector<16xi32>
      %select_n3A_349 = arith.select %eq3A_348, %broadcast_in_dim3A_99, %broadcast_in_dim3A_101 : vector<16xi1>, vector<16xf32>
      %add3A_350 = arith.addf %scan3A_261, %select_n3A_349 : vector<16xf32>
      %eq3A_351 = arith.cmpi eq, %add3A_86, %broadcast_in_dim3A_271 : vector<16xi32>
      %select_n3A_352 = arith.select %eq3A_351, %broadcast_in_dim3A_99, %broadcast_in_dim3A_101 : vector<16xi1>, vector<16xf32>
      %add3A_353 = arith.addf %scan3A_262, %select_n3A_352 : vector<16xf32>
      %eq3A_354 = arith.cmpi eq, %add3A_89, %broadcast_in_dim3A_271 : vector<16xi32>
      %select_n3A_355 = arith.select %eq3A_354, %broadcast_in_dim3A_99, %broadcast_in_dim3A_101 : vector<16xi1>, vector<16xf32>
      %add3A_356 = arith.addf %scan3A_263, %select_n3A_355 : vector<16xf32>
      %eq3A_357 = arith.cmpi eq, %add3A_92, %broadcast_in_dim3A_271 : vector<16xi32>
      %select_n3A_358 = arith.select %eq3A_357, %broadcast_in_dim3A_99, %broadcast_in_dim3A_101 : vector<16xi1>, vector<16xf32>
      %add3A_359 = arith.addf %scan3A_264, %select_n3A_358 : vector<16xf32>
      %eq3A_360 = arith.cmpi eq, %add3A_95, %broadcast_in_dim3A_271 : vector<16xi32>
      %select_n3A_361 = arith.select %eq3A_360, %broadcast_in_dim3A_99, %broadcast_in_dim3A_101 : vector<16xi1>, vector<16xf32>
      %add3A_362 = arith.addf %scan3A_265, %select_n3A_361 : vector<16xf32>
      %eq3A_363 = arith.cmpi eq, %add3A_98, %broadcast_in_dim3A_271 : vector<16xi32>
      %select_n3A_364 = arith.select %eq3A_363, %broadcast_in_dim3A_99, %broadcast_in_dim3A_101 : vector<16xi1>, vector<16xf32>
      %add3A_365 = arith.addf %scan3A_266, %select_n3A_364 : vector<16xf32>
      %slice3A_366 = vector.extract_strided_slice %get3A_270 {offsets = [1], sizes = [1], strides = [1]} : vector<16xi32> to vector<1xi32>
      %squeeze3A_367 = vector.extract %slice3A_366[0] : i32 from vector<1xi32>
      %broadcast_in_dim3A_368 = vector.broadcast %squeeze3A_367 : i32 to vector<16xi32>
      %eq3A_369 = arith.cmpi eq, %add3A_5, %broadcast_in_dim3A_368 : vector<16xi32>
      %select_n3A_370 = arith.select %eq3A_369, %broadcast_in_dim3A_99, %broadcast_in_dim3A_101 : vector<16xi1>, vector<16xf32>
      %add3A_371 = arith.addf %add3A_272, %select_n3A_370 : vector<16xf32>
      %eq3A_372 = arith.cmpi eq, %add3A_8, %broadcast_in_dim3A_368 : vector<16xi32>
      %select_n3A_373 = arith.select %eq3A_372, %broadcast_in_dim3A_99, %broadcast_in_dim3A_101 : vector<16xi1>, vector<16xf32>
      %add3A_374 = arith.addf %add3A_275, %select_n3A_373 : vector<16xf32>
      %eq3A_375 = arith.cmpi eq, %add3A_11, %broadcast_in_dim3A_368 : vector<16xi32>
      %select_n3A_376 = arith.select %eq3A_375, %broadcast_in_dim3A_99, %broadcast_in_dim3A_101 : vector<16xi1>, vector<16xf32>
      %add3A_377 = arith.addf %add3A_278, %select_n3A_376 : vector<16xf32>
      %eq3A_378 = arith.cmpi eq, %add3A_14, %broadcast_in_dim3A_368 : vector<16xi32>
      %select_n3A_379 = arith.select %eq3A_378, %broadcast_in_dim3A_99, %broadcast_in_dim3A_101 : vector<16xi1>, vector<16xf32>
      %add3A_380 = arith.addf %add3A_281, %select_n3A_379 : vector<16xf32>
      %eq3A_381 = arith.cmpi eq, %add3A_17, %broadcast_in_dim3A_368 : vector<16xi32>
      %select_n3A_382 = arith.select %eq3A_381, %broadcast_in_dim3A_99, %broadcast_in_dim3A_101 : vector<16xi1>, vector<16xf32>
      %add3A_383 = arith.addf %add3A_284, %select_n3A_382 : vector<16xf32>
      %eq3A_384 = arith.cmpi eq, %add3A_20, %broadcast_in_dim3A_368 : vector<16xi32>
      %select_n3A_385 = arith.select %eq3A_384, %broadcast_in_dim3A_99, %broadcast_in_dim3A_101 : vector<16xi1>, vector<16xf32>
      %add3A_386 = arith.addf %add3A_287, %select_n3A_385 : vector<16xf32>
      %eq3A_387 = arith.cmpi eq, %add3A_23, %broadcast_in_dim3A_368 : vector<16xi32>
      %select_n3A_388 = arith.select %eq3A_387, %broadcast_in_dim3A_99, %broadcast_in_dim3A_101 : vector<16xi1>, vector<16xf32>
      %add3A_389 = arith.addf %add3A_290, %select_n3A_388 : vector<16xf32>
      %eq3A_390 = arith.cmpi eq, %add3A_26, %broadcast_in_dim3A_368 : vector<16xi32>
      %select_n3A_391 = arith.select %eq3A_390, %broadcast_in_dim3A_99, %broadcast_in_dim3A_101 : vector<16xi1>, vector<16xf32>
      %add3A_392 = arith.addf %add3A_293, %select_n3A_391 : vector<16xf32>
      %eq3A_393 = arith.cmpi eq, %add3A_29, %broadcast_in_dim3A_368 : vector<16xi32>
      %select_n3A_394 = arith.select %eq3A_393, %broadcast_in_dim3A_99, %broadcast_in_dim3A_101 : vector<16xi1>, vector<16xf32>
      %add3A_395 = arith.addf %add3A_296, %select_n3A_394 : vector<16xf32>
      %eq3A_396 = arith.cmpi eq, %add3A_32, %broadcast_in_dim3A_368 : vector<16xi32>
      %select_n3A_397 = arith.select %eq3A_396, %broadcast_in_dim3A_99, %broadcast_in_dim3A_101 : vector<16xi1>, vector<16xf32>
      %add3A_398 = arith.addf %add3A_299, %select_n3A_397 : vector<16xf32>
      %eq3A_399 = arith.cmpi eq, %add3A_35, %broadcast_in_dim3A_368 : vector<16xi32>
      %select_n3A_400 = arith.select %eq3A_399, %broadcast_in_dim3A_99, %broadcast_in_dim3A_101 : vector<16xi1>, vector<16xf32>
      %add3A_401 = arith.addf %add3A_302, %select_n3A_400 : vector<16xf32>
      %eq3A_402 = arith.cmpi eq, %add3A_38, %broadcast_in_dim3A_368 : vector<16xi32>
      %select_n3A_403 = arith.select %eq3A_402, %broadcast_in_dim3A_99, %broadcast_in_dim3A_101 : vector<16xi1>, vector<16xf32>
      %add3A_404 = arith.addf %add3A_305, %select_n3A_403 : vector<16xf32>
      %eq3A_405 = arith.cmpi eq, %add3A_41, %broadcast_in_dim3A_368 : vector<16xi32>
      %select_n3A_406 = arith.select %eq3A_405, %broadcast_in_dim3A_99, %broadcast_in_dim3A_101 : vector<16xi1>, vector<16xf32>
      %add3A_407 = arith.addf %add3A_308, %select_n3A_406 : vector<16xf32>
      %eq3A_408 = arith.cmpi eq, %add3A_44, %broadcast_in_dim3A_368 : vector<16xi32>
      %select_n3A_409 = arith.select %eq3A_408, %broadcast_in_dim3A_99, %broadcast_in_dim3A_101 : vector<16xi1>, vector<16xf32>
      %add3A_410 = arith.addf %add3A_311, %select_n3A_409 : vector<16xf32>
      %eq3A_411 = arith.cmpi eq, %add3A_47, %broadcast_in_dim3A_368 : vector<16xi32>
      %select_n3A_412 = arith.select %eq3A_411, %broadcast_in_dim3A_99, %broadcast_in_dim3A_101 : vector<16xi1>, vector<16xf32>
      %add3A_413 = arith.addf %add3A_314, %select_n3A_412 : vector<16xf32>
      %eq3A_414 = arith.cmpi eq, %add3A_50, %broadcast_in_dim3A_368 : vector<16xi32>
      %select_n3A_415 = arith.select %eq3A_414, %broadcast_in_dim3A_99, %broadcast_in_dim3A_101 : vector<16xi1>, vector<16xf32>
      %add3A_416 = arith.addf %add3A_317, %select_n3A_415 : vector<16xf32>
      %eq3A_417 = arith.cmpi eq, %add3A_53, %broadcast_in_dim3A_368 : vector<16xi32>
      %select_n3A_418 = arith.select %eq3A_417, %broadcast_in_dim3A_99, %broadcast_in_dim3A_101 : vector<16xi1>, vector<16xf32>
      %add3A_419 = arith.addf %add3A_320, %select_n3A_418 : vector<16xf32>
      %eq3A_420 = arith.cmpi eq, %add3A_56, %broadcast_in_dim3A_368 : vector<16xi32>
      %select_n3A_421 = arith.select %eq3A_420, %broadcast_in_dim3A_99, %broadcast_in_dim3A_101 : vector<16xi1>, vector<16xf32>
      %add3A_422 = arith.addf %add3A_323, %select_n3A_421 : vector<16xf32>
      %eq3A_423 = arith.cmpi eq, %add3A_59, %broadcast_in_dim3A_368 : vector<16xi32>
      %select_n3A_424 = arith.select %eq3A_423, %broadcast_in_dim3A_99, %broadcast_in_dim3A_101 : vector<16xi1>, vector<16xf32>
      %add3A_425 = arith.addf %add3A_326, %select_n3A_424 : vector<16xf32>
      %eq3A_426 = arith.cmpi eq, %add3A_62, %broadcast_in_dim3A_368 : vector<16xi32>
      %select_n3A_427 = arith.select %eq3A_426, %broadcast_in_dim3A_99, %broadcast_in_dim3A_101 : vector<16xi1>, vector<16xf32>
      %add3A_428 = arith.addf %add3A_329, %select_n3A_427 : vector<16xf32>
      %eq3A_429 = arith.cmpi eq, %add3A_65, %broadcast_in_dim3A_368 : vector<16xi32>
      %select_n3A_430 = arith.select %eq3A_429, %broadcast_in_dim3A_99, %broadcast_in_dim3A_101 : vector<16xi1>, vector<16xf32>
      %add3A_431 = arith.addf %add3A_332, %select_n3A_430 : vector<16xf32>
      %eq3A_432 = arith.cmpi eq, %add3A_68, %broadcast_in_dim3A_368 : vector<16xi32>
      %select_n3A_433 = arith.select %eq3A_432, %broadcast_in_dim3A_99, %broadcast_in_dim3A_101 : vector<16xi1>, vector<16xf32>
      %add3A_434 = arith.addf %add3A_335, %select_n3A_433 : vector<16xf32>
      %eq3A_435 = arith.cmpi eq, %add3A_71, %broadcast_in_dim3A_368 : vector<16xi32>
      %select_n3A_436 = arith.select %eq3A_435, %broadcast_in_dim3A_99, %broadcast_in_dim3A_101 : vector<16xi1>, vector<16xf32>
      %add3A_437 = arith.addf %add3A_338, %select_n3A_436 : vector<16xf32>
      %eq3A_438 = arith.cmpi eq, %add3A_74, %broadcast_in_dim3A_368 : vector<16xi32>
      %select_n3A_439 = arith.select %eq3A_438, %broadcast_in_dim3A_99, %broadcast_in_dim3A_101 : vector<16xi1>, vector<16xf32>
      %add3A_440 = arith.addf %add3A_341, %select_n3A_439 : vector<16xf32>
      %eq3A_441 = arith.cmpi eq, %add3A_77, %broadcast_in_dim3A_368 : vector<16xi32>
      %select_n3A_442 = arith.select %eq3A_441, %broadcast_in_dim3A_99, %broadcast_in_dim3A_101 : vector<16xi1>, vector<16xf32>
      %add3A_443 = arith.addf %add3A_344, %select_n3A_442 : vector<16xf32>
      %eq3A_444 = arith.cmpi eq, %add3A_80, %broadcast_in_dim3A_368 : vector<16xi32>
      %select_n3A_445 = arith.select %eq3A_444, %broadcast_in_dim3A_99, %broadcast_in_dim3A_101 : vector<16xi1>, vector<16xf32>
      %add3A_446 = arith.addf %add3A_347, %select_n3A_445 : vector<16xf32>
      %eq3A_447 = arith.cmpi eq, %add3A_83, %broadcast_in_dim3A_368 : vector<16xi32>
      %select_n3A_448 = arith.select %eq3A_447, %broadcast_in_dim3A_99, %broadcast_in_dim3A_101 : vector<16xi1>, vector<16xf32>
      %add3A_449 = arith.addf %add3A_350, %select_n3A_448 : vector<16xf32>
      %eq3A_450 = arith.cmpi eq, %add3A_86, %broadcast_in_dim3A_368 : vector<16xi32>
      %select_n3A_451 = arith.select %eq3A_450, %broadcast_in_dim3A_99, %broadcast_in_dim3A_101 : vector<16xi1>, vector<16xf32>
      %add3A_452 = arith.addf %add3A_353, %select_n3A_451 : vector<16xf32>
      %eq3A_453 = arith.cmpi eq, %add3A_89, %broadcast_in_dim3A_368 : vector<16xi32>
      %select_n3A_454 = arith.select %eq3A_453, %broadcast_in_dim3A_99, %broadcast_in_dim3A_101 : vector<16xi1>, vector<16xf32>
      %add3A_455 = arith.addf %add3A_356, %select_n3A_454 : vector<16xf32>
      %eq3A_456 = arith.cmpi eq, %add3A_92, %broadcast_in_dim3A_368 : vector<16xi32>
      %select_n3A_457 = arith.select %eq3A_456, %broadcast_in_dim3A_99, %broadcast_in_dim3A_101 : vector<16xi1>, vector<16xf32>
      %add3A_458 = arith.addf %add3A_359, %select_n3A_457 : vector<16xf32>
      %eq3A_459 = arith.cmpi eq, %add3A_95, %broadcast_in_dim3A_368 : vector<16xi32>
      %select_n3A_460 = arith.select %eq3A_459, %broadcast_in_dim3A_99, %broadcast_in_dim3A_101 : vector<16xi1>, vector<16xf32>
      %add3A_461 = arith.addf %add3A_362, %select_n3A_460 : vector<16xf32>
      %eq3A_462 = arith.cmpi eq, %add3A_98, %broadcast_in_dim3A_368 : vector<16xi32>
      %select_n3A_463 = arith.select %eq3A_462, %broadcast_in_dim3A_99, %broadcast_in_dim3A_101 : vector<16xi1>, vector<16xf32>
      %add3A_464 = arith.addf %add3A_365, %select_n3A_463 : vector<16xf32>
      %slice3A_465 = vector.extract_strided_slice %get3A_270 {offsets = [2], sizes = [1], strides = [1]} : vector<16xi32> to vector<1xi32>
      %squeeze3A_466 = vector.extract %slice3A_465[0] : i32 from vector<1xi32>
      %broadcast_in_dim3A_467 = vector.broadcast %squeeze3A_466 : i32 to vector<16xi32>
      %eq3A_468 = arith.cmpi eq, %add3A_5, %broadcast_in_dim3A_467 : vector<16xi32>
      %select_n3A_469 = arith.select %eq3A_468, %broadcast_in_dim3A_99, %broadcast_in_dim3A_101 : vector<16xi1>, vector<16xf32>
      %add3A_470 = arith.addf %add3A_371, %select_n3A_469 : vector<16xf32>
      %eq3A_471 = arith.cmpi eq, %add3A_8, %broadcast_in_dim3A_467 : vector<16xi32>
      %select_n3A_472 = arith.select %eq3A_471, %broadcast_in_dim3A_99, %broadcast_in_dim3A_101 : vector<16xi1>, vector<16xf32>
      %add3A_473 = arith.addf %add3A_374, %select_n3A_472 : vector<16xf32>
      %eq3A_474 = arith.cmpi eq, %add3A_11, %broadcast_in_dim3A_467 : vector<16xi32>
      %select_n3A_475 = arith.select %eq3A_474, %broadcast_in_dim3A_99, %broadcast_in_dim3A_101 : vector<16xi1>, vector<16xf32>
      %add3A_476 = arith.addf %add3A_377, %select_n3A_475 : vector<16xf32>
      %eq3A_477 = arith.cmpi eq, %add3A_14, %broadcast_in_dim3A_467 : vector<16xi32>
      %select_n3A_478 = arith.select %eq3A_477, %broadcast_in_dim3A_99, %broadcast_in_dim3A_101 : vector<16xi1>, vector<16xf32>
      %add3A_479 = arith.addf %add3A_380, %select_n3A_478 : vector<16xf32>
      %eq3A_480 = arith.cmpi eq, %add3A_17, %broadcast_in_dim3A_467 : vector<16xi32>
      %select_n3A_481 = arith.select %eq3A_480, %broadcast_in_dim3A_99, %broadcast_in_dim3A_101 : vector<16xi1>, vector<16xf32>
      %add3A_482 = arith.addf %add3A_383, %select_n3A_481 : vector<16xf32>
      %eq3A_483 = arith.cmpi eq, %add3A_20, %broadcast_in_dim3A_467 : vector<16xi32>
      %select_n3A_484 = arith.select %eq3A_483, %broadcast_in_dim3A_99, %broadcast_in_dim3A_101 : vector<16xi1>, vector<16xf32>
      %add3A_485 = arith.addf %add3A_386, %select_n3A_484 : vector<16xf32>
      %eq3A_486 = arith.cmpi eq, %add3A_23, %broadcast_in_dim3A_467 : vector<16xi32>
      %select_n3A_487 = arith.select %eq3A_486, %broadcast_in_dim3A_99, %broadcast_in_dim3A_101 : vector<16xi1>, vector<16xf32>
      %add3A_488 = arith.addf %add3A_389, %select_n3A_487 : vector<16xf32>
      %eq3A_489 = arith.cmpi eq, %add3A_26, %broadcast_in_dim3A_467 : vector<16xi32>
      %select_n3A_490 = arith.select %eq3A_489, %broadcast_in_dim3A_99, %broadcast_in_dim3A_101 : vector<16xi1>, vector<16xf32>
      %add3A_491 = arith.addf %add3A_392, %select_n3A_490 : vector<16xf32>
      %eq3A_492 = arith.cmpi eq, %add3A_29, %broadcast_in_dim3A_467 : vector<16xi32>
      %select_n3A_493 = arith.select %eq3A_492, %broadcast_in_dim3A_99, %broadcast_in_dim3A_101 : vector<16xi1>, vector<16xf32>
      %add3A_494 = arith.addf %add3A_395, %select_n3A_493 : vector<16xf32>
      %eq3A_495 = arith.cmpi eq, %add3A_32, %broadcast_in_dim3A_467 : vector<16xi32>
      %select_n3A_496 = arith.select %eq3A_495, %broadcast_in_dim3A_99, %broadcast_in_dim3A_101 : vector<16xi1>, vector<16xf32>
      %add3A_497 = arith.addf %add3A_398, %select_n3A_496 : vector<16xf32>
      %eq3A_498 = arith.cmpi eq, %add3A_35, %broadcast_in_dim3A_467 : vector<16xi32>
      %select_n3A_499 = arith.select %eq3A_498, %broadcast_in_dim3A_99, %broadcast_in_dim3A_101 : vector<16xi1>, vector<16xf32>
      %add3A_500 = arith.addf %add3A_401, %select_n3A_499 : vector<16xf32>
      %eq3A_501 = arith.cmpi eq, %add3A_38, %broadcast_in_dim3A_467 : vector<16xi32>
      %select_n3A_502 = arith.select %eq3A_501, %broadcast_in_dim3A_99, %broadcast_in_dim3A_101 : vector<16xi1>, vector<16xf32>
      %add3A_503 = arith.addf %add3A_404, %select_n3A_502 : vector<16xf32>
      %eq3A_504 = arith.cmpi eq, %add3A_41, %broadcast_in_dim3A_467 : vector<16xi32>
      %select_n3A_505 = arith.select %eq3A_504, %broadcast_in_dim3A_99, %broadcast_in_dim3A_101 : vector<16xi1>, vector<16xf32>
      %add3A_506 = arith.addf %add3A_407, %select_n3A_505 : vector<16xf32>
      %eq3A_507 = arith.cmpi eq, %add3A_44, %broadcast_in_dim3A_467 : vector<16xi32>
      %select_n3A_508 = arith.select %eq3A_507, %broadcast_in_dim3A_99, %broadcast_in_dim3A_101 : vector<16xi1>, vector<16xf32>
      %add3A_509 = arith.addf %add3A_410, %select_n3A_508 : vector<16xf32>
      %eq3A_510 = arith.cmpi eq, %add3A_47, %broadcast_in_dim3A_467 : vector<16xi32>
      %select_n3A_511 = arith.select %eq3A_510, %broadcast_in_dim3A_99, %broadcast_in_dim3A_101 : vector<16xi1>, vector<16xf32>
      %add3A_512 = arith.addf %add3A_413, %select_n3A_511 : vector<16xf32>
      %eq3A_513 = arith.cmpi eq, %add3A_50, %broadcast_in_dim3A_467 : vector<16xi32>
      %select_n3A_514 = arith.select %eq3A_513, %broadcast_in_dim3A_99, %broadcast_in_dim3A_101 : vector<16xi1>, vector<16xf32>
      %add3A_515 = arith.addf %add3A_416, %select_n3A_514 : vector<16xf32>
      %eq3A_516 = arith.cmpi eq, %add3A_53, %broadcast_in_dim3A_467 : vector<16xi32>
      %select_n3A_517 = arith.select %eq3A_516, %broadcast_in_dim3A_99, %broadcast_in_dim3A_101 : vector<16xi1>, vector<16xf32>
      %add3A_518 = arith.addf %add3A_419, %select_n3A_517 : vector<16xf32>
      %eq3A_519 = arith.cmpi eq, %add3A_56, %broadcast_in_dim3A_467 : vector<16xi32>
      %select_n3A_520 = arith.select %eq3A_519, %broadcast_in_dim3A_99, %broadcast_in_dim3A_101 : vector<16xi1>, vector<16xf32>
      %add3A_521 = arith.addf %add3A_422, %select_n3A_520 : vector<16xf32>
      %eq3A_522 = arith.cmpi eq, %add3A_59, %broadcast_in_dim3A_467 : vector<16xi32>
      %select_n3A_523 = arith.select %eq3A_522, %broadcast_in_dim3A_99, %broadcast_in_dim3A_101 : vector<16xi1>, vector<16xf32>
      %add3A_524 = arith.addf %add3A_425, %select_n3A_523 : vector<16xf32>
      %eq3A_525 = arith.cmpi eq, %add3A_62, %broadcast_in_dim3A_467 : vector<16xi32>
      %select_n3A_526 = arith.select %eq3A_525, %broadcast_in_dim3A_99, %broadcast_in_dim3A_101 : vector<16xi1>, vector<16xf32>
      %add3A_527 = arith.addf %add3A_428, %select_n3A_526 : vector<16xf32>
      %eq3A_528 = arith.cmpi eq, %add3A_65, %broadcast_in_dim3A_467 : vector<16xi32>
      %select_n3A_529 = arith.select %eq3A_528, %broadcast_in_dim3A_99, %broadcast_in_dim3A_101 : vector<16xi1>, vector<16xf32>
      %add3A_530 = arith.addf %add3A_431, %select_n3A_529 : vector<16xf32>
      %eq3A_531 = arith.cmpi eq, %add3A_68, %broadcast_in_dim3A_467 : vector<16xi32>
      %select_n3A_532 = arith.select %eq3A_531, %broadcast_in_dim3A_99, %broadcast_in_dim3A_101 : vector<16xi1>, vector<16xf32>
      %add3A_533 = arith.addf %add3A_434, %select_n3A_532 : vector<16xf32>
      %eq3A_534 = arith.cmpi eq, %add3A_71, %broadcast_in_dim3A_467 : vector<16xi32>
      %select_n3A_535 = arith.select %eq3A_534, %broadcast_in_dim3A_99, %broadcast_in_dim3A_101 : vector<16xi1>, vector<16xf32>
      %add3A_536 = arith.addf %add3A_437, %select_n3A_535 : vector<16xf32>
      %eq3A_537 = arith.cmpi eq, %add3A_74, %broadcast_in_dim3A_467 : vector<16xi32>
      %select_n3A_538 = arith.select %eq3A_537, %broadcast_in_dim3A_99, %broadcast_in_dim3A_101 : vector<16xi1>, vector<16xf32>
      %add3A_539 = arith.addf %add3A_440, %select_n3A_538 : vector<16xf32>
      %eq3A_540 = arith.cmpi eq, %add3A_77, %broadcast_in_dim3A_467 : vector<16xi32>
      %select_n3A_541 = arith.select %eq3A_540, %broadcast_in_dim3A_99, %broadcast_in_dim3A_101 : vector<16xi1>, vector<16xf32>
      %add3A_542 = arith.addf %add3A_443, %select_n3A_541 : vector<16xf32>
      %eq3A_543 = arith.cmpi eq, %add3A_80, %broadcast_in_dim3A_467 : vector<16xi32>
      %select_n3A_544 = arith.select %eq3A_543, %broadcast_in_dim3A_99, %broadcast_in_dim3A_101 : vector<16xi1>, vector<16xf32>
      %add3A_545 = arith.addf %add3A_446, %select_n3A_544 : vector<16xf32>
      %eq3A_546 = arith.cmpi eq, %add3A_83, %broadcast_in_dim3A_467 : vector<16xi32>
      %select_n3A_547 = arith.select %eq3A_546, %broadcast_in_dim3A_99, %broadcast_in_dim3A_101 : vector<16xi1>, vector<16xf32>
      %add3A_548 = arith.addf %add3A_449, %select_n3A_547 : vector<16xf32>
      %eq3A_549 = arith.cmpi eq, %add3A_86, %broadcast_in_dim3A_467 : vector<16xi32>
      %select_n3A_550 = arith.select %eq3A_549, %broadcast_in_dim3A_99, %broadcast_in_dim3A_101 : vector<16xi1>, vector<16xf32>
      %add3A_551 = arith.addf %add3A_452, %select_n3A_550 : vector<16xf32>
      %eq3A_552 = arith.cmpi eq, %add3A_89, %broadcast_in_dim3A_467 : vector<16xi32>
      %select_n3A_553 = arith.select %eq3A_552, %broadcast_in_dim3A_99, %broadcast_in_dim3A_101 : vector<16xi1>, vector<16xf32>
      %add3A_554 = arith.addf %add3A_455, %select_n3A_553 : vector<16xf32>
      %eq3A_555 = arith.cmpi eq, %add3A_92, %broadcast_in_dim3A_467 : vector<16xi32>
      %select_n3A_556 = arith.select %eq3A_555, %broadcast_in_dim3A_99, %broadcast_in_dim3A_101 : vector<16xi1>, vector<16xf32>
      %add3A_557 = arith.addf %add3A_458, %select_n3A_556 : vector<16xf32>
      %eq3A_558 = arith.cmpi eq, %add3A_95, %broadcast_in_dim3A_467 : vector<16xi32>
      %select_n3A_559 = arith.select %eq3A_558, %broadcast_in_dim3A_99, %broadcast_in_dim3A_101 : vector<16xi1>, vector<16xf32>
      %add3A_560 = arith.addf %add3A_461, %select_n3A_559 : vector<16xf32>
      %eq3A_561 = arith.cmpi eq, %add3A_98, %broadcast_in_dim3A_467 : vector<16xi32>
      %select_n3A_562 = arith.select %eq3A_561, %broadcast_in_dim3A_99, %broadcast_in_dim3A_101 : vector<16xi1>, vector<16xf32>
      %add3A_563 = arith.addf %add3A_464, %select_n3A_562 : vector<16xf32>
      %slice3A_564 = vector.extract_strided_slice %get3A_270 {offsets = [3], sizes = [1], strides = [1]} : vector<16xi32> to vector<1xi32>
      %squeeze3A_565 = vector.extract %slice3A_564[0] : i32 from vector<1xi32>
      %broadcast_in_dim3A_566 = vector.broadcast %squeeze3A_565 : i32 to vector<16xi32>
      %eq3A_567 = arith.cmpi eq, %add3A_5, %broadcast_in_dim3A_566 : vector<16xi32>
      %select_n3A_568 = arith.select %eq3A_567, %broadcast_in_dim3A_99, %broadcast_in_dim3A_101 : vector<16xi1>, vector<16xf32>
      %add3A_569 = arith.addf %add3A_470, %select_n3A_568 : vector<16xf32>
      %eq3A_570 = arith.cmpi eq, %add3A_8, %broadcast_in_dim3A_566 : vector<16xi32>
      %select_n3A_571 = arith.select %eq3A_570, %broadcast_in_dim3A_99, %broadcast_in_dim3A_101 : vector<16xi1>, vector<16xf32>
      %add3A_572 = arith.addf %add3A_473, %select_n3A_571 : vector<16xf32>
      %eq3A_573 = arith.cmpi eq, %add3A_11, %broadcast_in_dim3A_566 : vector<16xi32>
      %select_n3A_574 = arith.select %eq3A_573, %broadcast_in_dim3A_99, %broadcast_in_dim3A_101 : vector<16xi1>, vector<16xf32>
      %add3A_575 = arith.addf %add3A_476, %select_n3A_574 : vector<16xf32>
      %eq3A_576 = arith.cmpi eq, %add3A_14, %broadcast_in_dim3A_566 : vector<16xi32>
      %select_n3A_577 = arith.select %eq3A_576, %broadcast_in_dim3A_99, %broadcast_in_dim3A_101 : vector<16xi1>, vector<16xf32>
      %add3A_578 = arith.addf %add3A_479, %select_n3A_577 : vector<16xf32>
      %eq3A_579 = arith.cmpi eq, %add3A_17, %broadcast_in_dim3A_566 : vector<16xi32>
      %select_n3A_580 = arith.select %eq3A_579, %broadcast_in_dim3A_99, %broadcast_in_dim3A_101 : vector<16xi1>, vector<16xf32>
      %add3A_581 = arith.addf %add3A_482, %select_n3A_580 : vector<16xf32>
      %eq3A_582 = arith.cmpi eq, %add3A_20, %broadcast_in_dim3A_566 : vector<16xi32>
      %select_n3A_583 = arith.select %eq3A_582, %broadcast_in_dim3A_99, %broadcast_in_dim3A_101 : vector<16xi1>, vector<16xf32>
      %add3A_584 = arith.addf %add3A_485, %select_n3A_583 : vector<16xf32>
      %eq3A_585 = arith.cmpi eq, %add3A_23, %broadcast_in_dim3A_566 : vector<16xi32>
      %select_n3A_586 = arith.select %eq3A_585, %broadcast_in_dim3A_99, %broadcast_in_dim3A_101 : vector<16xi1>, vector<16xf32>
      %add3A_587 = arith.addf %add3A_488, %select_n3A_586 : vector<16xf32>
      %eq3A_588 = arith.cmpi eq, %add3A_26, %broadcast_in_dim3A_566 : vector<16xi32>
      %select_n3A_589 = arith.select %eq3A_588, %broadcast_in_dim3A_99, %broadcast_in_dim3A_101 : vector<16xi1>, vector<16xf32>
      %add3A_590 = arith.addf %add3A_491, %select_n3A_589 : vector<16xf32>
      %eq3A_591 = arith.cmpi eq, %add3A_29, %broadcast_in_dim3A_566 : vector<16xi32>
      %select_n3A_592 = arith.select %eq3A_591, %broadcast_in_dim3A_99, %broadcast_in_dim3A_101 : vector<16xi1>, vector<16xf32>
      %add3A_593 = arith.addf %add3A_494, %select_n3A_592 : vector<16xf32>
      %eq3A_594 = arith.cmpi eq, %add3A_32, %broadcast_in_dim3A_566 : vector<16xi32>
      %select_n3A_595 = arith.select %eq3A_594, %broadcast_in_dim3A_99, %broadcast_in_dim3A_101 : vector<16xi1>, vector<16xf32>
      %add3A_596 = arith.addf %add3A_497, %select_n3A_595 : vector<16xf32>
      %eq3A_597 = arith.cmpi eq, %add3A_35, %broadcast_in_dim3A_566 : vector<16xi32>
      %select_n3A_598 = arith.select %eq3A_597, %broadcast_in_dim3A_99, %broadcast_in_dim3A_101 : vector<16xi1>, vector<16xf32>
      %add3A_599 = arith.addf %add3A_500, %select_n3A_598 : vector<16xf32>
      %eq3A_600 = arith.cmpi eq, %add3A_38, %broadcast_in_dim3A_566 : vector<16xi32>
      %select_n3A_601 = arith.select %eq3A_600, %broadcast_in_dim3A_99, %broadcast_in_dim3A_101 : vector<16xi1>, vector<16xf32>
      %add3A_602 = arith.addf %add3A_503, %select_n3A_601 : vector<16xf32>
      %eq3A_603 = arith.cmpi eq, %add3A_41, %broadcast_in_dim3A_566 : vector<16xi32>
      %select_n3A_604 = arith.select %eq3A_603, %broadcast_in_dim3A_99, %broadcast_in_dim3A_101 : vector<16xi1>, vector<16xf32>
      %add3A_605 = arith.addf %add3A_506, %select_n3A_604 : vector<16xf32>
      %eq3A_606 = arith.cmpi eq, %add3A_44, %broadcast_in_dim3A_566 : vector<16xi32>
      %select_n3A_607 = arith.select %eq3A_606, %broadcast_in_dim3A_99, %broadcast_in_dim3A_101 : vector<16xi1>, vector<16xf32>
      %add3A_608 = arith.addf %add3A_509, %select_n3A_607 : vector<16xf32>
      %eq3A_609 = arith.cmpi eq, %add3A_47, %broadcast_in_dim3A_566 : vector<16xi32>
      %select_n3A_610 = arith.select %eq3A_609, %broadcast_in_dim3A_99, %broadcast_in_dim3A_101 : vector<16xi1>, vector<16xf32>
      %add3A_611 = arith.addf %add3A_512, %select_n3A_610 : vector<16xf32>
      %eq3A_612 = arith.cmpi eq, %add3A_50, %broadcast_in_dim3A_566 : vector<16xi32>
      %select_n3A_613 = arith.select %eq3A_612, %broadcast_in_dim3A_99, %broadcast_in_dim3A_101 : vector<16xi1>, vector<16xf32>
      %add3A_614 = arith.addf %add3A_515, %select_n3A_613 : vector<16xf32>
      %eq3A_615 = arith.cmpi eq, %add3A_53, %broadcast_in_dim3A_566 : vector<16xi32>
      %select_n3A_616 = arith.select %eq3A_615, %broadcast_in_dim3A_99, %broadcast_in_dim3A_101 : vector<16xi1>, vector<16xf32>
      %add3A_617 = arith.addf %add3A_518, %select_n3A_616 : vector<16xf32>
      %eq3A_618 = arith.cmpi eq, %add3A_56, %broadcast_in_dim3A_566 : vector<16xi32>
      %select_n3A_619 = arith.select %eq3A_618, %broadcast_in_dim3A_99, %broadcast_in_dim3A_101 : vector<16xi1>, vector<16xf32>
      %add3A_620 = arith.addf %add3A_521, %select_n3A_619 : vector<16xf32>
      %eq3A_621 = arith.cmpi eq, %add3A_59, %broadcast_in_dim3A_566 : vector<16xi32>
      %select_n3A_622 = arith.select %eq3A_621, %broadcast_in_dim3A_99, %broadcast_in_dim3A_101 : vector<16xi1>, vector<16xf32>
      %add3A_623 = arith.addf %add3A_524, %select_n3A_622 : vector<16xf32>
      %eq3A_624 = arith.cmpi eq, %add3A_62, %broadcast_in_dim3A_566 : vector<16xi32>
      %select_n3A_625 = arith.select %eq3A_624, %broadcast_in_dim3A_99, %broadcast_in_dim3A_101 : vector<16xi1>, vector<16xf32>
      %add3A_626 = arith.addf %add3A_527, %select_n3A_625 : vector<16xf32>
      %eq3A_627 = arith.cmpi eq, %add3A_65, %broadcast_in_dim3A_566 : vector<16xi32>
      %select_n3A_628 = arith.select %eq3A_627, %broadcast_in_dim3A_99, %broadcast_in_dim3A_101 : vector<16xi1>, vector<16xf32>
      %add3A_629 = arith.addf %add3A_530, %select_n3A_628 : vector<16xf32>
      %eq3A_630 = arith.cmpi eq, %add3A_68, %broadcast_in_dim3A_566 : vector<16xi32>
      %select_n3A_631 = arith.select %eq3A_630, %broadcast_in_dim3A_99, %broadcast_in_dim3A_101 : vector<16xi1>, vector<16xf32>
      %add3A_632 = arith.addf %add3A_533, %select_n3A_631 : vector<16xf32>
      %eq3A_633 = arith.cmpi eq, %add3A_71, %broadcast_in_dim3A_566 : vector<16xi32>
      %select_n3A_634 = arith.select %eq3A_633, %broadcast_in_dim3A_99, %broadcast_in_dim3A_101 : vector<16xi1>, vector<16xf32>
      %add3A_635 = arith.addf %add3A_536, %select_n3A_634 : vector<16xf32>
      %eq3A_636 = arith.cmpi eq, %add3A_74, %broadcast_in_dim3A_566 : vector<16xi32>
      %select_n3A_637 = arith.select %eq3A_636, %broadcast_in_dim3A_99, %broadcast_in_dim3A_101 : vector<16xi1>, vector<16xf32>
      %add3A_638 = arith.addf %add3A_539, %select_n3A_637 : vector<16xf32>
      %eq3A_639 = arith.cmpi eq, %add3A_77, %broadcast_in_dim3A_566 : vector<16xi32>
      %select_n3A_640 = arith.select %eq3A_639, %broadcast_in_dim3A_99, %broadcast_in_dim3A_101 : vector<16xi1>, vector<16xf32>
      %add3A_641 = arith.addf %add3A_542, %select_n3A_640 : vector<16xf32>
      %eq3A_642 = arith.cmpi eq, %add3A_80, %broadcast_in_dim3A_566 : vector<16xi32>
      %select_n3A_643 = arith.select %eq3A_642, %broadcast_in_dim3A_99, %broadcast_in_dim3A_101 : vector<16xi1>, vector<16xf32>
      %add3A_644 = arith.addf %add3A_545, %select_n3A_643 : vector<16xf32>
      %eq3A_645 = arith.cmpi eq, %add3A_83, %broadcast_in_dim3A_566 : vector<16xi32>
      %select_n3A_646 = arith.select %eq3A_645, %broadcast_in_dim3A_99, %broadcast_in_dim3A_101 : vector<16xi1>, vector<16xf32>
      %add3A_647 = arith.addf %add3A_548, %select_n3A_646 : vector<16xf32>
      %eq3A_648 = arith.cmpi eq, %add3A_86, %broadcast_in_dim3A_566 : vector<16xi32>
      %select_n3A_649 = arith.select %eq3A_648, %broadcast_in_dim3A_99, %broadcast_in_dim3A_101 : vector<16xi1>, vector<16xf32>
      %add3A_650 = arith.addf %add3A_551, %select_n3A_649 : vector<16xf32>
      %eq3A_651 = arith.cmpi eq, %add3A_89, %broadcast_in_dim3A_566 : vector<16xi32>
      %select_n3A_652 = arith.select %eq3A_651, %broadcast_in_dim3A_99, %broadcast_in_dim3A_101 : vector<16xi1>, vector<16xf32>
      %add3A_653 = arith.addf %add3A_554, %select_n3A_652 : vector<16xf32>
      %eq3A_654 = arith.cmpi eq, %add3A_92, %broadcast_in_dim3A_566 : vector<16xi32>
      %select_n3A_655 = arith.select %eq3A_654, %broadcast_in_dim3A_99, %broadcast_in_dim3A_101 : vector<16xi1>, vector<16xf32>
      %add3A_656 = arith.addf %add3A_557, %select_n3A_655 : vector<16xf32>
      %eq3A_657 = arith.cmpi eq, %add3A_95, %broadcast_in_dim3A_566 : vector<16xi32>
      %select_n3A_658 = arith.select %eq3A_657, %broadcast_in_dim3A_99, %broadcast_in_dim3A_101 : vector<16xi1>, vector<16xf32>
      %add3A_659 = arith.addf %add3A_560, %select_n3A_658 : vector<16xf32>
      %eq3A_660 = arith.cmpi eq, %add3A_98, %broadcast_in_dim3A_566 : vector<16xi32>
      %select_n3A_661 = arith.select %eq3A_660, %broadcast_in_dim3A_99, %broadcast_in_dim3A_101 : vector<16xi1>, vector<16xf32>
      %add3A_662 = arith.addf %add3A_563, %select_n3A_661 : vector<16xf32>
      %slice3A_663 = vector.extract_strided_slice %get3A_270 {offsets = [4], sizes = [1], strides = [1]} : vector<16xi32> to vector<1xi32>
      %squeeze3A_664 = vector.extract %slice3A_663[0] : i32 from vector<1xi32>
      %broadcast_in_dim3A_665 = vector.broadcast %squeeze3A_664 : i32 to vector<16xi32>
      %eq3A_666 = arith.cmpi eq, %add3A_5, %broadcast_in_dim3A_665 : vector<16xi32>
      %select_n3A_667 = arith.select %eq3A_666, %broadcast_in_dim3A_99, %broadcast_in_dim3A_101 : vector<16xi1>, vector<16xf32>
      %add3A_668 = arith.addf %add3A_569, %select_n3A_667 : vector<16xf32>
      %eq3A_669 = arith.cmpi eq, %add3A_8, %broadcast_in_dim3A_665 : vector<16xi32>
      %select_n3A_670 = arith.select %eq3A_669, %broadcast_in_dim3A_99, %broadcast_in_dim3A_101 : vector<16xi1>, vector<16xf32>
      %add3A_671 = arith.addf %add3A_572, %select_n3A_670 : vector<16xf32>
      %eq3A_672 = arith.cmpi eq, %add3A_11, %broadcast_in_dim3A_665 : vector<16xi32>
      %select_n3A_673 = arith.select %eq3A_672, %broadcast_in_dim3A_99, %broadcast_in_dim3A_101 : vector<16xi1>, vector<16xf32>
      %add3A_674 = arith.addf %add3A_575, %select_n3A_673 : vector<16xf32>
      %eq3A_675 = arith.cmpi eq, %add3A_14, %broadcast_in_dim3A_665 : vector<16xi32>
      %select_n3A_676 = arith.select %eq3A_675, %broadcast_in_dim3A_99, %broadcast_in_dim3A_101 : vector<16xi1>, vector<16xf32>
      %add3A_677 = arith.addf %add3A_578, %select_n3A_676 : vector<16xf32>
      %eq3A_678 = arith.cmpi eq, %add3A_17, %broadcast_in_dim3A_665 : vector<16xi32>
      %select_n3A_679 = arith.select %eq3A_678, %broadcast_in_dim3A_99, %broadcast_in_dim3A_101 : vector<16xi1>, vector<16xf32>
      %add3A_680 = arith.addf %add3A_581, %select_n3A_679 : vector<16xf32>
      %eq3A_681 = arith.cmpi eq, %add3A_20, %broadcast_in_dim3A_665 : vector<16xi32>
      %select_n3A_682 = arith.select %eq3A_681, %broadcast_in_dim3A_99, %broadcast_in_dim3A_101 : vector<16xi1>, vector<16xf32>
      %add3A_683 = arith.addf %add3A_584, %select_n3A_682 : vector<16xf32>
      %eq3A_684 = arith.cmpi eq, %add3A_23, %broadcast_in_dim3A_665 : vector<16xi32>
      %select_n3A_685 = arith.select %eq3A_684, %broadcast_in_dim3A_99, %broadcast_in_dim3A_101 : vector<16xi1>, vector<16xf32>
      %add3A_686 = arith.addf %add3A_587, %select_n3A_685 : vector<16xf32>
      %eq3A_687 = arith.cmpi eq, %add3A_26, %broadcast_in_dim3A_665 : vector<16xi32>
      %select_n3A_688 = arith.select %eq3A_687, %broadcast_in_dim3A_99, %broadcast_in_dim3A_101 : vector<16xi1>, vector<16xf32>
      %add3A_689 = arith.addf %add3A_590, %select_n3A_688 : vector<16xf32>
      %eq3A_690 = arith.cmpi eq, %add3A_29, %broadcast_in_dim3A_665 : vector<16xi32>
      %select_n3A_691 = arith.select %eq3A_690, %broadcast_in_dim3A_99, %broadcast_in_dim3A_101 : vector<16xi1>, vector<16xf32>
      %add3A_692 = arith.addf %add3A_593, %select_n3A_691 : vector<16xf32>
      %eq3A_693 = arith.cmpi eq, %add3A_32, %broadcast_in_dim3A_665 : vector<16xi32>
      %select_n3A_694 = arith.select %eq3A_693, %broadcast_in_dim3A_99, %broadcast_in_dim3A_101 : vector<16xi1>, vector<16xf32>
      %add3A_695 = arith.addf %add3A_596, %select_n3A_694 : vector<16xf32>
      %eq3A_696 = arith.cmpi eq, %add3A_35, %broadcast_in_dim3A_665 : vector<16xi32>
      %select_n3A_697 = arith.select %eq3A_696, %broadcast_in_dim3A_99, %broadcast_in_dim3A_101 : vector<16xi1>, vector<16xf32>
      %add3A_698 = arith.addf %add3A_599, %select_n3A_697 : vector<16xf32>
      %eq3A_699 = arith.cmpi eq, %add3A_38, %broadcast_in_dim3A_665 : vector<16xi32>
      %select_n3A_700 = arith.select %eq3A_699, %broadcast_in_dim3A_99, %broadcast_in_dim3A_101 : vector<16xi1>, vector<16xf32>
      %add3A_701 = arith.addf %add3A_602, %select_n3A_700 : vector<16xf32>
      %eq3A_702 = arith.cmpi eq, %add3A_41, %broadcast_in_dim3A_665 : vector<16xi32>
      %select_n3A_703 = arith.select %eq3A_702, %broadcast_in_dim3A_99, %broadcast_in_dim3A_101 : vector<16xi1>, vector<16xf32>
      %add3A_704 = arith.addf %add3A_605, %select_n3A_703 : vector<16xf32>
      %eq3A_705 = arith.cmpi eq, %add3A_44, %broadcast_in_dim3A_665 : vector<16xi32>
      %select_n3A_706 = arith.select %eq3A_705, %broadcast_in_dim3A_99, %broadcast_in_dim3A_101 : vector<16xi1>, vector<16xf32>
      %add3A_707 = arith.addf %add3A_608, %select_n3A_706 : vector<16xf32>
      %eq3A_708 = arith.cmpi eq, %add3A_47, %broadcast_in_dim3A_665 : vector<16xi32>
      %select_n3A_709 = arith.select %eq3A_708, %broadcast_in_dim3A_99, %broadcast_in_dim3A_101 : vector<16xi1>, vector<16xf32>
      %add3A_710 = arith.addf %add3A_611, %select_n3A_709 : vector<16xf32>
      %eq3A_711 = arith.cmpi eq, %add3A_50, %broadcast_in_dim3A_665 : vector<16xi32>
      %select_n3A_712 = arith.select %eq3A_711, %broadcast_in_dim3A_99, %broadcast_in_dim3A_101 : vector<16xi1>, vector<16xf32>
      %add3A_713 = arith.addf %add3A_614, %select_n3A_712 : vector<16xf32>
      %eq3A_714 = arith.cmpi eq, %add3A_53, %broadcast_in_dim3A_665 : vector<16xi32>
      %select_n3A_715 = arith.select %eq3A_714, %broadcast_in_dim3A_99, %broadcast_in_dim3A_101 : vector<16xi1>, vector<16xf32>
      %add3A_716 = arith.addf %add3A_617, %select_n3A_715 : vector<16xf32>
      %eq3A_717 = arith.cmpi eq, %add3A_56, %broadcast_in_dim3A_665 : vector<16xi32>
      %select_n3A_718 = arith.select %eq3A_717, %broadcast_in_dim3A_99, %broadcast_in_dim3A_101 : vector<16xi1>, vector<16xf32>
      %add3A_719 = arith.addf %add3A_620, %select_n3A_718 : vector<16xf32>
      %eq3A_720 = arith.cmpi eq, %add3A_59, %broadcast_in_dim3A_665 : vector<16xi32>
      %select_n3A_721 = arith.select %eq3A_720, %broadcast_in_dim3A_99, %broadcast_in_dim3A_101 : vector<16xi1>, vector<16xf32>
      %add3A_722 = arith.addf %add3A_623, %select_n3A_721 : vector<16xf32>
      %eq3A_723 = arith.cmpi eq, %add3A_62, %broadcast_in_dim3A_665 : vector<16xi32>
      %select_n3A_724 = arith.select %eq3A_723, %broadcast_in_dim3A_99, %broadcast_in_dim3A_101 : vector<16xi1>, vector<16xf32>
      %add3A_725 = arith.addf %add3A_626, %select_n3A_724 : vector<16xf32>
      %eq3A_726 = arith.cmpi eq, %add3A_65, %broadcast_in_dim3A_665 : vector<16xi32>
      %select_n3A_727 = arith.select %eq3A_726, %broadcast_in_dim3A_99, %broadcast_in_dim3A_101 : vector<16xi1>, vector<16xf32>
      %add3A_728 = arith.addf %add3A_629, %select_n3A_727 : vector<16xf32>
      %eq3A_729 = arith.cmpi eq, %add3A_68, %broadcast_in_dim3A_665 : vector<16xi32>
      %select_n3A_730 = arith.select %eq3A_729, %broadcast_in_dim3A_99, %broadcast_in_dim3A_101 : vector<16xi1>, vector<16xf32>
      %add3A_731 = arith.addf %add3A_632, %select_n3A_730 : vector<16xf32>
      %eq3A_732 = arith.cmpi eq, %add3A_71, %broadcast_in_dim3A_665 : vector<16xi32>
      %select_n3A_733 = arith.select %eq3A_732, %broadcast_in_dim3A_99, %broadcast_in_dim3A_101 : vector<16xi1>, vector<16xf32>
      %add3A_734 = arith.addf %add3A_635, %select_n3A_733 : vector<16xf32>
      %eq3A_735 = arith.cmpi eq, %add3A_74, %broadcast_in_dim3A_665 : vector<16xi32>
      %select_n3A_736 = arith.select %eq3A_735, %broadcast_in_dim3A_99, %broadcast_in_dim3A_101 : vector<16xi1>, vector<16xf32>
      %add3A_737 = arith.addf %add3A_638, %select_n3A_736 : vector<16xf32>
      %eq3A_738 = arith.cmpi eq, %add3A_77, %broadcast_in_dim3A_665 : vector<16xi32>
      %select_n3A_739 = arith.select %eq3A_738, %broadcast_in_dim3A_99, %broadcast_in_dim3A_101 : vector<16xi1>, vector<16xf32>
      %add3A_740 = arith.addf %add3A_641, %select_n3A_739 : vector<16xf32>
      %eq3A_741 = arith.cmpi eq, %add3A_80, %broadcast_in_dim3A_665 : vector<16xi32>
      %select_n3A_742 = arith.select %eq3A_741, %broadcast_in_dim3A_99, %broadcast_in_dim3A_101 : vector<16xi1>, vector<16xf32>
      %add3A_743 = arith.addf %add3A_644, %select_n3A_742 : vector<16xf32>
      %eq3A_744 = arith.cmpi eq, %add3A_83, %broadcast_in_dim3A_665 : vector<16xi32>
      %select_n3A_745 = arith.select %eq3A_744, %broadcast_in_dim3A_99, %broadcast_in_dim3A_101 : vector<16xi1>, vector<16xf32>
      %add3A_746 = arith.addf %add3A_647, %select_n3A_745 : vector<16xf32>
      %eq3A_747 = arith.cmpi eq, %add3A_86, %broadcast_in_dim3A_665 : vector<16xi32>
      %select_n3A_748 = arith.select %eq3A_747, %broadcast_in_dim3A_99, %broadcast_in_dim3A_101 : vector<16xi1>, vector<16xf32>
      %add3A_749 = arith.addf %add3A_650, %select_n3A_748 : vector<16xf32>
      %eq3A_750 = arith.cmpi eq, %add3A_89, %broadcast_in_dim3A_665 : vector<16xi32>
      %select_n3A_751 = arith.select %eq3A_750, %broadcast_in_dim3A_99, %broadcast_in_dim3A_101 : vector<16xi1>, vector<16xf32>
      %add3A_752 = arith.addf %add3A_653, %select_n3A_751 : vector<16xf32>
      %eq3A_753 = arith.cmpi eq, %add3A_92, %broadcast_in_dim3A_665 : vector<16xi32>
      %select_n3A_754 = arith.select %eq3A_753, %broadcast_in_dim3A_99, %broadcast_in_dim3A_101 : vector<16xi1>, vector<16xf32>
      %add3A_755 = arith.addf %add3A_656, %select_n3A_754 : vector<16xf32>
      %eq3A_756 = arith.cmpi eq, %add3A_95, %broadcast_in_dim3A_665 : vector<16xi32>
      %select_n3A_757 = arith.select %eq3A_756, %broadcast_in_dim3A_99, %broadcast_in_dim3A_101 : vector<16xi1>, vector<16xf32>
      %add3A_758 = arith.addf %add3A_659, %select_n3A_757 : vector<16xf32>
      %eq3A_759 = arith.cmpi eq, %add3A_98, %broadcast_in_dim3A_665 : vector<16xi32>
      %select_n3A_760 = arith.select %eq3A_759, %broadcast_in_dim3A_99, %broadcast_in_dim3A_101 : vector<16xi1>, vector<16xf32>
      %add3A_761 = arith.addf %add3A_662, %select_n3A_760 : vector<16xf32>
      %slice3A_762 = vector.extract_strided_slice %get3A_270 {offsets = [5], sizes = [1], strides = [1]} : vector<16xi32> to vector<1xi32>
      %squeeze3A_763 = vector.extract %slice3A_762[0] : i32 from vector<1xi32>
      %broadcast_in_dim3A_764 = vector.broadcast %squeeze3A_763 : i32 to vector<16xi32>
      %eq3A_765 = arith.cmpi eq, %add3A_5, %broadcast_in_dim3A_764 : vector<16xi32>
      %select_n3A_766 = arith.select %eq3A_765, %broadcast_in_dim3A_99, %broadcast_in_dim3A_101 : vector<16xi1>, vector<16xf32>
      %add3A_767 = arith.addf %add3A_668, %select_n3A_766 : vector<16xf32>
      %eq3A_768 = arith.cmpi eq, %add3A_8, %broadcast_in_dim3A_764 : vector<16xi32>
      %select_n3A_769 = arith.select %eq3A_768, %broadcast_in_dim3A_99, %broadcast_in_dim3A_101 : vector<16xi1>, vector<16xf32>
      %add3A_770 = arith.addf %add3A_671, %select_n3A_769 : vector<16xf32>
      %eq3A_771 = arith.cmpi eq, %add3A_11, %broadcast_in_dim3A_764 : vector<16xi32>
      %select_n3A_772 = arith.select %eq3A_771, %broadcast_in_dim3A_99, %broadcast_in_dim3A_101 : vector<16xi1>, vector<16xf32>
      %add3A_773 = arith.addf %add3A_674, %select_n3A_772 : vector<16xf32>
      %eq3A_774 = arith.cmpi eq, %add3A_14, %broadcast_in_dim3A_764 : vector<16xi32>
      %select_n3A_775 = arith.select %eq3A_774, %broadcast_in_dim3A_99, %broadcast_in_dim3A_101 : vector<16xi1>, vector<16xf32>
      %add3A_776 = arith.addf %add3A_677, %select_n3A_775 : vector<16xf32>
      %eq3A_777 = arith.cmpi eq, %add3A_17, %broadcast_in_dim3A_764 : vector<16xi32>
      %select_n3A_778 = arith.select %eq3A_777, %broadcast_in_dim3A_99, %broadcast_in_dim3A_101 : vector<16xi1>, vector<16xf32>
      %add3A_779 = arith.addf %add3A_680, %select_n3A_778 : vector<16xf32>
      %eq3A_780 = arith.cmpi eq, %add3A_20, %broadcast_in_dim3A_764 : vector<16xi32>
      %select_n3A_781 = arith.select %eq3A_780, %broadcast_in_dim3A_99, %broadcast_in_dim3A_101 : vector<16xi1>, vector<16xf32>
      %add3A_782 = arith.addf %add3A_683, %select_n3A_781 : vector<16xf32>
      %eq3A_783 = arith.cmpi eq, %add3A_23, %broadcast_in_dim3A_764 : vector<16xi32>
      %select_n3A_784 = arith.select %eq3A_783, %broadcast_in_dim3A_99, %broadcast_in_dim3A_101 : vector<16xi1>, vector<16xf32>
      %add3A_785 = arith.addf %add3A_686, %select_n3A_784 : vector<16xf32>
      %eq3A_786 = arith.cmpi eq, %add3A_26, %broadcast_in_dim3A_764 : vector<16xi32>
      %select_n3A_787 = arith.select %eq3A_786, %broadcast_in_dim3A_99, %broadcast_in_dim3A_101 : vector<16xi1>, vector<16xf32>
      %add3A_788 = arith.addf %add3A_689, %select_n3A_787 : vector<16xf32>
      %eq3A_789 = arith.cmpi eq, %add3A_29, %broadcast_in_dim3A_764 : vector<16xi32>
      %select_n3A_790 = arith.select %eq3A_789, %broadcast_in_dim3A_99, %broadcast_in_dim3A_101 : vector<16xi1>, vector<16xf32>
      %add3A_791 = arith.addf %add3A_692, %select_n3A_790 : vector<16xf32>
      %eq3A_792 = arith.cmpi eq, %add3A_32, %broadcast_in_dim3A_764 : vector<16xi32>
      %select_n3A_793 = arith.select %eq3A_792, %broadcast_in_dim3A_99, %broadcast_in_dim3A_101 : vector<16xi1>, vector<16xf32>
      %add3A_794 = arith.addf %add3A_695, %select_n3A_793 : vector<16xf32>
      %eq3A_795 = arith.cmpi eq, %add3A_35, %broadcast_in_dim3A_764 : vector<16xi32>
      %select_n3A_796 = arith.select %eq3A_795, %broadcast_in_dim3A_99, %broadcast_in_dim3A_101 : vector<16xi1>, vector<16xf32>
      %add3A_797 = arith.addf %add3A_698, %select_n3A_796 : vector<16xf32>
      %eq3A_798 = arith.cmpi eq, %add3A_38, %broadcast_in_dim3A_764 : vector<16xi32>
      %select_n3A_799 = arith.select %eq3A_798, %broadcast_in_dim3A_99, %broadcast_in_dim3A_101 : vector<16xi1>, vector<16xf32>
      %add3A_800 = arith.addf %add3A_701, %select_n3A_799 : vector<16xf32>
      %eq3A_801 = arith.cmpi eq, %add3A_41, %broadcast_in_dim3A_764 : vector<16xi32>
      %select_n3A_802 = arith.select %eq3A_801, %broadcast_in_dim3A_99, %broadcast_in_dim3A_101 : vector<16xi1>, vector<16xf32>
      %add3A_803 = arith.addf %add3A_704, %select_n3A_802 : vector<16xf32>
      %eq3A_804 = arith.cmpi eq, %add3A_44, %broadcast_in_dim3A_764 : vector<16xi32>
      %select_n3A_805 = arith.select %eq3A_804, %broadcast_in_dim3A_99, %broadcast_in_dim3A_101 : vector<16xi1>, vector<16xf32>
      %add3A_806 = arith.addf %add3A_707, %select_n3A_805 : vector<16xf32>
      %eq3A_807 = arith.cmpi eq, %add3A_47, %broadcast_in_dim3A_764 : vector<16xi32>
      %select_n3A_808 = arith.select %eq3A_807, %broadcast_in_dim3A_99, %broadcast_in_dim3A_101 : vector<16xi1>, vector<16xf32>
      %add3A_809 = arith.addf %add3A_710, %select_n3A_808 : vector<16xf32>
      %eq3A_810 = arith.cmpi eq, %add3A_50, %broadcast_in_dim3A_764 : vector<16xi32>
      %select_n3A_811 = arith.select %eq3A_810, %broadcast_in_dim3A_99, %broadcast_in_dim3A_101 : vector<16xi1>, vector<16xf32>
      %add3A_812 = arith.addf %add3A_713, %select_n3A_811 : vector<16xf32>
      %eq3A_813 = arith.cmpi eq, %add3A_53, %broadcast_in_dim3A_764 : vector<16xi32>
      %select_n3A_814 = arith.select %eq3A_813, %broadcast_in_dim3A_99, %broadcast_in_dim3A_101 : vector<16xi1>, vector<16xf32>
      %add3A_815 = arith.addf %add3A_716, %select_n3A_814 : vector<16xf32>
      %eq3A_816 = arith.cmpi eq, %add3A_56, %broadcast_in_dim3A_764 : vector<16xi32>
      %select_n3A_817 = arith.select %eq3A_816, %broadcast_in_dim3A_99, %broadcast_in_dim3A_101 : vector<16xi1>, vector<16xf32>
      %add3A_818 = arith.addf %add3A_719, %select_n3A_817 : vector<16xf32>
      %eq3A_819 = arith.cmpi eq, %add3A_59, %broadcast_in_dim3A_764 : vector<16xi32>
      %select_n3A_820 = arith.select %eq3A_819, %broadcast_in_dim3A_99, %broadcast_in_dim3A_101 : vector<16xi1>, vector<16xf32>
      %add3A_821 = arith.addf %add3A_722, %select_n3A_820 : vector<16xf32>
      %eq3A_822 = arith.cmpi eq, %add3A_62, %broadcast_in_dim3A_764 : vector<16xi32>
      %select_n3A_823 = arith.select %eq3A_822, %broadcast_in_dim3A_99, %broadcast_in_dim3A_101 : vector<16xi1>, vector<16xf32>
      %add3A_824 = arith.addf %add3A_725, %select_n3A_823 : vector<16xf32>
      %eq3A_825 = arith.cmpi eq, %add3A_65, %broadcast_in_dim3A_764 : vector<16xi32>
      %select_n3A_826 = arith.select %eq3A_825, %broadcast_in_dim3A_99, %broadcast_in_dim3A_101 : vector<16xi1>, vector<16xf32>
      %add3A_827 = arith.addf %add3A_728, %select_n3A_826 : vector<16xf32>
      %eq3A_828 = arith.cmpi eq, %add3A_68, %broadcast_in_dim3A_764 : vector<16xi32>
      %select_n3A_829 = arith.select %eq3A_828, %broadcast_in_dim3A_99, %broadcast_in_dim3A_101 : vector<16xi1>, vector<16xf32>
      %add3A_830 = arith.addf %add3A_731, %select_n3A_829 : vector<16xf32>
      %eq3A_831 = arith.cmpi eq, %add3A_71, %broadcast_in_dim3A_764 : vector<16xi32>
      %select_n3A_832 = arith.select %eq3A_831, %broadcast_in_dim3A_99, %broadcast_in_dim3A_101 : vector<16xi1>, vector<16xf32>
      %add3A_833 = arith.addf %add3A_734, %select_n3A_832 : vector<16xf32>
      %eq3A_834 = arith.cmpi eq, %add3A_74, %broadcast_in_dim3A_764 : vector<16xi32>
      %select_n3A_835 = arith.select %eq3A_834, %broadcast_in_dim3A_99, %broadcast_in_dim3A_101 : vector<16xi1>, vector<16xf32>
      %add3A_836 = arith.addf %add3A_737, %select_n3A_835 : vector<16xf32>
      %eq3A_837 = arith.cmpi eq, %add3A_77, %broadcast_in_dim3A_764 : vector<16xi32>
      %select_n3A_838 = arith.select %eq3A_837, %broadcast_in_dim3A_99, %broadcast_in_dim3A_101 : vector<16xi1>, vector<16xf32>
      %add3A_839 = arith.addf %add3A_740, %select_n3A_838 : vector<16xf32>
      %eq3A_840 = arith.cmpi eq, %add3A_80, %broadcast_in_dim3A_764 : vector<16xi32>
      %select_n3A_841 = arith.select %eq3A_840, %broadcast_in_dim3A_99, %broadcast_in_dim3A_101 : vector<16xi1>, vector<16xf32>
      %add3A_842 = arith.addf %add3A_743, %select_n3A_841 : vector<16xf32>
      %eq3A_843 = arith.cmpi eq, %add3A_83, %broadcast_in_dim3A_764 : vector<16xi32>
      %select_n3A_844 = arith.select %eq3A_843, %broadcast_in_dim3A_99, %broadcast_in_dim3A_101 : vector<16xi1>, vector<16xf32>
      %add3A_845 = arith.addf %add3A_746, %select_n3A_844 : vector<16xf32>
      %eq3A_846 = arith.cmpi eq, %add3A_86, %broadcast_in_dim3A_764 : vector<16xi32>
      %select_n3A_847 = arith.select %eq3A_846, %broadcast_in_dim3A_99, %broadcast_in_dim3A_101 : vector<16xi1>, vector<16xf32>
      %add3A_848 = arith.addf %add3A_749, %select_n3A_847 : vector<16xf32>
      %eq3A_849 = arith.cmpi eq, %add3A_89, %broadcast_in_dim3A_764 : vector<16xi32>
      %select_n3A_850 = arith.select %eq3A_849, %broadcast_in_dim3A_99, %broadcast_in_dim3A_101 : vector<16xi1>, vector<16xf32>
      %add3A_851 = arith.addf %add3A_752, %select_n3A_850 : vector<16xf32>
      %eq3A_852 = arith.cmpi eq, %add3A_92, %broadcast_in_dim3A_764 : vector<16xi32>
      %select_n3A_853 = arith.select %eq3A_852, %broadcast_in_dim3A_99, %broadcast_in_dim3A_101 : vector<16xi1>, vector<16xf32>
      %add3A_854 = arith.addf %add3A_755, %select_n3A_853 : vector<16xf32>
      %eq3A_855 = arith.cmpi eq, %add3A_95, %broadcast_in_dim3A_764 : vector<16xi32>
      %select_n3A_856 = arith.select %eq3A_855, %broadcast_in_dim3A_99, %broadcast_in_dim3A_101 : vector<16xi1>, vector<16xf32>
      %add3A_857 = arith.addf %add3A_758, %select_n3A_856 : vector<16xf32>
      %eq3A_858 = arith.cmpi eq, %add3A_98, %broadcast_in_dim3A_764 : vector<16xi32>
      %select_n3A_859 = arith.select %eq3A_858, %broadcast_in_dim3A_99, %broadcast_in_dim3A_101 : vector<16xi1>, vector<16xf32>
      %add3A_860 = arith.addf %add3A_761, %select_n3A_859 : vector<16xf32>
      %slice3A_861 = vector.extract_strided_slice %get3A_270 {offsets = [6], sizes = [1], strides = [1]} : vector<16xi32> to vector<1xi32>
      %squeeze3A_862 = vector.extract %slice3A_861[0] : i32 from vector<1xi32>
      %broadcast_in_dim3A_863 = vector.broadcast %squeeze3A_862 : i32 to vector<16xi32>
      %eq3A_864 = arith.cmpi eq, %add3A_5, %broadcast_in_dim3A_863 : vector<16xi32>
      %select_n3A_865 = arith.select %eq3A_864, %broadcast_in_dim3A_99, %broadcast_in_dim3A_101 : vector<16xi1>, vector<16xf32>
      %add3A_866 = arith.addf %add3A_767, %select_n3A_865 : vector<16xf32>
      %eq3A_867 = arith.cmpi eq, %add3A_8, %broadcast_in_dim3A_863 : vector<16xi32>
      %select_n3A_868 = arith.select %eq3A_867, %broadcast_in_dim3A_99, %broadcast_in_dim3A_101 : vector<16xi1>, vector<16xf32>
      %add3A_869 = arith.addf %add3A_770, %select_n3A_868 : vector<16xf32>
      %eq3A_870 = arith.cmpi eq, %add3A_11, %broadcast_in_dim3A_863 : vector<16xi32>
      %select_n3A_871 = arith.select %eq3A_870, %broadcast_in_dim3A_99, %broadcast_in_dim3A_101 : vector<16xi1>, vector<16xf32>
      %add3A_872 = arith.addf %add3A_773, %select_n3A_871 : vector<16xf32>
      %eq3A_873 = arith.cmpi eq, %add3A_14, %broadcast_in_dim3A_863 : vector<16xi32>
      %select_n3A_874 = arith.select %eq3A_873, %broadcast_in_dim3A_99, %broadcast_in_dim3A_101 : vector<16xi1>, vector<16xf32>
      %add3A_875 = arith.addf %add3A_776, %select_n3A_874 : vector<16xf32>
      %eq3A_876 = arith.cmpi eq, %add3A_17, %broadcast_in_dim3A_863 : vector<16xi32>
      %select_n3A_877 = arith.select %eq3A_876, %broadcast_in_dim3A_99, %broadcast_in_dim3A_101 : vector<16xi1>, vector<16xf32>
      %add3A_878 = arith.addf %add3A_779, %select_n3A_877 : vector<16xf32>
      %eq3A_879 = arith.cmpi eq, %add3A_20, %broadcast_in_dim3A_863 : vector<16xi32>
      %select_n3A_880 = arith.select %eq3A_879, %broadcast_in_dim3A_99, %broadcast_in_dim3A_101 : vector<16xi1>, vector<16xf32>
      %add3A_881 = arith.addf %add3A_782, %select_n3A_880 : vector<16xf32>
      %eq3A_882 = arith.cmpi eq, %add3A_23, %broadcast_in_dim3A_863 : vector<16xi32>
      %select_n3A_883 = arith.select %eq3A_882, %broadcast_in_dim3A_99, %broadcast_in_dim3A_101 : vector<16xi1>, vector<16xf32>
      %add3A_884 = arith.addf %add3A_785, %select_n3A_883 : vector<16xf32>
      %eq3A_885 = arith.cmpi eq, %add3A_26, %broadcast_in_dim3A_863 : vector<16xi32>
      %select_n3A_886 = arith.select %eq3A_885, %broadcast_in_dim3A_99, %broadcast_in_dim3A_101 : vector<16xi1>, vector<16xf32>
      %add3A_887 = arith.addf %add3A_788, %select_n3A_886 : vector<16xf32>
      %eq3A_888 = arith.cmpi eq, %add3A_29, %broadcast_in_dim3A_863 : vector<16xi32>
      %select_n3A_889 = arith.select %eq3A_888, %broadcast_in_dim3A_99, %broadcast_in_dim3A_101 : vector<16xi1>, vector<16xf32>
      %add3A_890 = arith.addf %add3A_791, %select_n3A_889 : vector<16xf32>
      %eq3A_891 = arith.cmpi eq, %add3A_32, %broadcast_in_dim3A_863 : vector<16xi32>
      %select_n3A_892 = arith.select %eq3A_891, %broadcast_in_dim3A_99, %broadcast_in_dim3A_101 : vector<16xi1>, vector<16xf32>
      %add3A_893 = arith.addf %add3A_794, %select_n3A_892 : vector<16xf32>
      %eq3A_894 = arith.cmpi eq, %add3A_35, %broadcast_in_dim3A_863 : vector<16xi32>
      %select_n3A_895 = arith.select %eq3A_894, %broadcast_in_dim3A_99, %broadcast_in_dim3A_101 : vector<16xi1>, vector<16xf32>
      %add3A_896 = arith.addf %add3A_797, %select_n3A_895 : vector<16xf32>
      %eq3A_897 = arith.cmpi eq, %add3A_38, %broadcast_in_dim3A_863 : vector<16xi32>
      %select_n3A_898 = arith.select %eq3A_897, %broadcast_in_dim3A_99, %broadcast_in_dim3A_101 : vector<16xi1>, vector<16xf32>
      %add3A_899 = arith.addf %add3A_800, %select_n3A_898 : vector<16xf32>
      %eq3A_900 = arith.cmpi eq, %add3A_41, %broadcast_in_dim3A_863 : vector<16xi32>
      %select_n3A_901 = arith.select %eq3A_900, %broadcast_in_dim3A_99, %broadcast_in_dim3A_101 : vector<16xi1>, vector<16xf32>
      %add3A_902 = arith.addf %add3A_803, %select_n3A_901 : vector<16xf32>
      %eq3A_903 = arith.cmpi eq, %add3A_44, %broadcast_in_dim3A_863 : vector<16xi32>
      %select_n3A_904 = arith.select %eq3A_903, %broadcast_in_dim3A_99, %broadcast_in_dim3A_101 : vector<16xi1>, vector<16xf32>
      %add3A_905 = arith.addf %add3A_806, %select_n3A_904 : vector<16xf32>
      %eq3A_906 = arith.cmpi eq, %add3A_47, %broadcast_in_dim3A_863 : vector<16xi32>
      %select_n3A_907 = arith.select %eq3A_906, %broadcast_in_dim3A_99, %broadcast_in_dim3A_101 : vector<16xi1>, vector<16xf32>
      %add3A_908 = arith.addf %add3A_809, %select_n3A_907 : vector<16xf32>
      %eq3A_909 = arith.cmpi eq, %add3A_50, %broadcast_in_dim3A_863 : vector<16xi32>
      %select_n3A_910 = arith.select %eq3A_909, %broadcast_in_dim3A_99, %broadcast_in_dim3A_101 : vector<16xi1>, vector<16xf32>
      %add3A_911 = arith.addf %add3A_812, %select_n3A_910 : vector<16xf32>
      %eq3A_912 = arith.cmpi eq, %add3A_53, %broadcast_in_dim3A_863 : vector<16xi32>
      %select_n3A_913 = arith.select %eq3A_912, %broadcast_in_dim3A_99, %broadcast_in_dim3A_101 : vector<16xi1>, vector<16xf32>
      %add3A_914 = arith.addf %add3A_815, %select_n3A_913 : vector<16xf32>
      %eq3A_915 = arith.cmpi eq, %add3A_56, %broadcast_in_dim3A_863 : vector<16xi32>
      %select_n3A_916 = arith.select %eq3A_915, %broadcast_in_dim3A_99, %broadcast_in_dim3A_101 : vector<16xi1>, vector<16xf32>
      %add3A_917 = arith.addf %add3A_818, %select_n3A_916 : vector<16xf32>
      %eq3A_918 = arith.cmpi eq, %add3A_59, %broadcast_in_dim3A_863 : vector<16xi32>
      %select_n3A_919 = arith.select %eq3A_918, %broadcast_in_dim3A_99, %broadcast_in_dim3A_101 : vector<16xi1>, vector<16xf32>
      %add3A_920 = arith.addf %add3A_821, %select_n3A_919 : vector<16xf32>
      %eq3A_921 = arith.cmpi eq, %add3A_62, %broadcast_in_dim3A_863 : vector<16xi32>
      %select_n3A_922 = arith.select %eq3A_921, %broadcast_in_dim3A_99, %broadcast_in_dim3A_101 : vector<16xi1>, vector<16xf32>
      %add3A_923 = arith.addf %add3A_824, %select_n3A_922 : vector<16xf32>
      %eq3A_924 = arith.cmpi eq, %add3A_65, %broadcast_in_dim3A_863 : vector<16xi32>
      %select_n3A_925 = arith.select %eq3A_924, %broadcast_in_dim3A_99, %broadcast_in_dim3A_101 : vector<16xi1>, vector<16xf32>
      %add3A_926 = arith.addf %add3A_827, %select_n3A_925 : vector<16xf32>
      %eq3A_927 = arith.cmpi eq, %add3A_68, %broadcast_in_dim3A_863 : vector<16xi32>
      %select_n3A_928 = arith.select %eq3A_927, %broadcast_in_dim3A_99, %broadcast_in_dim3A_101 : vector<16xi1>, vector<16xf32>
      %add3A_929 = arith.addf %add3A_830, %select_n3A_928 : vector<16xf32>
      %eq3A_930 = arith.cmpi eq, %add3A_71, %broadcast_in_dim3A_863 : vector<16xi32>
      %select_n3A_931 = arith.select %eq3A_930, %broadcast_in_dim3A_99, %broadcast_in_dim3A_101 : vector<16xi1>, vector<16xf32>
      %add3A_932 = arith.addf %add3A_833, %select_n3A_931 : vector<16xf32>
      %eq3A_933 = arith.cmpi eq, %add3A_74, %broadcast_in_dim3A_863 : vector<16xi32>
      %select_n3A_934 = arith.select %eq3A_933, %broadcast_in_dim3A_99, %broadcast_in_dim3A_101 : vector<16xi1>, vector<16xf32>
      %add3A_935 = arith.addf %add3A_836, %select_n3A_934 : vector<16xf32>
      %eq3A_936 = arith.cmpi eq, %add3A_77, %broadcast_in_dim3A_863 : vector<16xi32>
      %select_n3A_937 = arith.select %eq3A_936, %broadcast_in_dim3A_99, %broadcast_in_dim3A_101 : vector<16xi1>, vector<16xf32>
      %add3A_938 = arith.addf %add3A_839, %select_n3A_937 : vector<16xf32>
      %eq3A_939 = arith.cmpi eq, %add3A_80, %broadcast_in_dim3A_863 : vector<16xi32>
      %select_n3A_940 = arith.select %eq3A_939, %broadcast_in_dim3A_99, %broadcast_in_dim3A_101 : vector<16xi1>, vector<16xf32>
      %add3A_941 = arith.addf %add3A_842, %select_n3A_940 : vector<16xf32>
      %eq3A_942 = arith.cmpi eq, %add3A_83, %broadcast_in_dim3A_863 : vector<16xi32>
      %select_n3A_943 = arith.select %eq3A_942, %broadcast_in_dim3A_99, %broadcast_in_dim3A_101 : vector<16xi1>, vector<16xf32>
      %add3A_944 = arith.addf %add3A_845, %select_n3A_943 : vector<16xf32>
      %eq3A_945 = arith.cmpi eq, %add3A_86, %broadcast_in_dim3A_863 : vector<16xi32>
      %select_n3A_946 = arith.select %eq3A_945, %broadcast_in_dim3A_99, %broadcast_in_dim3A_101 : vector<16xi1>, vector<16xf32>
      %add3A_947 = arith.addf %add3A_848, %select_n3A_946 : vector<16xf32>
      %eq3A_948 = arith.cmpi eq, %add3A_89, %broadcast_in_dim3A_863 : vector<16xi32>
      %select_n3A_949 = arith.select %eq3A_948, %broadcast_in_dim3A_99, %broadcast_in_dim3A_101 : vector<16xi1>, vector<16xf32>
      %add3A_950 = arith.addf %add3A_851, %select_n3A_949 : vector<16xf32>
      %eq3A_951 = arith.cmpi eq, %add3A_92, %broadcast_in_dim3A_863 : vector<16xi32>
      %select_n3A_952 = arith.select %eq3A_951, %broadcast_in_dim3A_99, %broadcast_in_dim3A_101 : vector<16xi1>, vector<16xf32>
      %add3A_953 = arith.addf %add3A_854, %select_n3A_952 : vector<16xf32>
      %eq3A_954 = arith.cmpi eq, %add3A_95, %broadcast_in_dim3A_863 : vector<16xi32>
      %select_n3A_955 = arith.select %eq3A_954, %broadcast_in_dim3A_99, %broadcast_in_dim3A_101 : vector<16xi1>, vector<16xf32>
      %add3A_956 = arith.addf %add3A_857, %select_n3A_955 : vector<16xf32>
      %eq3A_957 = arith.cmpi eq, %add3A_98, %broadcast_in_dim3A_863 : vector<16xi32>
      %select_n3A_958 = arith.select %eq3A_957, %broadcast_in_dim3A_99, %broadcast_in_dim3A_101 : vector<16xi1>, vector<16xf32>
      %add3A_959 = arith.addf %add3A_860, %select_n3A_958 : vector<16xf32>
      %slice3A_960 = vector.extract_strided_slice %get3A_270 {offsets = [7], sizes = [1], strides = [1]} : vector<16xi32> to vector<1xi32>
      %squeeze3A_961 = vector.extract %slice3A_960[0] : i32 from vector<1xi32>
      %broadcast_in_dim3A_962 = vector.broadcast %squeeze3A_961 : i32 to vector<16xi32>
      %eq3A_963 = arith.cmpi eq, %add3A_5, %broadcast_in_dim3A_962 : vector<16xi32>
      %select_n3A_964 = arith.select %eq3A_963, %broadcast_in_dim3A_99, %broadcast_in_dim3A_101 : vector<16xi1>, vector<16xf32>
      %add3A_965 = arith.addf %add3A_866, %select_n3A_964 : vector<16xf32>
      %eq3A_966 = arith.cmpi eq, %add3A_8, %broadcast_in_dim3A_962 : vector<16xi32>
      %select_n3A_967 = arith.select %eq3A_966, %broadcast_in_dim3A_99, %broadcast_in_dim3A_101 : vector<16xi1>, vector<16xf32>
      %add3A_968 = arith.addf %add3A_869, %select_n3A_967 : vector<16xf32>
      %eq3A_969 = arith.cmpi eq, %add3A_11, %broadcast_in_dim3A_962 : vector<16xi32>
      %select_n3A_970 = arith.select %eq3A_969, %broadcast_in_dim3A_99, %broadcast_in_dim3A_101 : vector<16xi1>, vector<16xf32>
      %add3A_971 = arith.addf %add3A_872, %select_n3A_970 : vector<16xf32>
      %eq3A_972 = arith.cmpi eq, %add3A_14, %broadcast_in_dim3A_962 : vector<16xi32>
      %select_n3A_973 = arith.select %eq3A_972, %broadcast_in_dim3A_99, %broadcast_in_dim3A_101 : vector<16xi1>, vector<16xf32>
      %add3A_974 = arith.addf %add3A_875, %select_n3A_973 : vector<16xf32>
      %eq3A_975 = arith.cmpi eq, %add3A_17, %broadcast_in_dim3A_962 : vector<16xi32>
      %select_n3A_976 = arith.select %eq3A_975, %broadcast_in_dim3A_99, %broadcast_in_dim3A_101 : vector<16xi1>, vector<16xf32>
      %add3A_977 = arith.addf %add3A_878, %select_n3A_976 : vector<16xf32>
      %eq3A_978 = arith.cmpi eq, %add3A_20, %broadcast_in_dim3A_962 : vector<16xi32>
      %select_n3A_979 = arith.select %eq3A_978, %broadcast_in_dim3A_99, %broadcast_in_dim3A_101 : vector<16xi1>, vector<16xf32>
      %add3A_980 = arith.addf %add3A_881, %select_n3A_979 : vector<16xf32>
      %eq3A_981 = arith.cmpi eq, %add3A_23, %broadcast_in_dim3A_962 : vector<16xi32>
      %select_n3A_982 = arith.select %eq3A_981, %broadcast_in_dim3A_99, %broadcast_in_dim3A_101 : vector<16xi1>, vector<16xf32>
      %add3A_983 = arith.addf %add3A_884, %select_n3A_982 : vector<16xf32>
      %eq3A_984 = arith.cmpi eq, %add3A_26, %broadcast_in_dim3A_962 : vector<16xi32>
      %select_n3A_985 = arith.select %eq3A_984, %broadcast_in_dim3A_99, %broadcast_in_dim3A_101 : vector<16xi1>, vector<16xf32>
      %add3A_986 = arith.addf %add3A_887, %select_n3A_985 : vector<16xf32>
      %eq3A_987 = arith.cmpi eq, %add3A_29, %broadcast_in_dim3A_962 : vector<16xi32>
      %select_n3A_988 = arith.select %eq3A_987, %broadcast_in_dim3A_99, %broadcast_in_dim3A_101 : vector<16xi1>, vector<16xf32>
      %add3A_989 = arith.addf %add3A_890, %select_n3A_988 : vector<16xf32>
      %eq3A_990 = arith.cmpi eq, %add3A_32, %broadcast_in_dim3A_962 : vector<16xi32>
      %select_n3A_991 = arith.select %eq3A_990, %broadcast_in_dim3A_99, %broadcast_in_dim3A_101 : vector<16xi1>, vector<16xf32>
      %add3A_992 = arith.addf %add3A_893, %select_n3A_991 : vector<16xf32>
      %eq3A_993 = arith.cmpi eq, %add3A_35, %broadcast_in_dim3A_962 : vector<16xi32>
      %select_n3A_994 = arith.select %eq3A_993, %broadcast_in_dim3A_99, %broadcast_in_dim3A_101 : vector<16xi1>, vector<16xf32>
      %add3A_995 = arith.addf %add3A_896, %select_n3A_994 : vector<16xf32>
      %eq3A_996 = arith.cmpi eq, %add3A_38, %broadcast_in_dim3A_962 : vector<16xi32>
      %select_n3A_997 = arith.select %eq3A_996, %broadcast_in_dim3A_99, %broadcast_in_dim3A_101 : vector<16xi1>, vector<16xf32>
      %add3A_998 = arith.addf %add3A_899, %select_n3A_997 : vector<16xf32>
      %eq3A_999 = arith.cmpi eq, %add3A_41, %broadcast_in_dim3A_962 : vector<16xi32>
      %select_n3A_1000 = arith.select %eq3A_999, %broadcast_in_dim3A_99, %broadcast_in_dim3A_101 : vector<16xi1>, vector<16xf32>
      %add3A_1001 = arith.addf %add3A_902, %select_n3A_1000 : vector<16xf32>
      %eq3A_1002 = arith.cmpi eq, %add3A_44, %broadcast_in_dim3A_962 : vector<16xi32>
      %select_n3A_1003 = arith.select %eq3A_1002, %broadcast_in_dim3A_99, %broadcast_in_dim3A_101 : vector<16xi1>, vector<16xf32>
      %add3A_1004 = arith.addf %add3A_905, %select_n3A_1003 : vector<16xf32>
      %eq3A_1005 = arith.cmpi eq, %add3A_47, %broadcast_in_dim3A_962 : vector<16xi32>
      %select_n3A_1006 = arith.select %eq3A_1005, %broadcast_in_dim3A_99, %broadcast_in_dim3A_101 : vector<16xi1>, vector<16xf32>
      %add3A_1007 = arith.addf %add3A_908, %select_n3A_1006 : vector<16xf32>
      %eq3A_1008 = arith.cmpi eq, %add3A_50, %broadcast_in_dim3A_962 : vector<16xi32>
      %select_n3A_1009 = arith.select %eq3A_1008, %broadcast_in_dim3A_99, %broadcast_in_dim3A_101 : vector<16xi1>, vector<16xf32>
      %add3A_1010 = arith.addf %add3A_911, %select_n3A_1009 : vector<16xf32>
      %eq3A_1011 = arith.cmpi eq, %add3A_53, %broadcast_in_dim3A_962 : vector<16xi32>
      %select_n3A_1012 = arith.select %eq3A_1011, %broadcast_in_dim3A_99, %broadcast_in_dim3A_101 : vector<16xi1>, vector<16xf32>
      %add3A_1013 = arith.addf %add3A_914, %select_n3A_1012 : vector<16xf32>
      %eq3A_1014 = arith.cmpi eq, %add3A_56, %broadcast_in_dim3A_962 : vector<16xi32>
      %select_n3A_1015 = arith.select %eq3A_1014, %broadcast_in_dim3A_99, %broadcast_in_dim3A_101 : vector<16xi1>, vector<16xf32>
      %add3A_1016 = arith.addf %add3A_917, %select_n3A_1015 : vector<16xf32>
      %eq3A_1017 = arith.cmpi eq, %add3A_59, %broadcast_in_dim3A_962 : vector<16xi32>
      %select_n3A_1018 = arith.select %eq3A_1017, %broadcast_in_dim3A_99, %broadcast_in_dim3A_101 : vector<16xi1>, vector<16xf32>
      %add3A_1019 = arith.addf %add3A_920, %select_n3A_1018 : vector<16xf32>
      %eq3A_1020 = arith.cmpi eq, %add3A_62, %broadcast_in_dim3A_962 : vector<16xi32>
      %select_n3A_1021 = arith.select %eq3A_1020, %broadcast_in_dim3A_99, %broadcast_in_dim3A_101 : vector<16xi1>, vector<16xf32>
      %add3A_1022 = arith.addf %add3A_923, %select_n3A_1021 : vector<16xf32>
      %eq3A_1023 = arith.cmpi eq, %add3A_65, %broadcast_in_dim3A_962 : vector<16xi32>
      %select_n3A_1024 = arith.select %eq3A_1023, %broadcast_in_dim3A_99, %broadcast_in_dim3A_101 : vector<16xi1>, vector<16xf32>
      %add3A_1025 = arith.addf %add3A_926, %select_n3A_1024 : vector<16xf32>
      %eq3A_1026 = arith.cmpi eq, %add3A_68, %broadcast_in_dim3A_962 : vector<16xi32>
      %select_n3A_1027 = arith.select %eq3A_1026, %broadcast_in_dim3A_99, %broadcast_in_dim3A_101 : vector<16xi1>, vector<16xf32>
      %add3A_1028 = arith.addf %add3A_929, %select_n3A_1027 : vector<16xf32>
      %eq3A_1029 = arith.cmpi eq, %add3A_71, %broadcast_in_dim3A_962 : vector<16xi32>
      %select_n3A_1030 = arith.select %eq3A_1029, %broadcast_in_dim3A_99, %broadcast_in_dim3A_101 : vector<16xi1>, vector<16xf32>
      %add3A_1031 = arith.addf %add3A_932, %select_n3A_1030 : vector<16xf32>
      %eq3A_1032 = arith.cmpi eq, %add3A_74, %broadcast_in_dim3A_962 : vector<16xi32>
      %select_n3A_1033 = arith.select %eq3A_1032, %broadcast_in_dim3A_99, %broadcast_in_dim3A_101 : vector<16xi1>, vector<16xf32>
      %add3A_1034 = arith.addf %add3A_935, %select_n3A_1033 : vector<16xf32>
      %eq3A_1035 = arith.cmpi eq, %add3A_77, %broadcast_in_dim3A_962 : vector<16xi32>
      %select_n3A_1036 = arith.select %eq3A_1035, %broadcast_in_dim3A_99, %broadcast_in_dim3A_101 : vector<16xi1>, vector<16xf32>
      %add3A_1037 = arith.addf %add3A_938, %select_n3A_1036 : vector<16xf32>
      %eq3A_1038 = arith.cmpi eq, %add3A_80, %broadcast_in_dim3A_962 : vector<16xi32>
      %select_n3A_1039 = arith.select %eq3A_1038, %broadcast_in_dim3A_99, %broadcast_in_dim3A_101 : vector<16xi1>, vector<16xf32>
      %add3A_1040 = arith.addf %add3A_941, %select_n3A_1039 : vector<16xf32>
      %eq3A_1041 = arith.cmpi eq, %add3A_83, %broadcast_in_dim3A_962 : vector<16xi32>
      %select_n3A_1042 = arith.select %eq3A_1041, %broadcast_in_dim3A_99, %broadcast_in_dim3A_101 : vector<16xi1>, vector<16xf32>
      %add3A_1043 = arith.addf %add3A_944, %select_n3A_1042 : vector<16xf32>
      %eq3A_1044 = arith.cmpi eq, %add3A_86, %broadcast_in_dim3A_962 : vector<16xi32>
      %select_n3A_1045 = arith.select %eq3A_1044, %broadcast_in_dim3A_99, %broadcast_in_dim3A_101 : vector<16xi1>, vector<16xf32>
      %add3A_1046 = arith.addf %add3A_947, %select_n3A_1045 : vector<16xf32>
      %eq3A_1047 = arith.cmpi eq, %add3A_89, %broadcast_in_dim3A_962 : vector<16xi32>
      %select_n3A_1048 = arith.select %eq3A_1047, %broadcast_in_dim3A_99, %broadcast_in_dim3A_101 : vector<16xi1>, vector<16xf32>
      %add3A_1049 = arith.addf %add3A_950, %select_n3A_1048 : vector<16xf32>
      %eq3A_1050 = arith.cmpi eq, %add3A_92, %broadcast_in_dim3A_962 : vector<16xi32>
      %select_n3A_1051 = arith.select %eq3A_1050, %broadcast_in_dim3A_99, %broadcast_in_dim3A_101 : vector<16xi1>, vector<16xf32>
      %add3A_1052 = arith.addf %add3A_953, %select_n3A_1051 : vector<16xf32>
      %eq3A_1053 = arith.cmpi eq, %add3A_95, %broadcast_in_dim3A_962 : vector<16xi32>
      %select_n3A_1054 = arith.select %eq3A_1053, %broadcast_in_dim3A_99, %broadcast_in_dim3A_101 : vector<16xi1>, vector<16xf32>
      %add3A_1055 = arith.addf %add3A_956, %select_n3A_1054 : vector<16xf32>
      %eq3A_1056 = arith.cmpi eq, %add3A_98, %broadcast_in_dim3A_962 : vector<16xi32>
      %select_n3A_1057 = arith.select %eq3A_1056, %broadcast_in_dim3A_99, %broadcast_in_dim3A_101 : vector<16xi1>, vector<16xf32>
      %add3A_1058 = arith.addf %add3A_959, %select_n3A_1057 : vector<16xf32>
      %slice3A_1059 = vector.extract_strided_slice %get3A_270 {offsets = [8], sizes = [1], strides = [1]} : vector<16xi32> to vector<1xi32>
      %squeeze3A_1060 = vector.extract %slice3A_1059[0] : i32 from vector<1xi32>
      %broadcast_in_dim3A_1061 = vector.broadcast %squeeze3A_1060 : i32 to vector<16xi32>
      %eq3A_1062 = arith.cmpi eq, %add3A_5, %broadcast_in_dim3A_1061 : vector<16xi32>
      %select_n3A_1063 = arith.select %eq3A_1062, %broadcast_in_dim3A_99, %broadcast_in_dim3A_101 : vector<16xi1>, vector<16xf32>
      %add3A_1064 = arith.addf %add3A_965, %select_n3A_1063 : vector<16xf32>
      %eq3A_1065 = arith.cmpi eq, %add3A_8, %broadcast_in_dim3A_1061 : vector<16xi32>
      %select_n3A_1066 = arith.select %eq3A_1065, %broadcast_in_dim3A_99, %broadcast_in_dim3A_101 : vector<16xi1>, vector<16xf32>
      %add3A_1067 = arith.addf %add3A_968, %select_n3A_1066 : vector<16xf32>
      %eq3A_1068 = arith.cmpi eq, %add3A_11, %broadcast_in_dim3A_1061 : vector<16xi32>
      %select_n3A_1069 = arith.select %eq3A_1068, %broadcast_in_dim3A_99, %broadcast_in_dim3A_101 : vector<16xi1>, vector<16xf32>
      %add3A_1070 = arith.addf %add3A_971, %select_n3A_1069 : vector<16xf32>
      %eq3A_1071 = arith.cmpi eq, %add3A_14, %broadcast_in_dim3A_1061 : vector<16xi32>
      %select_n3A_1072 = arith.select %eq3A_1071, %broadcast_in_dim3A_99, %broadcast_in_dim3A_101 : vector<16xi1>, vector<16xf32>
      %add3A_1073 = arith.addf %add3A_974, %select_n3A_1072 : vector<16xf32>
      %eq3A_1074 = arith.cmpi eq, %add3A_17, %broadcast_in_dim3A_1061 : vector<16xi32>
      %select_n3A_1075 = arith.select %eq3A_1074, %broadcast_in_dim3A_99, %broadcast_in_dim3A_101 : vector<16xi1>, vector<16xf32>
      %add3A_1076 = arith.addf %add3A_977, %select_n3A_1075 : vector<16xf32>
      %eq3A_1077 = arith.cmpi eq, %add3A_20, %broadcast_in_dim3A_1061 : vector<16xi32>
      %select_n3A_1078 = arith.select %eq3A_1077, %broadcast_in_dim3A_99, %broadcast_in_dim3A_101 : vector<16xi1>, vector<16xf32>
      %add3A_1079 = arith.addf %add3A_980, %select_n3A_1078 : vector<16xf32>
      %eq3A_1080 = arith.cmpi eq, %add3A_23, %broadcast_in_dim3A_1061 : vector<16xi32>
      %select_n3A_1081 = arith.select %eq3A_1080, %broadcast_in_dim3A_99, %broadcast_in_dim3A_101 : vector<16xi1>, vector<16xf32>
      %add3A_1082 = arith.addf %add3A_983, %select_n3A_1081 : vector<16xf32>
      %eq3A_1083 = arith.cmpi eq, %add3A_26, %broadcast_in_dim3A_1061 : vector<16xi32>
      %select_n3A_1084 = arith.select %eq3A_1083, %broadcast_in_dim3A_99, %broadcast_in_dim3A_101 : vector<16xi1>, vector<16xf32>
      %add3A_1085 = arith.addf %add3A_986, %select_n3A_1084 : vector<16xf32>
      %eq3A_1086 = arith.cmpi eq, %add3A_29, %broadcast_in_dim3A_1061 : vector<16xi32>
      %select_n3A_1087 = arith.select %eq3A_1086, %broadcast_in_dim3A_99, %broadcast_in_dim3A_101 : vector<16xi1>, vector<16xf32>
      %add3A_1088 = arith.addf %add3A_989, %select_n3A_1087 : vector<16xf32>
      %eq3A_1089 = arith.cmpi eq, %add3A_32, %broadcast_in_dim3A_1061 : vector<16xi32>
      %select_n3A_1090 = arith.select %eq3A_1089, %broadcast_in_dim3A_99, %broadcast_in_dim3A_101 : vector<16xi1>, vector<16xf32>
      %add3A_1091 = arith.addf %add3A_992, %select_n3A_1090 : vector<16xf32>
      %eq3A_1092 = arith.cmpi eq, %add3A_35, %broadcast_in_dim3A_1061 : vector<16xi32>
      %select_n3A_1093 = arith.select %eq3A_1092, %broadcast_in_dim3A_99, %broadcast_in_dim3A_101 : vector<16xi1>, vector<16xf32>
      %add3A_1094 = arith.addf %add3A_995, %select_n3A_1093 : vector<16xf32>
      %eq3A_1095 = arith.cmpi eq, %add3A_38, %broadcast_in_dim3A_1061 : vector<16xi32>
      %select_n3A_1096 = arith.select %eq3A_1095, %broadcast_in_dim3A_99, %broadcast_in_dim3A_101 : vector<16xi1>, vector<16xf32>
      %add3A_1097 = arith.addf %add3A_998, %select_n3A_1096 : vector<16xf32>
      %eq3A_1098 = arith.cmpi eq, %add3A_41, %broadcast_in_dim3A_1061 : vector<16xi32>
      %select_n3A_1099 = arith.select %eq3A_1098, %broadcast_in_dim3A_99, %broadcast_in_dim3A_101 : vector<16xi1>, vector<16xf32>
      %add3A_1100 = arith.addf %add3A_1001, %select_n3A_1099 : vector<16xf32>
      %eq3A_1101 = arith.cmpi eq, %add3A_44, %broadcast_in_dim3A_1061 : vector<16xi32>
      %select_n3A_1102 = arith.select %eq3A_1101, %broadcast_in_dim3A_99, %broadcast_in_dim3A_101 : vector<16xi1>, vector<16xf32>
      %add3A_1103 = arith.addf %add3A_1004, %select_n3A_1102 : vector<16xf32>
      %eq3A_1104 = arith.cmpi eq, %add3A_47, %broadcast_in_dim3A_1061 : vector<16xi32>
      %select_n3A_1105 = arith.select %eq3A_1104, %broadcast_in_dim3A_99, %broadcast_in_dim3A_101 : vector<16xi1>, vector<16xf32>
      %add3A_1106 = arith.addf %add3A_1007, %select_n3A_1105 : vector<16xf32>
      %eq3A_1107 = arith.cmpi eq, %add3A_50, %broadcast_in_dim3A_1061 : vector<16xi32>
      %select_n3A_1108 = arith.select %eq3A_1107, %broadcast_in_dim3A_99, %broadcast_in_dim3A_101 : vector<16xi1>, vector<16xf32>
      %add3A_1109 = arith.addf %add3A_1010, %select_n3A_1108 : vector<16xf32>
      %eq3A_1110 = arith.cmpi eq, %add3A_53, %broadcast_in_dim3A_1061 : vector<16xi32>
      %select_n3A_1111 = arith.select %eq3A_1110, %broadcast_in_dim3A_99, %broadcast_in_dim3A_101 : vector<16xi1>, vector<16xf32>
      %add3A_1112 = arith.addf %add3A_1013, %select_n3A_1111 : vector<16xf32>
      %eq3A_1113 = arith.cmpi eq, %add3A_56, %broadcast_in_dim3A_1061 : vector<16xi32>
      %select_n3A_1114 = arith.select %eq3A_1113, %broadcast_in_dim3A_99, %broadcast_in_dim3A_101 : vector<16xi1>, vector<16xf32>
      %add3A_1115 = arith.addf %add3A_1016, %select_n3A_1114 : vector<16xf32>
      %eq3A_1116 = arith.cmpi eq, %add3A_59, %broadcast_in_dim3A_1061 : vector<16xi32>
      %select_n3A_1117 = arith.select %eq3A_1116, %broadcast_in_dim3A_99, %broadcast_in_dim3A_101 : vector<16xi1>, vector<16xf32>
      %add3A_1118 = arith.addf %add3A_1019, %select_n3A_1117 : vector<16xf32>
      %eq3A_1119 = arith.cmpi eq, %add3A_62, %broadcast_in_dim3A_1061 : vector<16xi32>
      %select_n3A_1120 = arith.select %eq3A_1119, %broadcast_in_dim3A_99, %broadcast_in_dim3A_101 : vector<16xi1>, vector<16xf32>
      %add3A_1121 = arith.addf %add3A_1022, %select_n3A_1120 : vector<16xf32>
      %eq3A_1122 = arith.cmpi eq, %add3A_65, %broadcast_in_dim3A_1061 : vector<16xi32>
      %select_n3A_1123 = arith.select %eq3A_1122, %broadcast_in_dim3A_99, %broadcast_in_dim3A_101 : vector<16xi1>, vector<16xf32>
      %add3A_1124 = arith.addf %add3A_1025, %select_n3A_1123 : vector<16xf32>
      %eq3A_1125 = arith.cmpi eq, %add3A_68, %broadcast_in_dim3A_1061 : vector<16xi32>
      %select_n3A_1126 = arith.select %eq3A_1125, %broadcast_in_dim3A_99, %broadcast_in_dim3A_101 : vector<16xi1>, vector<16xf32>
      %add3A_1127 = arith.addf %add3A_1028, %select_n3A_1126 : vector<16xf32>
      %eq3A_1128 = arith.cmpi eq, %add3A_71, %broadcast_in_dim3A_1061 : vector<16xi32>
      %select_n3A_1129 = arith.select %eq3A_1128, %broadcast_in_dim3A_99, %broadcast_in_dim3A_101 : vector<16xi1>, vector<16xf32>
      %add3A_1130 = arith.addf %add3A_1031, %select_n3A_1129 : vector<16xf32>
      %eq3A_1131 = arith.cmpi eq, %add3A_74, %broadcast_in_dim3A_1061 : vector<16xi32>
      %select_n3A_1132 = arith.select %eq3A_1131, %broadcast_in_dim3A_99, %broadcast_in_dim3A_101 : vector<16xi1>, vector<16xf32>
      %add3A_1133 = arith.addf %add3A_1034, %select_n3A_1132 : vector<16xf32>
      %eq3A_1134 = arith.cmpi eq, %add3A_77, %broadcast_in_dim3A_1061 : vector<16xi32>
      %select_n3A_1135 = arith.select %eq3A_1134, %broadcast_in_dim3A_99, %broadcast_in_dim3A_101 : vector<16xi1>, vector<16xf32>
      %add3A_1136 = arith.addf %add3A_1037, %select_n3A_1135 : vector<16xf32>
      %eq3A_1137 = arith.cmpi eq, %add3A_80, %broadcast_in_dim3A_1061 : vector<16xi32>
      %select_n3A_1138 = arith.select %eq3A_1137, %broadcast_in_dim3A_99, %broadcast_in_dim3A_101 : vector<16xi1>, vector<16xf32>
      %add3A_1139 = arith.addf %add3A_1040, %select_n3A_1138 : vector<16xf32>
      %eq3A_1140 = arith.cmpi eq, %add3A_83, %broadcast_in_dim3A_1061 : vector<16xi32>
      %select_n3A_1141 = arith.select %eq3A_1140, %broadcast_in_dim3A_99, %broadcast_in_dim3A_101 : vector<16xi1>, vector<16xf32>
      %add3A_1142 = arith.addf %add3A_1043, %select_n3A_1141 : vector<16xf32>
      %eq3A_1143 = arith.cmpi eq, %add3A_86, %broadcast_in_dim3A_1061 : vector<16xi32>
      %select_n3A_1144 = arith.select %eq3A_1143, %broadcast_in_dim3A_99, %broadcast_in_dim3A_101 : vector<16xi1>, vector<16xf32>
      %add3A_1145 = arith.addf %add3A_1046, %select_n3A_1144 : vector<16xf32>
      %eq3A_1146 = arith.cmpi eq, %add3A_89, %broadcast_in_dim3A_1061 : vector<16xi32>
      %select_n3A_1147 = arith.select %eq3A_1146, %broadcast_in_dim3A_99, %broadcast_in_dim3A_101 : vector<16xi1>, vector<16xf32>
      %add3A_1148 = arith.addf %add3A_1049, %select_n3A_1147 : vector<16xf32>
      %eq3A_1149 = arith.cmpi eq, %add3A_92, %broadcast_in_dim3A_1061 : vector<16xi32>
      %select_n3A_1150 = arith.select %eq3A_1149, %broadcast_in_dim3A_99, %broadcast_in_dim3A_101 : vector<16xi1>, vector<16xf32>
      %add3A_1151 = arith.addf %add3A_1052, %select_n3A_1150 : vector<16xf32>
      %eq3A_1152 = arith.cmpi eq, %add3A_95, %broadcast_in_dim3A_1061 : vector<16xi32>
      %select_n3A_1153 = arith.select %eq3A_1152, %broadcast_in_dim3A_99, %broadcast_in_dim3A_101 : vector<16xi1>, vector<16xf32>
      %add3A_1154 = arith.addf %add3A_1055, %select_n3A_1153 : vector<16xf32>
      %eq3A_1155 = arith.cmpi eq, %add3A_98, %broadcast_in_dim3A_1061 : vector<16xi32>
      %select_n3A_1156 = arith.select %eq3A_1155, %broadcast_in_dim3A_99, %broadcast_in_dim3A_101 : vector<16xi1>, vector<16xf32>
      %add3A_1157 = arith.addf %add3A_1058, %select_n3A_1156 : vector<16xf32>
      %slice3A_1158 = vector.extract_strided_slice %get3A_270 {offsets = [9], sizes = [1], strides = [1]} : vector<16xi32> to vector<1xi32>
      %squeeze3A_1159 = vector.extract %slice3A_1158[0] : i32 from vector<1xi32>
      %broadcast_in_dim3A_1160 = vector.broadcast %squeeze3A_1159 : i32 to vector<16xi32>
      %eq3A_1161 = arith.cmpi eq, %add3A_5, %broadcast_in_dim3A_1160 : vector<16xi32>
      %select_n3A_1162 = arith.select %eq3A_1161, %broadcast_in_dim3A_99, %broadcast_in_dim3A_101 : vector<16xi1>, vector<16xf32>
      %add3A_1163 = arith.addf %add3A_1064, %select_n3A_1162 : vector<16xf32>
      %eq3A_1164 = arith.cmpi eq, %add3A_8, %broadcast_in_dim3A_1160 : vector<16xi32>
      %select_n3A_1165 = arith.select %eq3A_1164, %broadcast_in_dim3A_99, %broadcast_in_dim3A_101 : vector<16xi1>, vector<16xf32>
      %add3A_1166 = arith.addf %add3A_1067, %select_n3A_1165 : vector<16xf32>
      %eq3A_1167 = arith.cmpi eq, %add3A_11, %broadcast_in_dim3A_1160 : vector<16xi32>
      %select_n3A_1168 = arith.select %eq3A_1167, %broadcast_in_dim3A_99, %broadcast_in_dim3A_101 : vector<16xi1>, vector<16xf32>
      %add3A_1169 = arith.addf %add3A_1070, %select_n3A_1168 : vector<16xf32>
      %eq3A_1170 = arith.cmpi eq, %add3A_14, %broadcast_in_dim3A_1160 : vector<16xi32>
      %select_n3A_1171 = arith.select %eq3A_1170, %broadcast_in_dim3A_99, %broadcast_in_dim3A_101 : vector<16xi1>, vector<16xf32>
      %add3A_1172 = arith.addf %add3A_1073, %select_n3A_1171 : vector<16xf32>
      %eq3A_1173 = arith.cmpi eq, %add3A_17, %broadcast_in_dim3A_1160 : vector<16xi32>
      %select_n3A_1174 = arith.select %eq3A_1173, %broadcast_in_dim3A_99, %broadcast_in_dim3A_101 : vector<16xi1>, vector<16xf32>
      %add3A_1175 = arith.addf %add3A_1076, %select_n3A_1174 : vector<16xf32>
      %eq3A_1176 = arith.cmpi eq, %add3A_20, %broadcast_in_dim3A_1160 : vector<16xi32>
      %select_n3A_1177 = arith.select %eq3A_1176, %broadcast_in_dim3A_99, %broadcast_in_dim3A_101 : vector<16xi1>, vector<16xf32>
      %add3A_1178 = arith.addf %add3A_1079, %select_n3A_1177 : vector<16xf32>
      %eq3A_1179 = arith.cmpi eq, %add3A_23, %broadcast_in_dim3A_1160 : vector<16xi32>
      %select_n3A_1180 = arith.select %eq3A_1179, %broadcast_in_dim3A_99, %broadcast_in_dim3A_101 : vector<16xi1>, vector<16xf32>
      %add3A_1181 = arith.addf %add3A_1082, %select_n3A_1180 : vector<16xf32>
      %eq3A_1182 = arith.cmpi eq, %add3A_26, %broadcast_in_dim3A_1160 : vector<16xi32>
      %select_n3A_1183 = arith.select %eq3A_1182, %broadcast_in_dim3A_99, %broadcast_in_dim3A_101 : vector<16xi1>, vector<16xf32>
      %add3A_1184 = arith.addf %add3A_1085, %select_n3A_1183 : vector<16xf32>
      %eq3A_1185 = arith.cmpi eq, %add3A_29, %broadcast_in_dim3A_1160 : vector<16xi32>
      %select_n3A_1186 = arith.select %eq3A_1185, %broadcast_in_dim3A_99, %broadcast_in_dim3A_101 : vector<16xi1>, vector<16xf32>
      %add3A_1187 = arith.addf %add3A_1088, %select_n3A_1186 : vector<16xf32>
      %eq3A_1188 = arith.cmpi eq, %add3A_32, %broadcast_in_dim3A_1160 : vector<16xi32>
      %select_n3A_1189 = arith.select %eq3A_1188, %broadcast_in_dim3A_99, %broadcast_in_dim3A_101 : vector<16xi1>, vector<16xf32>
      %add3A_1190 = arith.addf %add3A_1091, %select_n3A_1189 : vector<16xf32>
      %eq3A_1191 = arith.cmpi eq, %add3A_35, %broadcast_in_dim3A_1160 : vector<16xi32>
      %select_n3A_1192 = arith.select %eq3A_1191, %broadcast_in_dim3A_99, %broadcast_in_dim3A_101 : vector<16xi1>, vector<16xf32>
      %add3A_1193 = arith.addf %add3A_1094, %select_n3A_1192 : vector<16xf32>
      %eq3A_1194 = arith.cmpi eq, %add3A_38, %broadcast_in_dim3A_1160 : vector<16xi32>
      %select_n3A_1195 = arith.select %eq3A_1194, %broadcast_in_dim3A_99, %broadcast_in_dim3A_101 : vector<16xi1>, vector<16xf32>
      %add3A_1196 = arith.addf %add3A_1097, %select_n3A_1195 : vector<16xf32>
      %eq3A_1197 = arith.cmpi eq, %add3A_41, %broadcast_in_dim3A_1160 : vector<16xi32>
      %select_n3A_1198 = arith.select %eq3A_1197, %broadcast_in_dim3A_99, %broadcast_in_dim3A_101 : vector<16xi1>, vector<16xf32>
      %add3A_1199 = arith.addf %add3A_1100, %select_n3A_1198 : vector<16xf32>
      %eq3A_1200 = arith.cmpi eq, %add3A_44, %broadcast_in_dim3A_1160 : vector<16xi32>
      %select_n3A_1201 = arith.select %eq3A_1200, %broadcast_in_dim3A_99, %broadcast_in_dim3A_101 : vector<16xi1>, vector<16xf32>
      %add3A_1202 = arith.addf %add3A_1103, %select_n3A_1201 : vector<16xf32>
      %eq3A_1203 = arith.cmpi eq, %add3A_47, %broadcast_in_dim3A_1160 : vector<16xi32>
      %select_n3A_1204 = arith.select %eq3A_1203, %broadcast_in_dim3A_99, %broadcast_in_dim3A_101 : vector<16xi1>, vector<16xf32>
      %add3A_1205 = arith.addf %add3A_1106, %select_n3A_1204 : vector<16xf32>
      %eq3A_1206 = arith.cmpi eq, %add3A_50, %broadcast_in_dim3A_1160 : vector<16xi32>
      %select_n3A_1207 = arith.select %eq3A_1206, %broadcast_in_dim3A_99, %broadcast_in_dim3A_101 : vector<16xi1>, vector<16xf32>
      %add3A_1208 = arith.addf %add3A_1109, %select_n3A_1207 : vector<16xf32>
      %eq3A_1209 = arith.cmpi eq, %add3A_53, %broadcast_in_dim3A_1160 : vector<16xi32>
      %select_n3A_1210 = arith.select %eq3A_1209, %broadcast_in_dim3A_99, %broadcast_in_dim3A_101 : vector<16xi1>, vector<16xf32>
      %add3A_1211 = arith.addf %add3A_1112, %select_n3A_1210 : vector<16xf32>
      %eq3A_1212 = arith.cmpi eq, %add3A_56, %broadcast_in_dim3A_1160 : vector<16xi32>
      %select_n3A_1213 = arith.select %eq3A_1212, %broadcast_in_dim3A_99, %broadcast_in_dim3A_101 : vector<16xi1>, vector<16xf32>
      %add3A_1214 = arith.addf %add3A_1115, %select_n3A_1213 : vector<16xf32>
      %eq3A_1215 = arith.cmpi eq, %add3A_59, %broadcast_in_dim3A_1160 : vector<16xi32>
      %select_n3A_1216 = arith.select %eq3A_1215, %broadcast_in_dim3A_99, %broadcast_in_dim3A_101 : vector<16xi1>, vector<16xf32>
      %add3A_1217 = arith.addf %add3A_1118, %select_n3A_1216 : vector<16xf32>
      %eq3A_1218 = arith.cmpi eq, %add3A_62, %broadcast_in_dim3A_1160 : vector<16xi32>
      %select_n3A_1219 = arith.select %eq3A_1218, %broadcast_in_dim3A_99, %broadcast_in_dim3A_101 : vector<16xi1>, vector<16xf32>
      %add3A_1220 = arith.addf %add3A_1121, %select_n3A_1219 : vector<16xf32>
      %eq3A_1221 = arith.cmpi eq, %add3A_65, %broadcast_in_dim3A_1160 : vector<16xi32>
      %select_n3A_1222 = arith.select %eq3A_1221, %broadcast_in_dim3A_99, %broadcast_in_dim3A_101 : vector<16xi1>, vector<16xf32>
      %add3A_1223 = arith.addf %add3A_1124, %select_n3A_1222 : vector<16xf32>
      %eq3A_1224 = arith.cmpi eq, %add3A_68, %broadcast_in_dim3A_1160 : vector<16xi32>
      %select_n3A_1225 = arith.select %eq3A_1224, %broadcast_in_dim3A_99, %broadcast_in_dim3A_101 : vector<16xi1>, vector<16xf32>
      %add3A_1226 = arith.addf %add3A_1127, %select_n3A_1225 : vector<16xf32>
      %eq3A_1227 = arith.cmpi eq, %add3A_71, %broadcast_in_dim3A_1160 : vector<16xi32>
      %select_n3A_1228 = arith.select %eq3A_1227, %broadcast_in_dim3A_99, %broadcast_in_dim3A_101 : vector<16xi1>, vector<16xf32>
      %add3A_1229 = arith.addf %add3A_1130, %select_n3A_1228 : vector<16xf32>
      %eq3A_1230 = arith.cmpi eq, %add3A_74, %broadcast_in_dim3A_1160 : vector<16xi32>
      %select_n3A_1231 = arith.select %eq3A_1230, %broadcast_in_dim3A_99, %broadcast_in_dim3A_101 : vector<16xi1>, vector<16xf32>
      %add3A_1232 = arith.addf %add3A_1133, %select_n3A_1231 : vector<16xf32>
      %eq3A_1233 = arith.cmpi eq, %add3A_77, %broadcast_in_dim3A_1160 : vector<16xi32>
      %select_n3A_1234 = arith.select %eq3A_1233, %broadcast_in_dim3A_99, %broadcast_in_dim3A_101 : vector<16xi1>, vector<16xf32>
      %add3A_1235 = arith.addf %add3A_1136, %select_n3A_1234 : vector<16xf32>
      %eq3A_1236 = arith.cmpi eq, %add3A_80, %broadcast_in_dim3A_1160 : vector<16xi32>
      %select_n3A_1237 = arith.select %eq3A_1236, %broadcast_in_dim3A_99, %broadcast_in_dim3A_101 : vector<16xi1>, vector<16xf32>
      %add3A_1238 = arith.addf %add3A_1139, %select_n3A_1237 : vector<16xf32>
      %eq3A_1239 = arith.cmpi eq, %add3A_83, %broadcast_in_dim3A_1160 : vector<16xi32>
      %select_n3A_1240 = arith.select %eq3A_1239, %broadcast_in_dim3A_99, %broadcast_in_dim3A_101 : vector<16xi1>, vector<16xf32>
      %add3A_1241 = arith.addf %add3A_1142, %select_n3A_1240 : vector<16xf32>
      %eq3A_1242 = arith.cmpi eq, %add3A_86, %broadcast_in_dim3A_1160 : vector<16xi32>
      %select_n3A_1243 = arith.select %eq3A_1242, %broadcast_in_dim3A_99, %broadcast_in_dim3A_101 : vector<16xi1>, vector<16xf32>
      %add3A_1244 = arith.addf %add3A_1145, %select_n3A_1243 : vector<16xf32>
      %eq3A_1245 = arith.cmpi eq, %add3A_89, %broadcast_in_dim3A_1160 : vector<16xi32>
      %select_n3A_1246 = arith.select %eq3A_1245, %broadcast_in_dim3A_99, %broadcast_in_dim3A_101 : vector<16xi1>, vector<16xf32>
      %add3A_1247 = arith.addf %add3A_1148, %select_n3A_1246 : vector<16xf32>
      %eq3A_1248 = arith.cmpi eq, %add3A_92, %broadcast_in_dim3A_1160 : vector<16xi32>
      %select_n3A_1249 = arith.select %eq3A_1248, %broadcast_in_dim3A_99, %broadcast_in_dim3A_101 : vector<16xi1>, vector<16xf32>
      %add3A_1250 = arith.addf %add3A_1151, %select_n3A_1249 : vector<16xf32>
      %eq3A_1251 = arith.cmpi eq, %add3A_95, %broadcast_in_dim3A_1160 : vector<16xi32>
      %select_n3A_1252 = arith.select %eq3A_1251, %broadcast_in_dim3A_99, %broadcast_in_dim3A_101 : vector<16xi1>, vector<16xf32>
      %add3A_1253 = arith.addf %add3A_1154, %select_n3A_1252 : vector<16xf32>
      %eq3A_1254 = arith.cmpi eq, %add3A_98, %broadcast_in_dim3A_1160 : vector<16xi32>
      %select_n3A_1255 = arith.select %eq3A_1254, %broadcast_in_dim3A_99, %broadcast_in_dim3A_101 : vector<16xi1>, vector<16xf32>
      %add3A_1256 = arith.addf %add3A_1157, %select_n3A_1255 : vector<16xf32>
      %slice3A_1257 = vector.extract_strided_slice %get3A_270 {offsets = [10], sizes = [1], strides = [1]} : vector<16xi32> to vector<1xi32>
      %squeeze3A_1258 = vector.extract %slice3A_1257[0] : i32 from vector<1xi32>
      %broadcast_in_dim3A_1259 = vector.broadcast %squeeze3A_1258 : i32 to vector<16xi32>
      %eq3A_1260 = arith.cmpi eq, %add3A_5, %broadcast_in_dim3A_1259 : vector<16xi32>
      %select_n3A_1261 = arith.select %eq3A_1260, %broadcast_in_dim3A_99, %broadcast_in_dim3A_101 : vector<16xi1>, vector<16xf32>
      %add3A_1262 = arith.addf %add3A_1163, %select_n3A_1261 : vector<16xf32>
      %eq3A_1263 = arith.cmpi eq, %add3A_8, %broadcast_in_dim3A_1259 : vector<16xi32>
      %select_n3A_1264 = arith.select %eq3A_1263, %broadcast_in_dim3A_99, %broadcast_in_dim3A_101 : vector<16xi1>, vector<16xf32>
      %add3A_1265 = arith.addf %add3A_1166, %select_n3A_1264 : vector<16xf32>
      %eq3A_1266 = arith.cmpi eq, %add3A_11, %broadcast_in_dim3A_1259 : vector<16xi32>
      %select_n3A_1267 = arith.select %eq3A_1266, %broadcast_in_dim3A_99, %broadcast_in_dim3A_101 : vector<16xi1>, vector<16xf32>
      %add3A_1268 = arith.addf %add3A_1169, %select_n3A_1267 : vector<16xf32>
      %eq3A_1269 = arith.cmpi eq, %add3A_14, %broadcast_in_dim3A_1259 : vector<16xi32>
      %select_n3A_1270 = arith.select %eq3A_1269, %broadcast_in_dim3A_99, %broadcast_in_dim3A_101 : vector<16xi1>, vector<16xf32>
      %add3A_1271 = arith.addf %add3A_1172, %select_n3A_1270 : vector<16xf32>
      %eq3A_1272 = arith.cmpi eq, %add3A_17, %broadcast_in_dim3A_1259 : vector<16xi32>
      %select_n3A_1273 = arith.select %eq3A_1272, %broadcast_in_dim3A_99, %broadcast_in_dim3A_101 : vector<16xi1>, vector<16xf32>
      %add3A_1274 = arith.addf %add3A_1175, %select_n3A_1273 : vector<16xf32>
      %eq3A_1275 = arith.cmpi eq, %add3A_20, %broadcast_in_dim3A_1259 : vector<16xi32>
      %select_n3A_1276 = arith.select %eq3A_1275, %broadcast_in_dim3A_99, %broadcast_in_dim3A_101 : vector<16xi1>, vector<16xf32>
      %add3A_1277 = arith.addf %add3A_1178, %select_n3A_1276 : vector<16xf32>
      %eq3A_1278 = arith.cmpi eq, %add3A_23, %broadcast_in_dim3A_1259 : vector<16xi32>
      %select_n3A_1279 = arith.select %eq3A_1278, %broadcast_in_dim3A_99, %broadcast_in_dim3A_101 : vector<16xi1>, vector<16xf32>
      %add3A_1280 = arith.addf %add3A_1181, %select_n3A_1279 : vector<16xf32>
      %eq3A_1281 = arith.cmpi eq, %add3A_26, %broadcast_in_dim3A_1259 : vector<16xi32>
      %select_n3A_1282 = arith.select %eq3A_1281, %broadcast_in_dim3A_99, %broadcast_in_dim3A_101 : vector<16xi1>, vector<16xf32>
      %add3A_1283 = arith.addf %add3A_1184, %select_n3A_1282 : vector<16xf32>
      %eq3A_1284 = arith.cmpi eq, %add3A_29, %broadcast_in_dim3A_1259 : vector<16xi32>
      %select_n3A_1285 = arith.select %eq3A_1284, %broadcast_in_dim3A_99, %broadcast_in_dim3A_101 : vector<16xi1>, vector<16xf32>
      %add3A_1286 = arith.addf %add3A_1187, %select_n3A_1285 : vector<16xf32>
      %eq3A_1287 = arith.cmpi eq, %add3A_32, %broadcast_in_dim3A_1259 : vector<16xi32>
      %select_n3A_1288 = arith.select %eq3A_1287, %broadcast_in_dim3A_99, %broadcast_in_dim3A_101 : vector<16xi1>, vector<16xf32>
      %add3A_1289 = arith.addf %add3A_1190, %select_n3A_1288 : vector<16xf32>
      %eq3A_1290 = arith.cmpi eq, %add3A_35, %broadcast_in_dim3A_1259 : vector<16xi32>
      %select_n3A_1291 = arith.select %eq3A_1290, %broadcast_in_dim3A_99, %broadcast_in_dim3A_101 : vector<16xi1>, vector<16xf32>
      %add3A_1292 = arith.addf %add3A_1193, %select_n3A_1291 : vector<16xf32>
      %eq3A_1293 = arith.cmpi eq, %add3A_38, %broadcast_in_dim3A_1259 : vector<16xi32>
      %select_n3A_1294 = arith.select %eq3A_1293, %broadcast_in_dim3A_99, %broadcast_in_dim3A_101 : vector<16xi1>, vector<16xf32>
      %add3A_1295 = arith.addf %add3A_1196, %select_n3A_1294 : vector<16xf32>
      %eq3A_1296 = arith.cmpi eq, %add3A_41, %broadcast_in_dim3A_1259 : vector<16xi32>
      %select_n3A_1297 = arith.select %eq3A_1296, %broadcast_in_dim3A_99, %broadcast_in_dim3A_101 : vector<16xi1>, vector<16xf32>
      %add3A_1298 = arith.addf %add3A_1199, %select_n3A_1297 : vector<16xf32>
      %eq3A_1299 = arith.cmpi eq, %add3A_44, %broadcast_in_dim3A_1259 : vector<16xi32>
      %select_n3A_1300 = arith.select %eq3A_1299, %broadcast_in_dim3A_99, %broadcast_in_dim3A_101 : vector<16xi1>, vector<16xf32>
      %add3A_1301 = arith.addf %add3A_1202, %select_n3A_1300 : vector<16xf32>
      %eq3A_1302 = arith.cmpi eq, %add3A_47, %broadcast_in_dim3A_1259 : vector<16xi32>
      %select_n3A_1303 = arith.select %eq3A_1302, %broadcast_in_dim3A_99, %broadcast_in_dim3A_101 : vector<16xi1>, vector<16xf32>
      %add3A_1304 = arith.addf %add3A_1205, %select_n3A_1303 : vector<16xf32>
      %eq3A_1305 = arith.cmpi eq, %add3A_50, %broadcast_in_dim3A_1259 : vector<16xi32>
      %select_n3A_1306 = arith.select %eq3A_1305, %broadcast_in_dim3A_99, %broadcast_in_dim3A_101 : vector<16xi1>, vector<16xf32>
      %add3A_1307 = arith.addf %add3A_1208, %select_n3A_1306 : vector<16xf32>
      %eq3A_1308 = arith.cmpi eq, %add3A_53, %broadcast_in_dim3A_1259 : vector<16xi32>
      %select_n3A_1309 = arith.select %eq3A_1308, %broadcast_in_dim3A_99, %broadcast_in_dim3A_101 : vector<16xi1>, vector<16xf32>
      %add3A_1310 = arith.addf %add3A_1211, %select_n3A_1309 : vector<16xf32>
      %eq3A_1311 = arith.cmpi eq, %add3A_56, %broadcast_in_dim3A_1259 : vector<16xi32>
      %select_n3A_1312 = arith.select %eq3A_1311, %broadcast_in_dim3A_99, %broadcast_in_dim3A_101 : vector<16xi1>, vector<16xf32>
      %add3A_1313 = arith.addf %add3A_1214, %select_n3A_1312 : vector<16xf32>
      %eq3A_1314 = arith.cmpi eq, %add3A_59, %broadcast_in_dim3A_1259 : vector<16xi32>
      %select_n3A_1315 = arith.select %eq3A_1314, %broadcast_in_dim3A_99, %broadcast_in_dim3A_101 : vector<16xi1>, vector<16xf32>
      %add3A_1316 = arith.addf %add3A_1217, %select_n3A_1315 : vector<16xf32>
      %eq3A_1317 = arith.cmpi eq, %add3A_62, %broadcast_in_dim3A_1259 : vector<16xi32>
      %select_n3A_1318 = arith.select %eq3A_1317, %broadcast_in_dim3A_99, %broadcast_in_dim3A_101 : vector<16xi1>, vector<16xf32>
      %add3A_1319 = arith.addf %add3A_1220, %select_n3A_1318 : vector<16xf32>
      %eq3A_1320 = arith.cmpi eq, %add3A_65, %broadcast_in_dim3A_1259 : vector<16xi32>
      %select_n3A_1321 = arith.select %eq3A_1320, %broadcast_in_dim3A_99, %broadcast_in_dim3A_101 : vector<16xi1>, vector<16xf32>
      %add3A_1322 = arith.addf %add3A_1223, %select_n3A_1321 : vector<16xf32>
      %eq3A_1323 = arith.cmpi eq, %add3A_68, %broadcast_in_dim3A_1259 : vector<16xi32>
      %select_n3A_1324 = arith.select %eq3A_1323, %broadcast_in_dim3A_99, %broadcast_in_dim3A_101 : vector<16xi1>, vector<16xf32>
      %add3A_1325 = arith.addf %add3A_1226, %select_n3A_1324 : vector<16xf32>
      %eq3A_1326 = arith.cmpi eq, %add3A_71, %broadcast_in_dim3A_1259 : vector<16xi32>
      %select_n3A_1327 = arith.select %eq3A_1326, %broadcast_in_dim3A_99, %broadcast_in_dim3A_101 : vector<16xi1>, vector<16xf32>
      %add3A_1328 = arith.addf %add3A_1229, %select_n3A_1327 : vector<16xf32>
      %eq3A_1329 = arith.cmpi eq, %add3A_74, %broadcast_in_dim3A_1259 : vector<16xi32>
      %select_n3A_1330 = arith.select %eq3A_1329, %broadcast_in_dim3A_99, %broadcast_in_dim3A_101 : vector<16xi1>, vector<16xf32>
      %add3A_1331 = arith.addf %add3A_1232, %select_n3A_1330 : vector<16xf32>
      %eq3A_1332 = arith.cmpi eq, %add3A_77, %broadcast_in_dim3A_1259 : vector<16xi32>
      %select_n3A_1333 = arith.select %eq3A_1332, %broadcast_in_dim3A_99, %broadcast_in_dim3A_101 : vector<16xi1>, vector<16xf32>
      %add3A_1334 = arith.addf %add3A_1235, %select_n3A_1333 : vector<16xf32>
      %eq3A_1335 = arith.cmpi eq, %add3A_80, %broadcast_in_dim3A_1259 : vector<16xi32>
      %select_n3A_1336 = arith.select %eq3A_1335, %broadcast_in_dim3A_99, %broadcast_in_dim3A_101 : vector<16xi1>, vector<16xf32>
      %add3A_1337 = arith.addf %add3A_1238, %select_n3A_1336 : vector<16xf32>
      %eq3A_1338 = arith.cmpi eq, %add3A_83, %broadcast_in_dim3A_1259 : vector<16xi32>
      %select_n3A_1339 = arith.select %eq3A_1338, %broadcast_in_dim3A_99, %broadcast_in_dim3A_101 : vector<16xi1>, vector<16xf32>
      %add3A_1340 = arith.addf %add3A_1241, %select_n3A_1339 : vector<16xf32>
      %eq3A_1341 = arith.cmpi eq, %add3A_86, %broadcast_in_dim3A_1259 : vector<16xi32>
      %select_n3A_1342 = arith.select %eq3A_1341, %broadcast_in_dim3A_99, %broadcast_in_dim3A_101 : vector<16xi1>, vector<16xf32>
      %add3A_1343 = arith.addf %add3A_1244, %select_n3A_1342 : vector<16xf32>
      %eq3A_1344 = arith.cmpi eq, %add3A_89, %broadcast_in_dim3A_1259 : vector<16xi32>
      %select_n3A_1345 = arith.select %eq3A_1344, %broadcast_in_dim3A_99, %broadcast_in_dim3A_101 : vector<16xi1>, vector<16xf32>
      %add3A_1346 = arith.addf %add3A_1247, %select_n3A_1345 : vector<16xf32>
      %eq3A_1347 = arith.cmpi eq, %add3A_92, %broadcast_in_dim3A_1259 : vector<16xi32>
      %select_n3A_1348 = arith.select %eq3A_1347, %broadcast_in_dim3A_99, %broadcast_in_dim3A_101 : vector<16xi1>, vector<16xf32>
      %add3A_1349 = arith.addf %add3A_1250, %select_n3A_1348 : vector<16xf32>
      %eq3A_1350 = arith.cmpi eq, %add3A_95, %broadcast_in_dim3A_1259 : vector<16xi32>
      %select_n3A_1351 = arith.select %eq3A_1350, %broadcast_in_dim3A_99, %broadcast_in_dim3A_101 : vector<16xi1>, vector<16xf32>
      %add3A_1352 = arith.addf %add3A_1253, %select_n3A_1351 : vector<16xf32>
      %eq3A_1353 = arith.cmpi eq, %add3A_98, %broadcast_in_dim3A_1259 : vector<16xi32>
      %select_n3A_1354 = arith.select %eq3A_1353, %broadcast_in_dim3A_99, %broadcast_in_dim3A_101 : vector<16xi1>, vector<16xf32>
      %add3A_1355 = arith.addf %add3A_1256, %select_n3A_1354 : vector<16xf32>
      %slice3A_1356 = vector.extract_strided_slice %get3A_270 {offsets = [11], sizes = [1], strides = [1]} : vector<16xi32> to vector<1xi32>
      %squeeze3A_1357 = vector.extract %slice3A_1356[0] : i32 from vector<1xi32>
      %broadcast_in_dim3A_1358 = vector.broadcast %squeeze3A_1357 : i32 to vector<16xi32>
      %eq3A_1359 = arith.cmpi eq, %add3A_5, %broadcast_in_dim3A_1358 : vector<16xi32>
      %select_n3A_1360 = arith.select %eq3A_1359, %broadcast_in_dim3A_99, %broadcast_in_dim3A_101 : vector<16xi1>, vector<16xf32>
      %add3A_1361 = arith.addf %add3A_1262, %select_n3A_1360 : vector<16xf32>
      %eq3A_1362 = arith.cmpi eq, %add3A_8, %broadcast_in_dim3A_1358 : vector<16xi32>
      %select_n3A_1363 = arith.select %eq3A_1362, %broadcast_in_dim3A_99, %broadcast_in_dim3A_101 : vector<16xi1>, vector<16xf32>
      %add3A_1364 = arith.addf %add3A_1265, %select_n3A_1363 : vector<16xf32>
      %eq3A_1365 = arith.cmpi eq, %add3A_11, %broadcast_in_dim3A_1358 : vector<16xi32>
      %select_n3A_1366 = arith.select %eq3A_1365, %broadcast_in_dim3A_99, %broadcast_in_dim3A_101 : vector<16xi1>, vector<16xf32>
      %add3A_1367 = arith.addf %add3A_1268, %select_n3A_1366 : vector<16xf32>
      %eq3A_1368 = arith.cmpi eq, %add3A_14, %broadcast_in_dim3A_1358 : vector<16xi32>
      %select_n3A_1369 = arith.select %eq3A_1368, %broadcast_in_dim3A_99, %broadcast_in_dim3A_101 : vector<16xi1>, vector<16xf32>
      %add3A_1370 = arith.addf %add3A_1271, %select_n3A_1369 : vector<16xf32>
      %eq3A_1371 = arith.cmpi eq, %add3A_17, %broadcast_in_dim3A_1358 : vector<16xi32>
      %select_n3A_1372 = arith.select %eq3A_1371, %broadcast_in_dim3A_99, %broadcast_in_dim3A_101 : vector<16xi1>, vector<16xf32>
      %add3A_1373 = arith.addf %add3A_1274, %select_n3A_1372 : vector<16xf32>
      %eq3A_1374 = arith.cmpi eq, %add3A_20, %broadcast_in_dim3A_1358 : vector<16xi32>
      %select_n3A_1375 = arith.select %eq3A_1374, %broadcast_in_dim3A_99, %broadcast_in_dim3A_101 : vector<16xi1>, vector<16xf32>
      %add3A_1376 = arith.addf %add3A_1277, %select_n3A_1375 : vector<16xf32>
      %eq3A_1377 = arith.cmpi eq, %add3A_23, %broadcast_in_dim3A_1358 : vector<16xi32>
      %select_n3A_1378 = arith.select %eq3A_1377, %broadcast_in_dim3A_99, %broadcast_in_dim3A_101 : vector<16xi1>, vector<16xf32>
      %add3A_1379 = arith.addf %add3A_1280, %select_n3A_1378 : vector<16xf32>
      %eq3A_1380 = arith.cmpi eq, %add3A_26, %broadcast_in_dim3A_1358 : vector<16xi32>
      %select_n3A_1381 = arith.select %eq3A_1380, %broadcast_in_dim3A_99, %broadcast_in_dim3A_101 : vector<16xi1>, vector<16xf32>
      %add3A_1382 = arith.addf %add3A_1283, %select_n3A_1381 : vector<16xf32>
      %eq3A_1383 = arith.cmpi eq, %add3A_29, %broadcast_in_dim3A_1358 : vector<16xi32>
      %select_n3A_1384 = arith.select %eq3A_1383, %broadcast_in_dim3A_99, %broadcast_in_dim3A_101 : vector<16xi1>, vector<16xf32>
      %add3A_1385 = arith.addf %add3A_1286, %select_n3A_1384 : vector<16xf32>
      %eq3A_1386 = arith.cmpi eq, %add3A_32, %broadcast_in_dim3A_1358 : vector<16xi32>
      %select_n3A_1387 = arith.select %eq3A_1386, %broadcast_in_dim3A_99, %broadcast_in_dim3A_101 : vector<16xi1>, vector<16xf32>
      %add3A_1388 = arith.addf %add3A_1289, %select_n3A_1387 : vector<16xf32>
      %eq3A_1389 = arith.cmpi eq, %add3A_35, %broadcast_in_dim3A_1358 : vector<16xi32>
      %select_n3A_1390 = arith.select %eq3A_1389, %broadcast_in_dim3A_99, %broadcast_in_dim3A_101 : vector<16xi1>, vector<16xf32>
      %add3A_1391 = arith.addf %add3A_1292, %select_n3A_1390 : vector<16xf32>
      %eq3A_1392 = arith.cmpi eq, %add3A_38, %broadcast_in_dim3A_1358 : vector<16xi32>
      %select_n3A_1393 = arith.select %eq3A_1392, %broadcast_in_dim3A_99, %broadcast_in_dim3A_101 : vector<16xi1>, vector<16xf32>
      %add3A_1394 = arith.addf %add3A_1295, %select_n3A_1393 : vector<16xf32>
      %eq3A_1395 = arith.cmpi eq, %add3A_41, %broadcast_in_dim3A_1358 : vector<16xi32>
      %select_n3A_1396 = arith.select %eq3A_1395, %broadcast_in_dim3A_99, %broadcast_in_dim3A_101 : vector<16xi1>, vector<16xf32>
      %add3A_1397 = arith.addf %add3A_1298, %select_n3A_1396 : vector<16xf32>
      %eq3A_1398 = arith.cmpi eq, %add3A_44, %broadcast_in_dim3A_1358 : vector<16xi32>
      %select_n3A_1399 = arith.select %eq3A_1398, %broadcast_in_dim3A_99, %broadcast_in_dim3A_101 : vector<16xi1>, vector<16xf32>
      %add3A_1400 = arith.addf %add3A_1301, %select_n3A_1399 : vector<16xf32>
      %eq3A_1401 = arith.cmpi eq, %add3A_47, %broadcast_in_dim3A_1358 : vector<16xi32>
      %select_n3A_1402 = arith.select %eq3A_1401, %broadcast_in_dim3A_99, %broadcast_in_dim3A_101 : vector<16xi1>, vector<16xf32>
      %add3A_1403 = arith.addf %add3A_1304, %select_n3A_1402 : vector<16xf32>
      %eq3A_1404 = arith.cmpi eq, %add3A_50, %broadcast_in_dim3A_1358 : vector<16xi32>
      %select_n3A_1405 = arith.select %eq3A_1404, %broadcast_in_dim3A_99, %broadcast_in_dim3A_101 : vector<16xi1>, vector<16xf32>
      %add3A_1406 = arith.addf %add3A_1307, %select_n3A_1405 : vector<16xf32>
      %eq3A_1407 = arith.cmpi eq, %add3A_53, %broadcast_in_dim3A_1358 : vector<16xi32>
      %select_n3A_1408 = arith.select %eq3A_1407, %broadcast_in_dim3A_99, %broadcast_in_dim3A_101 : vector<16xi1>, vector<16xf32>
      %add3A_1409 = arith.addf %add3A_1310, %select_n3A_1408 : vector<16xf32>
      %eq3A_1410 = arith.cmpi eq, %add3A_56, %broadcast_in_dim3A_1358 : vector<16xi32>
      %select_n3A_1411 = arith.select %eq3A_1410, %broadcast_in_dim3A_99, %broadcast_in_dim3A_101 : vector<16xi1>, vector<16xf32>
      %add3A_1412 = arith.addf %add3A_1313, %select_n3A_1411 : vector<16xf32>
      %eq3A_1413 = arith.cmpi eq, %add3A_59, %broadcast_in_dim3A_1358 : vector<16xi32>
      %select_n3A_1414 = arith.select %eq3A_1413, %broadcast_in_dim3A_99, %broadcast_in_dim3A_101 : vector<16xi1>, vector<16xf32>
      %add3A_1415 = arith.addf %add3A_1316, %select_n3A_1414 : vector<16xf32>
      %eq3A_1416 = arith.cmpi eq, %add3A_62, %broadcast_in_dim3A_1358 : vector<16xi32>
      %select_n3A_1417 = arith.select %eq3A_1416, %broadcast_in_dim3A_99, %broadcast_in_dim3A_101 : vector<16xi1>, vector<16xf32>
      %add3A_1418 = arith.addf %add3A_1319, %select_n3A_1417 : vector<16xf32>
      %eq3A_1419 = arith.cmpi eq, %add3A_65, %broadcast_in_dim3A_1358 : vector<16xi32>
      %select_n3A_1420 = arith.select %eq3A_1419, %broadcast_in_dim3A_99, %broadcast_in_dim3A_101 : vector<16xi1>, vector<16xf32>
      %add3A_1421 = arith.addf %add3A_1322, %select_n3A_1420 : vector<16xf32>
      %eq3A_1422 = arith.cmpi eq, %add3A_68, %broadcast_in_dim3A_1358 : vector<16xi32>
      %select_n3A_1423 = arith.select %eq3A_1422, %broadcast_in_dim3A_99, %broadcast_in_dim3A_101 : vector<16xi1>, vector<16xf32>
      %add3A_1424 = arith.addf %add3A_1325, %select_n3A_1423 : vector<16xf32>
      %eq3A_1425 = arith.cmpi eq, %add3A_71, %broadcast_in_dim3A_1358 : vector<16xi32>
      %select_n3A_1426 = arith.select %eq3A_1425, %broadcast_in_dim3A_99, %broadcast_in_dim3A_101 : vector<16xi1>, vector<16xf32>
      %add3A_1427 = arith.addf %add3A_1328, %select_n3A_1426 : vector<16xf32>
      %eq3A_1428 = arith.cmpi eq, %add3A_74, %broadcast_in_dim3A_1358 : vector<16xi32>
      %select_n3A_1429 = arith.select %eq3A_1428, %broadcast_in_dim3A_99, %broadcast_in_dim3A_101 : vector<16xi1>, vector<16xf32>
      %add3A_1430 = arith.addf %add3A_1331, %select_n3A_1429 : vector<16xf32>
      %eq3A_1431 = arith.cmpi eq, %add3A_77, %broadcast_in_dim3A_1358 : vector<16xi32>
      %select_n3A_1432 = arith.select %eq3A_1431, %broadcast_in_dim3A_99, %broadcast_in_dim3A_101 : vector<16xi1>, vector<16xf32>
      %add3A_1433 = arith.addf %add3A_1334, %select_n3A_1432 : vector<16xf32>
      %eq3A_1434 = arith.cmpi eq, %add3A_80, %broadcast_in_dim3A_1358 : vector<16xi32>
      %select_n3A_1435 = arith.select %eq3A_1434, %broadcast_in_dim3A_99, %broadcast_in_dim3A_101 : vector<16xi1>, vector<16xf32>
      %add3A_1436 = arith.addf %add3A_1337, %select_n3A_1435 : vector<16xf32>
      %eq3A_1437 = arith.cmpi eq, %add3A_83, %broadcast_in_dim3A_1358 : vector<16xi32>
      %select_n3A_1438 = arith.select %eq3A_1437, %broadcast_in_dim3A_99, %broadcast_in_dim3A_101 : vector<16xi1>, vector<16xf32>
      %add3A_1439 = arith.addf %add3A_1340, %select_n3A_1438 : vector<16xf32>
      %eq3A_1440 = arith.cmpi eq, %add3A_86, %broadcast_in_dim3A_1358 : vector<16xi32>
      %select_n3A_1441 = arith.select %eq3A_1440, %broadcast_in_dim3A_99, %broadcast_in_dim3A_101 : vector<16xi1>, vector<16xf32>
      %add3A_1442 = arith.addf %add3A_1343, %select_n3A_1441 : vector<16xf32>
      %eq3A_1443 = arith.cmpi eq, %add3A_89, %broadcast_in_dim3A_1358 : vector<16xi32>
      %select_n3A_1444 = arith.select %eq3A_1443, %broadcast_in_dim3A_99, %broadcast_in_dim3A_101 : vector<16xi1>, vector<16xf32>
      %add3A_1445 = arith.addf %add3A_1346, %select_n3A_1444 : vector<16xf32>
      %eq3A_1446 = arith.cmpi eq, %add3A_92, %broadcast_in_dim3A_1358 : vector<16xi32>
      %select_n3A_1447 = arith.select %eq3A_1446, %broadcast_in_dim3A_99, %broadcast_in_dim3A_101 : vector<16xi1>, vector<16xf32>
      %add3A_1448 = arith.addf %add3A_1349, %select_n3A_1447 : vector<16xf32>
      %eq3A_1449 = arith.cmpi eq, %add3A_95, %broadcast_in_dim3A_1358 : vector<16xi32>
      %select_n3A_1450 = arith.select %eq3A_1449, %broadcast_in_dim3A_99, %broadcast_in_dim3A_101 : vector<16xi1>, vector<16xf32>
      %add3A_1451 = arith.addf %add3A_1352, %select_n3A_1450 : vector<16xf32>
      %eq3A_1452 = arith.cmpi eq, %add3A_98, %broadcast_in_dim3A_1358 : vector<16xi32>
      %select_n3A_1453 = arith.select %eq3A_1452, %broadcast_in_dim3A_99, %broadcast_in_dim3A_101 : vector<16xi1>, vector<16xf32>
      %add3A_1454 = arith.addf %add3A_1355, %select_n3A_1453 : vector<16xf32>
      %slice3A_1455 = vector.extract_strided_slice %get3A_270 {offsets = [12], sizes = [1], strides = [1]} : vector<16xi32> to vector<1xi32>
      %squeeze3A_1456 = vector.extract %slice3A_1455[0] : i32 from vector<1xi32>
      %broadcast_in_dim3A_1457 = vector.broadcast %squeeze3A_1456 : i32 to vector<16xi32>
      %eq3A_1458 = arith.cmpi eq, %add3A_5, %broadcast_in_dim3A_1457 : vector<16xi32>
      %select_n3A_1459 = arith.select %eq3A_1458, %broadcast_in_dim3A_99, %broadcast_in_dim3A_101 : vector<16xi1>, vector<16xf32>
      %add3A_1460 = arith.addf %add3A_1361, %select_n3A_1459 : vector<16xf32>
      %eq3A_1461 = arith.cmpi eq, %add3A_8, %broadcast_in_dim3A_1457 : vector<16xi32>
      %select_n3A_1462 = arith.select %eq3A_1461, %broadcast_in_dim3A_99, %broadcast_in_dim3A_101 : vector<16xi1>, vector<16xf32>
      %add3A_1463 = arith.addf %add3A_1364, %select_n3A_1462 : vector<16xf32>
      %eq3A_1464 = arith.cmpi eq, %add3A_11, %broadcast_in_dim3A_1457 : vector<16xi32>
      %select_n3A_1465 = arith.select %eq3A_1464, %broadcast_in_dim3A_99, %broadcast_in_dim3A_101 : vector<16xi1>, vector<16xf32>
      %add3A_1466 = arith.addf %add3A_1367, %select_n3A_1465 : vector<16xf32>
      %eq3A_1467 = arith.cmpi eq, %add3A_14, %broadcast_in_dim3A_1457 : vector<16xi32>
      %select_n3A_1468 = arith.select %eq3A_1467, %broadcast_in_dim3A_99, %broadcast_in_dim3A_101 : vector<16xi1>, vector<16xf32>
      %add3A_1469 = arith.addf %add3A_1370, %select_n3A_1468 : vector<16xf32>
      %eq3A_1470 = arith.cmpi eq, %add3A_17, %broadcast_in_dim3A_1457 : vector<16xi32>
      %select_n3A_1471 = arith.select %eq3A_1470, %broadcast_in_dim3A_99, %broadcast_in_dim3A_101 : vector<16xi1>, vector<16xf32>
      %add3A_1472 = arith.addf %add3A_1373, %select_n3A_1471 : vector<16xf32>
      %eq3A_1473 = arith.cmpi eq, %add3A_20, %broadcast_in_dim3A_1457 : vector<16xi32>
      %select_n3A_1474 = arith.select %eq3A_1473, %broadcast_in_dim3A_99, %broadcast_in_dim3A_101 : vector<16xi1>, vector<16xf32>
      %add3A_1475 = arith.addf %add3A_1376, %select_n3A_1474 : vector<16xf32>
      %eq3A_1476 = arith.cmpi eq, %add3A_23, %broadcast_in_dim3A_1457 : vector<16xi32>
      %select_n3A_1477 = arith.select %eq3A_1476, %broadcast_in_dim3A_99, %broadcast_in_dim3A_101 : vector<16xi1>, vector<16xf32>
      %add3A_1478 = arith.addf %add3A_1379, %select_n3A_1477 : vector<16xf32>
      %eq3A_1479 = arith.cmpi eq, %add3A_26, %broadcast_in_dim3A_1457 : vector<16xi32>
      %select_n3A_1480 = arith.select %eq3A_1479, %broadcast_in_dim3A_99, %broadcast_in_dim3A_101 : vector<16xi1>, vector<16xf32>
      %add3A_1481 = arith.addf %add3A_1382, %select_n3A_1480 : vector<16xf32>
      %eq3A_1482 = arith.cmpi eq, %add3A_29, %broadcast_in_dim3A_1457 : vector<16xi32>
      %select_n3A_1483 = arith.select %eq3A_1482, %broadcast_in_dim3A_99, %broadcast_in_dim3A_101 : vector<16xi1>, vector<16xf32>
      %add3A_1484 = arith.addf %add3A_1385, %select_n3A_1483 : vector<16xf32>
      %eq3A_1485 = arith.cmpi eq, %add3A_32, %broadcast_in_dim3A_1457 : vector<16xi32>
      %select_n3A_1486 = arith.select %eq3A_1485, %broadcast_in_dim3A_99, %broadcast_in_dim3A_101 : vector<16xi1>, vector<16xf32>
      %add3A_1487 = arith.addf %add3A_1388, %select_n3A_1486 : vector<16xf32>
      %eq3A_1488 = arith.cmpi eq, %add3A_35, %broadcast_in_dim3A_1457 : vector<16xi32>
      %select_n3A_1489 = arith.select %eq3A_1488, %broadcast_in_dim3A_99, %broadcast_in_dim3A_101 : vector<16xi1>, vector<16xf32>
      %add3A_1490 = arith.addf %add3A_1391, %select_n3A_1489 : vector<16xf32>
      %eq3A_1491 = arith.cmpi eq, %add3A_38, %broadcast_in_dim3A_1457 : vector<16xi32>
      %select_n3A_1492 = arith.select %eq3A_1491, %broadcast_in_dim3A_99, %broadcast_in_dim3A_101 : vector<16xi1>, vector<16xf32>
      %add3A_1493 = arith.addf %add3A_1394, %select_n3A_1492 : vector<16xf32>
      %eq3A_1494 = arith.cmpi eq, %add3A_41, %broadcast_in_dim3A_1457 : vector<16xi32>
      %select_n3A_1495 = arith.select %eq3A_1494, %broadcast_in_dim3A_99, %broadcast_in_dim3A_101 : vector<16xi1>, vector<16xf32>
      %add3A_1496 = arith.addf %add3A_1397, %select_n3A_1495 : vector<16xf32>
      %eq3A_1497 = arith.cmpi eq, %add3A_44, %broadcast_in_dim3A_1457 : vector<16xi32>
      %select_n3A_1498 = arith.select %eq3A_1497, %broadcast_in_dim3A_99, %broadcast_in_dim3A_101 : vector<16xi1>, vector<16xf32>
      %add3A_1499 = arith.addf %add3A_1400, %select_n3A_1498 : vector<16xf32>
      %eq3A_1500 = arith.cmpi eq, %add3A_47, %broadcast_in_dim3A_1457 : vector<16xi32>
      %select_n3A_1501 = arith.select %eq3A_1500, %broadcast_in_dim3A_99, %broadcast_in_dim3A_101 : vector<16xi1>, vector<16xf32>
      %add3A_1502 = arith.addf %add3A_1403, %select_n3A_1501 : vector<16xf32>
      %eq3A_1503 = arith.cmpi eq, %add3A_50, %broadcast_in_dim3A_1457 : vector<16xi32>
      %select_n3A_1504 = arith.select %eq3A_1503, %broadcast_in_dim3A_99, %broadcast_in_dim3A_101 : vector<16xi1>, vector<16xf32>
      %add3A_1505 = arith.addf %add3A_1406, %select_n3A_1504 : vector<16xf32>
      %eq3A_1506 = arith.cmpi eq, %add3A_53, %broadcast_in_dim3A_1457 : vector<16xi32>
      %select_n3A_1507 = arith.select %eq3A_1506, %broadcast_in_dim3A_99, %broadcast_in_dim3A_101 : vector<16xi1>, vector<16xf32>
      %add3A_1508 = arith.addf %add3A_1409, %select_n3A_1507 : vector<16xf32>
      %eq3A_1509 = arith.cmpi eq, %add3A_56, %broadcast_in_dim3A_1457 : vector<16xi32>
      %select_n3A_1510 = arith.select %eq3A_1509, %broadcast_in_dim3A_99, %broadcast_in_dim3A_101 : vector<16xi1>, vector<16xf32>
      %add3A_1511 = arith.addf %add3A_1412, %select_n3A_1510 : vector<16xf32>
      %eq3A_1512 = arith.cmpi eq, %add3A_59, %broadcast_in_dim3A_1457 : vector<16xi32>
      %select_n3A_1513 = arith.select %eq3A_1512, %broadcast_in_dim3A_99, %broadcast_in_dim3A_101 : vector<16xi1>, vector<16xf32>
      %add3A_1514 = arith.addf %add3A_1415, %select_n3A_1513 : vector<16xf32>
      %eq3A_1515 = arith.cmpi eq, %add3A_62, %broadcast_in_dim3A_1457 : vector<16xi32>
      %select_n3A_1516 = arith.select %eq3A_1515, %broadcast_in_dim3A_99, %broadcast_in_dim3A_101 : vector<16xi1>, vector<16xf32>
      %add3A_1517 = arith.addf %add3A_1418, %select_n3A_1516 : vector<16xf32>
      %eq3A_1518 = arith.cmpi eq, %add3A_65, %broadcast_in_dim3A_1457 : vector<16xi32>
      %select_n3A_1519 = arith.select %eq3A_1518, %broadcast_in_dim3A_99, %broadcast_in_dim3A_101 : vector<16xi1>, vector<16xf32>
      %add3A_1520 = arith.addf %add3A_1421, %select_n3A_1519 : vector<16xf32>
      %eq3A_1521 = arith.cmpi eq, %add3A_68, %broadcast_in_dim3A_1457 : vector<16xi32>
      %select_n3A_1522 = arith.select %eq3A_1521, %broadcast_in_dim3A_99, %broadcast_in_dim3A_101 : vector<16xi1>, vector<16xf32>
      %add3A_1523 = arith.addf %add3A_1424, %select_n3A_1522 : vector<16xf32>
      %eq3A_1524 = arith.cmpi eq, %add3A_71, %broadcast_in_dim3A_1457 : vector<16xi32>
      %select_n3A_1525 = arith.select %eq3A_1524, %broadcast_in_dim3A_99, %broadcast_in_dim3A_101 : vector<16xi1>, vector<16xf32>
      %add3A_1526 = arith.addf %add3A_1427, %select_n3A_1525 : vector<16xf32>
      %eq3A_1527 = arith.cmpi eq, %add3A_74, %broadcast_in_dim3A_1457 : vector<16xi32>
      %select_n3A_1528 = arith.select %eq3A_1527, %broadcast_in_dim3A_99, %broadcast_in_dim3A_101 : vector<16xi1>, vector<16xf32>
      %add3A_1529 = arith.addf %add3A_1430, %select_n3A_1528 : vector<16xf32>
      %eq3A_1530 = arith.cmpi eq, %add3A_77, %broadcast_in_dim3A_1457 : vector<16xi32>
      %select_n3A_1531 = arith.select %eq3A_1530, %broadcast_in_dim3A_99, %broadcast_in_dim3A_101 : vector<16xi1>, vector<16xf32>
      %add3A_1532 = arith.addf %add3A_1433, %select_n3A_1531 : vector<16xf32>
      %eq3A_1533 = arith.cmpi eq, %add3A_80, %broadcast_in_dim3A_1457 : vector<16xi32>
      %select_n3A_1534 = arith.select %eq3A_1533, %broadcast_in_dim3A_99, %broadcast_in_dim3A_101 : vector<16xi1>, vector<16xf32>
      %add3A_1535 = arith.addf %add3A_1436, %select_n3A_1534 : vector<16xf32>
      %eq3A_1536 = arith.cmpi eq, %add3A_83, %broadcast_in_dim3A_1457 : vector<16xi32>
      %select_n3A_1537 = arith.select %eq3A_1536, %broadcast_in_dim3A_99, %broadcast_in_dim3A_101 : vector<16xi1>, vector<16xf32>
      %add3A_1538 = arith.addf %add3A_1439, %select_n3A_1537 : vector<16xf32>
      %eq3A_1539 = arith.cmpi eq, %add3A_86, %broadcast_in_dim3A_1457 : vector<16xi32>
      %select_n3A_1540 = arith.select %eq3A_1539, %broadcast_in_dim3A_99, %broadcast_in_dim3A_101 : vector<16xi1>, vector<16xf32>
      %add3A_1541 = arith.addf %add3A_1442, %select_n3A_1540 : vector<16xf32>
      %eq3A_1542 = arith.cmpi eq, %add3A_89, %broadcast_in_dim3A_1457 : vector<16xi32>
      %select_n3A_1543 = arith.select %eq3A_1542, %broadcast_in_dim3A_99, %broadcast_in_dim3A_101 : vector<16xi1>, vector<16xf32>
      %add3A_1544 = arith.addf %add3A_1445, %select_n3A_1543 : vector<16xf32>
      %eq3A_1545 = arith.cmpi eq, %add3A_92, %broadcast_in_dim3A_1457 : vector<16xi32>
      %select_n3A_1546 = arith.select %eq3A_1545, %broadcast_in_dim3A_99, %broadcast_in_dim3A_101 : vector<16xi1>, vector<16xf32>
      %add3A_1547 = arith.addf %add3A_1448, %select_n3A_1546 : vector<16xf32>
      %eq3A_1548 = arith.cmpi eq, %add3A_95, %broadcast_in_dim3A_1457 : vector<16xi32>
      %select_n3A_1549 = arith.select %eq3A_1548, %broadcast_in_dim3A_99, %broadcast_in_dim3A_101 : vector<16xi1>, vector<16xf32>
      %add3A_1550 = arith.addf %add3A_1451, %select_n3A_1549 : vector<16xf32>
      %eq3A_1551 = arith.cmpi eq, %add3A_98, %broadcast_in_dim3A_1457 : vector<16xi32>
      %select_n3A_1552 = arith.select %eq3A_1551, %broadcast_in_dim3A_99, %broadcast_in_dim3A_101 : vector<16xi1>, vector<16xf32>
      %add3A_1553 = arith.addf %add3A_1454, %select_n3A_1552 : vector<16xf32>
      %slice3A_1554 = vector.extract_strided_slice %get3A_270 {offsets = [13], sizes = [1], strides = [1]} : vector<16xi32> to vector<1xi32>
      %squeeze3A_1555 = vector.extract %slice3A_1554[0] : i32 from vector<1xi32>
      %broadcast_in_dim3A_1556 = vector.broadcast %squeeze3A_1555 : i32 to vector<16xi32>
      %eq3A_1557 = arith.cmpi eq, %add3A_5, %broadcast_in_dim3A_1556 : vector<16xi32>
      %select_n3A_1558 = arith.select %eq3A_1557, %broadcast_in_dim3A_99, %broadcast_in_dim3A_101 : vector<16xi1>, vector<16xf32>
      %add3A_1559 = arith.addf %add3A_1460, %select_n3A_1558 : vector<16xf32>
      %eq3A_1560 = arith.cmpi eq, %add3A_8, %broadcast_in_dim3A_1556 : vector<16xi32>
      %select_n3A_1561 = arith.select %eq3A_1560, %broadcast_in_dim3A_99, %broadcast_in_dim3A_101 : vector<16xi1>, vector<16xf32>
      %add3A_1562 = arith.addf %add3A_1463, %select_n3A_1561 : vector<16xf32>
      %eq3A_1563 = arith.cmpi eq, %add3A_11, %broadcast_in_dim3A_1556 : vector<16xi32>
      %select_n3A_1564 = arith.select %eq3A_1563, %broadcast_in_dim3A_99, %broadcast_in_dim3A_101 : vector<16xi1>, vector<16xf32>
      %add3A_1565 = arith.addf %add3A_1466, %select_n3A_1564 : vector<16xf32>
      %eq3A_1566 = arith.cmpi eq, %add3A_14, %broadcast_in_dim3A_1556 : vector<16xi32>
      %select_n3A_1567 = arith.select %eq3A_1566, %broadcast_in_dim3A_99, %broadcast_in_dim3A_101 : vector<16xi1>, vector<16xf32>
      %add3A_1568 = arith.addf %add3A_1469, %select_n3A_1567 : vector<16xf32>
      %eq3A_1569 = arith.cmpi eq, %add3A_17, %broadcast_in_dim3A_1556 : vector<16xi32>
      %select_n3A_1570 = arith.select %eq3A_1569, %broadcast_in_dim3A_99, %broadcast_in_dim3A_101 : vector<16xi1>, vector<16xf32>
      %add3A_1571 = arith.addf %add3A_1472, %select_n3A_1570 : vector<16xf32>
      %eq3A_1572 = arith.cmpi eq, %add3A_20, %broadcast_in_dim3A_1556 : vector<16xi32>
      %select_n3A_1573 = arith.select %eq3A_1572, %broadcast_in_dim3A_99, %broadcast_in_dim3A_101 : vector<16xi1>, vector<16xf32>
      %add3A_1574 = arith.addf %add3A_1475, %select_n3A_1573 : vector<16xf32>
      %eq3A_1575 = arith.cmpi eq, %add3A_23, %broadcast_in_dim3A_1556 : vector<16xi32>
      %select_n3A_1576 = arith.select %eq3A_1575, %broadcast_in_dim3A_99, %broadcast_in_dim3A_101 : vector<16xi1>, vector<16xf32>
      %add3A_1577 = arith.addf %add3A_1478, %select_n3A_1576 : vector<16xf32>
      %eq3A_1578 = arith.cmpi eq, %add3A_26, %broadcast_in_dim3A_1556 : vector<16xi32>
      %select_n3A_1579 = arith.select %eq3A_1578, %broadcast_in_dim3A_99, %broadcast_in_dim3A_101 : vector<16xi1>, vector<16xf32>
      %add3A_1580 = arith.addf %add3A_1481, %select_n3A_1579 : vector<16xf32>
      %eq3A_1581 = arith.cmpi eq, %add3A_29, %broadcast_in_dim3A_1556 : vector<16xi32>
      %select_n3A_1582 = arith.select %eq3A_1581, %broadcast_in_dim3A_99, %broadcast_in_dim3A_101 : vector<16xi1>, vector<16xf32>
      %add3A_1583 = arith.addf %add3A_1484, %select_n3A_1582 : vector<16xf32>
      %eq3A_1584 = arith.cmpi eq, %add3A_32, %broadcast_in_dim3A_1556 : vector<16xi32>
      %select_n3A_1585 = arith.select %eq3A_1584, %broadcast_in_dim3A_99, %broadcast_in_dim3A_101 : vector<16xi1>, vector<16xf32>
      %add3A_1586 = arith.addf %add3A_1487, %select_n3A_1585 : vector<16xf32>
      %eq3A_1587 = arith.cmpi eq, %add3A_35, %broadcast_in_dim3A_1556 : vector<16xi32>
      %select_n3A_1588 = arith.select %eq3A_1587, %broadcast_in_dim3A_99, %broadcast_in_dim3A_101 : vector<16xi1>, vector<16xf32>
      %add3A_1589 = arith.addf %add3A_1490, %select_n3A_1588 : vector<16xf32>
      %eq3A_1590 = arith.cmpi eq, %add3A_38, %broadcast_in_dim3A_1556 : vector<16xi32>
      %select_n3A_1591 = arith.select %eq3A_1590, %broadcast_in_dim3A_99, %broadcast_in_dim3A_101 : vector<16xi1>, vector<16xf32>
      %add3A_1592 = arith.addf %add3A_1493, %select_n3A_1591 : vector<16xf32>
      %eq3A_1593 = arith.cmpi eq, %add3A_41, %broadcast_in_dim3A_1556 : vector<16xi32>
      %select_n3A_1594 = arith.select %eq3A_1593, %broadcast_in_dim3A_99, %broadcast_in_dim3A_101 : vector<16xi1>, vector<16xf32>
      %add3A_1595 = arith.addf %add3A_1496, %select_n3A_1594 : vector<16xf32>
      %eq3A_1596 = arith.cmpi eq, %add3A_44, %broadcast_in_dim3A_1556 : vector<16xi32>
      %select_n3A_1597 = arith.select %eq3A_1596, %broadcast_in_dim3A_99, %broadcast_in_dim3A_101 : vector<16xi1>, vector<16xf32>
      %add3A_1598 = arith.addf %add3A_1499, %select_n3A_1597 : vector<16xf32>
      %eq3A_1599 = arith.cmpi eq, %add3A_47, %broadcast_in_dim3A_1556 : vector<16xi32>
      %select_n3A_1600 = arith.select %eq3A_1599, %broadcast_in_dim3A_99, %broadcast_in_dim3A_101 : vector<16xi1>, vector<16xf32>
      %add3A_1601 = arith.addf %add3A_1502, %select_n3A_1600 : vector<16xf32>
      %eq3A_1602 = arith.cmpi eq, %add3A_50, %broadcast_in_dim3A_1556 : vector<16xi32>
      %select_n3A_1603 = arith.select %eq3A_1602, %broadcast_in_dim3A_99, %broadcast_in_dim3A_101 : vector<16xi1>, vector<16xf32>
      %add3A_1604 = arith.addf %add3A_1505, %select_n3A_1603 : vector<16xf32>
      %eq3A_1605 = arith.cmpi eq, %add3A_53, %broadcast_in_dim3A_1556 : vector<16xi32>
      %select_n3A_1606 = arith.select %eq3A_1605, %broadcast_in_dim3A_99, %broadcast_in_dim3A_101 : vector<16xi1>, vector<16xf32>
      %add3A_1607 = arith.addf %add3A_1508, %select_n3A_1606 : vector<16xf32>
      %eq3A_1608 = arith.cmpi eq, %add3A_56, %broadcast_in_dim3A_1556 : vector<16xi32>
      %select_n3A_1609 = arith.select %eq3A_1608, %broadcast_in_dim3A_99, %broadcast_in_dim3A_101 : vector<16xi1>, vector<16xf32>
      %add3A_1610 = arith.addf %add3A_1511, %select_n3A_1609 : vector<16xf32>
      %eq3A_1611 = arith.cmpi eq, %add3A_59, %broadcast_in_dim3A_1556 : vector<16xi32>
      %select_n3A_1612 = arith.select %eq3A_1611, %broadcast_in_dim3A_99, %broadcast_in_dim3A_101 : vector<16xi1>, vector<16xf32>
      %add3A_1613 = arith.addf %add3A_1514, %select_n3A_1612 : vector<16xf32>
      %eq3A_1614 = arith.cmpi eq, %add3A_62, %broadcast_in_dim3A_1556 : vector<16xi32>
      %select_n3A_1615 = arith.select %eq3A_1614, %broadcast_in_dim3A_99, %broadcast_in_dim3A_101 : vector<16xi1>, vector<16xf32>
      %add3A_1616 = arith.addf %add3A_1517, %select_n3A_1615 : vector<16xf32>
      %eq3A_1617 = arith.cmpi eq, %add3A_65, %broadcast_in_dim3A_1556 : vector<16xi32>
      %select_n3A_1618 = arith.select %eq3A_1617, %broadcast_in_dim3A_99, %broadcast_in_dim3A_101 : vector<16xi1>, vector<16xf32>
      %add3A_1619 = arith.addf %add3A_1520, %select_n3A_1618 : vector<16xf32>
      %eq3A_1620 = arith.cmpi eq, %add3A_68, %broadcast_in_dim3A_1556 : vector<16xi32>
      %select_n3A_1621 = arith.select %eq3A_1620, %broadcast_in_dim3A_99, %broadcast_in_dim3A_101 : vector<16xi1>, vector<16xf32>
      %add3A_1622 = arith.addf %add3A_1523, %select_n3A_1621 : vector<16xf32>
      %eq3A_1623 = arith.cmpi eq, %add3A_71, %broadcast_in_dim3A_1556 : vector<16xi32>
      %select_n3A_1624 = arith.select %eq3A_1623, %broadcast_in_dim3A_99, %broadcast_in_dim3A_101 : vector<16xi1>, vector<16xf32>
      %add3A_1625 = arith.addf %add3A_1526, %select_n3A_1624 : vector<16xf32>
      %eq3A_1626 = arith.cmpi eq, %add3A_74, %broadcast_in_dim3A_1556 : vector<16xi32>
      %select_n3A_1627 = arith.select %eq3A_1626, %broadcast_in_dim3A_99, %broadcast_in_dim3A_101 : vector<16xi1>, vector<16xf32>
      %add3A_1628 = arith.addf %add3A_1529, %select_n3A_1627 : vector<16xf32>
      %eq3A_1629 = arith.cmpi eq, %add3A_77, %broadcast_in_dim3A_1556 : vector<16xi32>
      %select_n3A_1630 = arith.select %eq3A_1629, %broadcast_in_dim3A_99, %broadcast_in_dim3A_101 : vector<16xi1>, vector<16xf32>
      %add3A_1631 = arith.addf %add3A_1532, %select_n3A_1630 : vector<16xf32>
      %eq3A_1632 = arith.cmpi eq, %add3A_80, %broadcast_in_dim3A_1556 : vector<16xi32>
      %select_n3A_1633 = arith.select %eq3A_1632, %broadcast_in_dim3A_99, %broadcast_in_dim3A_101 : vector<16xi1>, vector<16xf32>
      %add3A_1634 = arith.addf %add3A_1535, %select_n3A_1633 : vector<16xf32>
      %eq3A_1635 = arith.cmpi eq, %add3A_83, %broadcast_in_dim3A_1556 : vector<16xi32>
      %select_n3A_1636 = arith.select %eq3A_1635, %broadcast_in_dim3A_99, %broadcast_in_dim3A_101 : vector<16xi1>, vector<16xf32>
      %add3A_1637 = arith.addf %add3A_1538, %select_n3A_1636 : vector<16xf32>
      %eq3A_1638 = arith.cmpi eq, %add3A_86, %broadcast_in_dim3A_1556 : vector<16xi32>
      %select_n3A_1639 = arith.select %eq3A_1638, %broadcast_in_dim3A_99, %broadcast_in_dim3A_101 : vector<16xi1>, vector<16xf32>
      %add3A_1640 = arith.addf %add3A_1541, %select_n3A_1639 : vector<16xf32>
      %eq3A_1641 = arith.cmpi eq, %add3A_89, %broadcast_in_dim3A_1556 : vector<16xi32>
      %select_n3A_1642 = arith.select %eq3A_1641, %broadcast_in_dim3A_99, %broadcast_in_dim3A_101 : vector<16xi1>, vector<16xf32>
      %add3A_1643 = arith.addf %add3A_1544, %select_n3A_1642 : vector<16xf32>
      %eq3A_1644 = arith.cmpi eq, %add3A_92, %broadcast_in_dim3A_1556 : vector<16xi32>
      %select_n3A_1645 = arith.select %eq3A_1644, %broadcast_in_dim3A_99, %broadcast_in_dim3A_101 : vector<16xi1>, vector<16xf32>
      %add3A_1646 = arith.addf %add3A_1547, %select_n3A_1645 : vector<16xf32>
      %eq3A_1647 = arith.cmpi eq, %add3A_95, %broadcast_in_dim3A_1556 : vector<16xi32>
      %select_n3A_1648 = arith.select %eq3A_1647, %broadcast_in_dim3A_99, %broadcast_in_dim3A_101 : vector<16xi1>, vector<16xf32>
      %add3A_1649 = arith.addf %add3A_1550, %select_n3A_1648 : vector<16xf32>
      %eq3A_1650 = arith.cmpi eq, %add3A_98, %broadcast_in_dim3A_1556 : vector<16xi32>
      %select_n3A_1651 = arith.select %eq3A_1650, %broadcast_in_dim3A_99, %broadcast_in_dim3A_101 : vector<16xi1>, vector<16xf32>
      %add3A_1652 = arith.addf %add3A_1553, %select_n3A_1651 : vector<16xf32>
      %slice3A_1653 = vector.extract_strided_slice %get3A_270 {offsets = [14], sizes = [1], strides = [1]} : vector<16xi32> to vector<1xi32>
      %squeeze3A_1654 = vector.extract %slice3A_1653[0] : i32 from vector<1xi32>
      %broadcast_in_dim3A_1655 = vector.broadcast %squeeze3A_1654 : i32 to vector<16xi32>
      %eq3A_1656 = arith.cmpi eq, %add3A_5, %broadcast_in_dim3A_1655 : vector<16xi32>
      %select_n3A_1657 = arith.select %eq3A_1656, %broadcast_in_dim3A_99, %broadcast_in_dim3A_101 : vector<16xi1>, vector<16xf32>
      %add3A_1658 = arith.addf %add3A_1559, %select_n3A_1657 : vector<16xf32>
      %eq3A_1659 = arith.cmpi eq, %add3A_8, %broadcast_in_dim3A_1655 : vector<16xi32>
      %select_n3A_1660 = arith.select %eq3A_1659, %broadcast_in_dim3A_99, %broadcast_in_dim3A_101 : vector<16xi1>, vector<16xf32>
      %add3A_1661 = arith.addf %add3A_1562, %select_n3A_1660 : vector<16xf32>
      %eq3A_1662 = arith.cmpi eq, %add3A_11, %broadcast_in_dim3A_1655 : vector<16xi32>
      %select_n3A_1663 = arith.select %eq3A_1662, %broadcast_in_dim3A_99, %broadcast_in_dim3A_101 : vector<16xi1>, vector<16xf32>
      %add3A_1664 = arith.addf %add3A_1565, %select_n3A_1663 : vector<16xf32>
      %eq3A_1665 = arith.cmpi eq, %add3A_14, %broadcast_in_dim3A_1655 : vector<16xi32>
      %select_n3A_1666 = arith.select %eq3A_1665, %broadcast_in_dim3A_99, %broadcast_in_dim3A_101 : vector<16xi1>, vector<16xf32>
      %add3A_1667 = arith.addf %add3A_1568, %select_n3A_1666 : vector<16xf32>
      %eq3A_1668 = arith.cmpi eq, %add3A_17, %broadcast_in_dim3A_1655 : vector<16xi32>
      %select_n3A_1669 = arith.select %eq3A_1668, %broadcast_in_dim3A_99, %broadcast_in_dim3A_101 : vector<16xi1>, vector<16xf32>
      %add3A_1670 = arith.addf %add3A_1571, %select_n3A_1669 : vector<16xf32>
      %eq3A_1671 = arith.cmpi eq, %add3A_20, %broadcast_in_dim3A_1655 : vector<16xi32>
      %select_n3A_1672 = arith.select %eq3A_1671, %broadcast_in_dim3A_99, %broadcast_in_dim3A_101 : vector<16xi1>, vector<16xf32>
      %add3A_1673 = arith.addf %add3A_1574, %select_n3A_1672 : vector<16xf32>
      %eq3A_1674 = arith.cmpi eq, %add3A_23, %broadcast_in_dim3A_1655 : vector<16xi32>
      %select_n3A_1675 = arith.select %eq3A_1674, %broadcast_in_dim3A_99, %broadcast_in_dim3A_101 : vector<16xi1>, vector<16xf32>
      %add3A_1676 = arith.addf %add3A_1577, %select_n3A_1675 : vector<16xf32>
      %eq3A_1677 = arith.cmpi eq, %add3A_26, %broadcast_in_dim3A_1655 : vector<16xi32>
      %select_n3A_1678 = arith.select %eq3A_1677, %broadcast_in_dim3A_99, %broadcast_in_dim3A_101 : vector<16xi1>, vector<16xf32>
      %add3A_1679 = arith.addf %add3A_1580, %select_n3A_1678 : vector<16xf32>
      %eq3A_1680 = arith.cmpi eq, %add3A_29, %broadcast_in_dim3A_1655 : vector<16xi32>
      %select_n3A_1681 = arith.select %eq3A_1680, %broadcast_in_dim3A_99, %broadcast_in_dim3A_101 : vector<16xi1>, vector<16xf32>
      %add3A_1682 = arith.addf %add3A_1583, %select_n3A_1681 : vector<16xf32>
      %eq3A_1683 = arith.cmpi eq, %add3A_32, %broadcast_in_dim3A_1655 : vector<16xi32>
      %select_n3A_1684 = arith.select %eq3A_1683, %broadcast_in_dim3A_99, %broadcast_in_dim3A_101 : vector<16xi1>, vector<16xf32>
      %add3A_1685 = arith.addf %add3A_1586, %select_n3A_1684 : vector<16xf32>
      %eq3A_1686 = arith.cmpi eq, %add3A_35, %broadcast_in_dim3A_1655 : vector<16xi32>
      %select_n3A_1687 = arith.select %eq3A_1686, %broadcast_in_dim3A_99, %broadcast_in_dim3A_101 : vector<16xi1>, vector<16xf32>
      %add3A_1688 = arith.addf %add3A_1589, %select_n3A_1687 : vector<16xf32>
      %eq3A_1689 = arith.cmpi eq, %add3A_38, %broadcast_in_dim3A_1655 : vector<16xi32>
      %select_n3A_1690 = arith.select %eq3A_1689, %broadcast_in_dim3A_99, %broadcast_in_dim3A_101 : vector<16xi1>, vector<16xf32>
      %add3A_1691 = arith.addf %add3A_1592, %select_n3A_1690 : vector<16xf32>
      %eq3A_1692 = arith.cmpi eq, %add3A_41, %broadcast_in_dim3A_1655 : vector<16xi32>
      %select_n3A_1693 = arith.select %eq3A_1692, %broadcast_in_dim3A_99, %broadcast_in_dim3A_101 : vector<16xi1>, vector<16xf32>
      %add3A_1694 = arith.addf %add3A_1595, %select_n3A_1693 : vector<16xf32>
      %eq3A_1695 = arith.cmpi eq, %add3A_44, %broadcast_in_dim3A_1655 : vector<16xi32>
      %select_n3A_1696 = arith.select %eq3A_1695, %broadcast_in_dim3A_99, %broadcast_in_dim3A_101 : vector<16xi1>, vector<16xf32>
      %add3A_1697 = arith.addf %add3A_1598, %select_n3A_1696 : vector<16xf32>
      %eq3A_1698 = arith.cmpi eq, %add3A_47, %broadcast_in_dim3A_1655 : vector<16xi32>
      %select_n3A_1699 = arith.select %eq3A_1698, %broadcast_in_dim3A_99, %broadcast_in_dim3A_101 : vector<16xi1>, vector<16xf32>
      %add3A_1700 = arith.addf %add3A_1601, %select_n3A_1699 : vector<16xf32>
      %eq3A_1701 = arith.cmpi eq, %add3A_50, %broadcast_in_dim3A_1655 : vector<16xi32>
      %select_n3A_1702 = arith.select %eq3A_1701, %broadcast_in_dim3A_99, %broadcast_in_dim3A_101 : vector<16xi1>, vector<16xf32>
      %add3A_1703 = arith.addf %add3A_1604, %select_n3A_1702 : vector<16xf32>
      %eq3A_1704 = arith.cmpi eq, %add3A_53, %broadcast_in_dim3A_1655 : vector<16xi32>
      %select_n3A_1705 = arith.select %eq3A_1704, %broadcast_in_dim3A_99, %broadcast_in_dim3A_101 : vector<16xi1>, vector<16xf32>
      %add3A_1706 = arith.addf %add3A_1607, %select_n3A_1705 : vector<16xf32>
      %eq3A_1707 = arith.cmpi eq, %add3A_56, %broadcast_in_dim3A_1655 : vector<16xi32>
      %select_n3A_1708 = arith.select %eq3A_1707, %broadcast_in_dim3A_99, %broadcast_in_dim3A_101 : vector<16xi1>, vector<16xf32>
      %add3A_1709 = arith.addf %add3A_1610, %select_n3A_1708 : vector<16xf32>
      %eq3A_1710 = arith.cmpi eq, %add3A_59, %broadcast_in_dim3A_1655 : vector<16xi32>
      %select_n3A_1711 = arith.select %eq3A_1710, %broadcast_in_dim3A_99, %broadcast_in_dim3A_101 : vector<16xi1>, vector<16xf32>
      %add3A_1712 = arith.addf %add3A_1613, %select_n3A_1711 : vector<16xf32>
      %eq3A_1713 = arith.cmpi eq, %add3A_62, %broadcast_in_dim3A_1655 : vector<16xi32>
      %select_n3A_1714 = arith.select %eq3A_1713, %broadcast_in_dim3A_99, %broadcast_in_dim3A_101 : vector<16xi1>, vector<16xf32>
      %add3A_1715 = arith.addf %add3A_1616, %select_n3A_1714 : vector<16xf32>
      %eq3A_1716 = arith.cmpi eq, %add3A_65, %broadcast_in_dim3A_1655 : vector<16xi32>
      %select_n3A_1717 = arith.select %eq3A_1716, %broadcast_in_dim3A_99, %broadcast_in_dim3A_101 : vector<16xi1>, vector<16xf32>
      %add3A_1718 = arith.addf %add3A_1619, %select_n3A_1717 : vector<16xf32>
      %eq3A_1719 = arith.cmpi eq, %add3A_68, %broadcast_in_dim3A_1655 : vector<16xi32>
      %select_n3A_1720 = arith.select %eq3A_1719, %broadcast_in_dim3A_99, %broadcast_in_dim3A_101 : vector<16xi1>, vector<16xf32>
      %add3A_1721 = arith.addf %add3A_1622, %select_n3A_1720 : vector<16xf32>
      %eq3A_1722 = arith.cmpi eq, %add3A_71, %broadcast_in_dim3A_1655 : vector<16xi32>
      %select_n3A_1723 = arith.select %eq3A_1722, %broadcast_in_dim3A_99, %broadcast_in_dim3A_101 : vector<16xi1>, vector<16xf32>
      %add3A_1724 = arith.addf %add3A_1625, %select_n3A_1723 : vector<16xf32>
      %eq3A_1725 = arith.cmpi eq, %add3A_74, %broadcast_in_dim3A_1655 : vector<16xi32>
      %select_n3A_1726 = arith.select %eq3A_1725, %broadcast_in_dim3A_99, %broadcast_in_dim3A_101 : vector<16xi1>, vector<16xf32>
      %add3A_1727 = arith.addf %add3A_1628, %select_n3A_1726 : vector<16xf32>
      %eq3A_1728 = arith.cmpi eq, %add3A_77, %broadcast_in_dim3A_1655 : vector<16xi32>
      %select_n3A_1729 = arith.select %eq3A_1728, %broadcast_in_dim3A_99, %broadcast_in_dim3A_101 : vector<16xi1>, vector<16xf32>
      %add3A_1730 = arith.addf %add3A_1631, %select_n3A_1729 : vector<16xf32>
      %eq3A_1731 = arith.cmpi eq, %add3A_80, %broadcast_in_dim3A_1655 : vector<16xi32>
      %select_n3A_1732 = arith.select %eq3A_1731, %broadcast_in_dim3A_99, %broadcast_in_dim3A_101 : vector<16xi1>, vector<16xf32>
      %add3A_1733 = arith.addf %add3A_1634, %select_n3A_1732 : vector<16xf32>
      %eq3A_1734 = arith.cmpi eq, %add3A_83, %broadcast_in_dim3A_1655 : vector<16xi32>
      %select_n3A_1735 = arith.select %eq3A_1734, %broadcast_in_dim3A_99, %broadcast_in_dim3A_101 : vector<16xi1>, vector<16xf32>
      %add3A_1736 = arith.addf %add3A_1637, %select_n3A_1735 : vector<16xf32>
      %eq3A_1737 = arith.cmpi eq, %add3A_86, %broadcast_in_dim3A_1655 : vector<16xi32>
      %select_n3A_1738 = arith.select %eq3A_1737, %broadcast_in_dim3A_99, %broadcast_in_dim3A_101 : vector<16xi1>, vector<16xf32>
      %add3A_1739 = arith.addf %add3A_1640, %select_n3A_1738 : vector<16xf32>
      %eq3A_1740 = arith.cmpi eq, %add3A_89, %broadcast_in_dim3A_1655 : vector<16xi32>
      %select_n3A_1741 = arith.select %eq3A_1740, %broadcast_in_dim3A_99, %broadcast_in_dim3A_101 : vector<16xi1>, vector<16xf32>
      %add3A_1742 = arith.addf %add3A_1643, %select_n3A_1741 : vector<16xf32>
      %eq3A_1743 = arith.cmpi eq, %add3A_92, %broadcast_in_dim3A_1655 : vector<16xi32>
      %select_n3A_1744 = arith.select %eq3A_1743, %broadcast_in_dim3A_99, %broadcast_in_dim3A_101 : vector<16xi1>, vector<16xf32>
      %add3A_1745 = arith.addf %add3A_1646, %select_n3A_1744 : vector<16xf32>
      %eq3A_1746 = arith.cmpi eq, %add3A_95, %broadcast_in_dim3A_1655 : vector<16xi32>
      %select_n3A_1747 = arith.select %eq3A_1746, %broadcast_in_dim3A_99, %broadcast_in_dim3A_101 : vector<16xi1>, vector<16xf32>
      %add3A_1748 = arith.addf %add3A_1649, %select_n3A_1747 : vector<16xf32>
      %eq3A_1749 = arith.cmpi eq, %add3A_98, %broadcast_in_dim3A_1655 : vector<16xi32>
      %select_n3A_1750 = arith.select %eq3A_1749, %broadcast_in_dim3A_99, %broadcast_in_dim3A_101 : vector<16xi1>, vector<16xf32>
      %add3A_1751 = arith.addf %add3A_1652, %select_n3A_1750 : vector<16xf32>
      %slice3A_1752 = vector.extract_strided_slice %get3A_270 {offsets = [15], sizes = [1], strides = [1]} : vector<16xi32> to vector<1xi32>
      %squeeze3A_1753 = vector.extract %slice3A_1752[0] : i32 from vector<1xi32>
      %broadcast_in_dim3A_1754 = vector.broadcast %squeeze3A_1753 : i32 to vector<16xi32>
      %eq3A_1755 = arith.cmpi eq, %add3A_5, %broadcast_in_dim3A_1754 : vector<16xi32>
      %select_n3A_1756 = arith.select %eq3A_1755, %broadcast_in_dim3A_99, %broadcast_in_dim3A_101 : vector<16xi1>, vector<16xf32>
      %add3A_1757 = arith.addf %add3A_1658, %select_n3A_1756 : vector<16xf32>
      %eq3A_1758 = arith.cmpi eq, %add3A_8, %broadcast_in_dim3A_1754 : vector<16xi32>
      %select_n3A_1759 = arith.select %eq3A_1758, %broadcast_in_dim3A_99, %broadcast_in_dim3A_101 : vector<16xi1>, vector<16xf32>
      %add3A_1760 = arith.addf %add3A_1661, %select_n3A_1759 : vector<16xf32>
      %eq3A_1761 = arith.cmpi eq, %add3A_11, %broadcast_in_dim3A_1754 : vector<16xi32>
      %select_n3A_1762 = arith.select %eq3A_1761, %broadcast_in_dim3A_99, %broadcast_in_dim3A_101 : vector<16xi1>, vector<16xf32>
      %add3A_1763 = arith.addf %add3A_1664, %select_n3A_1762 : vector<16xf32>
      %eq3A_1764 = arith.cmpi eq, %add3A_14, %broadcast_in_dim3A_1754 : vector<16xi32>
      %select_n3A_1765 = arith.select %eq3A_1764, %broadcast_in_dim3A_99, %broadcast_in_dim3A_101 : vector<16xi1>, vector<16xf32>
      %add3A_1766 = arith.addf %add3A_1667, %select_n3A_1765 : vector<16xf32>
      %eq3A_1767 = arith.cmpi eq, %add3A_17, %broadcast_in_dim3A_1754 : vector<16xi32>
      %select_n3A_1768 = arith.select %eq3A_1767, %broadcast_in_dim3A_99, %broadcast_in_dim3A_101 : vector<16xi1>, vector<16xf32>
      %add3A_1769 = arith.addf %add3A_1670, %select_n3A_1768 : vector<16xf32>
      %eq3A_1770 = arith.cmpi eq, %add3A_20, %broadcast_in_dim3A_1754 : vector<16xi32>
      %select_n3A_1771 = arith.select %eq3A_1770, %broadcast_in_dim3A_99, %broadcast_in_dim3A_101 : vector<16xi1>, vector<16xf32>
      %add3A_1772 = arith.addf %add3A_1673, %select_n3A_1771 : vector<16xf32>
      %eq3A_1773 = arith.cmpi eq, %add3A_23, %broadcast_in_dim3A_1754 : vector<16xi32>
      %select_n3A_1774 = arith.select %eq3A_1773, %broadcast_in_dim3A_99, %broadcast_in_dim3A_101 : vector<16xi1>, vector<16xf32>
      %add3A_1775 = arith.addf %add3A_1676, %select_n3A_1774 : vector<16xf32>
      %eq3A_1776 = arith.cmpi eq, %add3A_26, %broadcast_in_dim3A_1754 : vector<16xi32>
      %select_n3A_1777 = arith.select %eq3A_1776, %broadcast_in_dim3A_99, %broadcast_in_dim3A_101 : vector<16xi1>, vector<16xf32>
      %add3A_1778 = arith.addf %add3A_1679, %select_n3A_1777 : vector<16xf32>
      %eq3A_1779 = arith.cmpi eq, %add3A_29, %broadcast_in_dim3A_1754 : vector<16xi32>
      %select_n3A_1780 = arith.select %eq3A_1779, %broadcast_in_dim3A_99, %broadcast_in_dim3A_101 : vector<16xi1>, vector<16xf32>
      %add3A_1781 = arith.addf %add3A_1682, %select_n3A_1780 : vector<16xf32>
      %eq3A_1782 = arith.cmpi eq, %add3A_32, %broadcast_in_dim3A_1754 : vector<16xi32>
      %select_n3A_1783 = arith.select %eq3A_1782, %broadcast_in_dim3A_99, %broadcast_in_dim3A_101 : vector<16xi1>, vector<16xf32>
      %add3A_1784 = arith.addf %add3A_1685, %select_n3A_1783 : vector<16xf32>
      %eq3A_1785 = arith.cmpi eq, %add3A_35, %broadcast_in_dim3A_1754 : vector<16xi32>
      %select_n3A_1786 = arith.select %eq3A_1785, %broadcast_in_dim3A_99, %broadcast_in_dim3A_101 : vector<16xi1>, vector<16xf32>
      %add3A_1787 = arith.addf %add3A_1688, %select_n3A_1786 : vector<16xf32>
      %eq3A_1788 = arith.cmpi eq, %add3A_38, %broadcast_in_dim3A_1754 : vector<16xi32>
      %select_n3A_1789 = arith.select %eq3A_1788, %broadcast_in_dim3A_99, %broadcast_in_dim3A_101 : vector<16xi1>, vector<16xf32>
      %add3A_1790 = arith.addf %add3A_1691, %select_n3A_1789 : vector<16xf32>
      %eq3A_1791 = arith.cmpi eq, %add3A_41, %broadcast_in_dim3A_1754 : vector<16xi32>
      %select_n3A_1792 = arith.select %eq3A_1791, %broadcast_in_dim3A_99, %broadcast_in_dim3A_101 : vector<16xi1>, vector<16xf32>
      %add3A_1793 = arith.addf %add3A_1694, %select_n3A_1792 : vector<16xf32>
      %eq3A_1794 = arith.cmpi eq, %add3A_44, %broadcast_in_dim3A_1754 : vector<16xi32>
      %select_n3A_1795 = arith.select %eq3A_1794, %broadcast_in_dim3A_99, %broadcast_in_dim3A_101 : vector<16xi1>, vector<16xf32>
      %add3A_1796 = arith.addf %add3A_1697, %select_n3A_1795 : vector<16xf32>
      %eq3A_1797 = arith.cmpi eq, %add3A_47, %broadcast_in_dim3A_1754 : vector<16xi32>
      %select_n3A_1798 = arith.select %eq3A_1797, %broadcast_in_dim3A_99, %broadcast_in_dim3A_101 : vector<16xi1>, vector<16xf32>
      %add3A_1799 = arith.addf %add3A_1700, %select_n3A_1798 : vector<16xf32>
      %eq3A_1800 = arith.cmpi eq, %add3A_50, %broadcast_in_dim3A_1754 : vector<16xi32>
      %select_n3A_1801 = arith.select %eq3A_1800, %broadcast_in_dim3A_99, %broadcast_in_dim3A_101 : vector<16xi1>, vector<16xf32>
      %add3A_1802 = arith.addf %add3A_1703, %select_n3A_1801 : vector<16xf32>
      %eq3A_1803 = arith.cmpi eq, %add3A_53, %broadcast_in_dim3A_1754 : vector<16xi32>
      %select_n3A_1804 = arith.select %eq3A_1803, %broadcast_in_dim3A_99, %broadcast_in_dim3A_101 : vector<16xi1>, vector<16xf32>
      %add3A_1805 = arith.addf %add3A_1706, %select_n3A_1804 : vector<16xf32>
      %eq3A_1806 = arith.cmpi eq, %add3A_56, %broadcast_in_dim3A_1754 : vector<16xi32>
      %select_n3A_1807 = arith.select %eq3A_1806, %broadcast_in_dim3A_99, %broadcast_in_dim3A_101 : vector<16xi1>, vector<16xf32>
      %add3A_1808 = arith.addf %add3A_1709, %select_n3A_1807 : vector<16xf32>
      %eq3A_1809 = arith.cmpi eq, %add3A_59, %broadcast_in_dim3A_1754 : vector<16xi32>
      %select_n3A_1810 = arith.select %eq3A_1809, %broadcast_in_dim3A_99, %broadcast_in_dim3A_101 : vector<16xi1>, vector<16xf32>
      %add3A_1811 = arith.addf %add3A_1712, %select_n3A_1810 : vector<16xf32>
      %eq3A_1812 = arith.cmpi eq, %add3A_62, %broadcast_in_dim3A_1754 : vector<16xi32>
      %select_n3A_1813 = arith.select %eq3A_1812, %broadcast_in_dim3A_99, %broadcast_in_dim3A_101 : vector<16xi1>, vector<16xf32>
      %add3A_1814 = arith.addf %add3A_1715, %select_n3A_1813 : vector<16xf32>
      %eq3A_1815 = arith.cmpi eq, %add3A_65, %broadcast_in_dim3A_1754 : vector<16xi32>
      %select_n3A_1816 = arith.select %eq3A_1815, %broadcast_in_dim3A_99, %broadcast_in_dim3A_101 : vector<16xi1>, vector<16xf32>
      %add3A_1817 = arith.addf %add3A_1718, %select_n3A_1816 : vector<16xf32>
      %eq3A_1818 = arith.cmpi eq, %add3A_68, %broadcast_in_dim3A_1754 : vector<16xi32>
      %select_n3A_1819 = arith.select %eq3A_1818, %broadcast_in_dim3A_99, %broadcast_in_dim3A_101 : vector<16xi1>, vector<16xf32>
      %add3A_1820 = arith.addf %add3A_1721, %select_n3A_1819 : vector<16xf32>
      %eq3A_1821 = arith.cmpi eq, %add3A_71, %broadcast_in_dim3A_1754 : vector<16xi32>
      %select_n3A_1822 = arith.select %eq3A_1821, %broadcast_in_dim3A_99, %broadcast_in_dim3A_101 : vector<16xi1>, vector<16xf32>
      %add3A_1823 = arith.addf %add3A_1724, %select_n3A_1822 : vector<16xf32>
      %eq3A_1824 = arith.cmpi eq, %add3A_74, %broadcast_in_dim3A_1754 : vector<16xi32>
      %select_n3A_1825 = arith.select %eq3A_1824, %broadcast_in_dim3A_99, %broadcast_in_dim3A_101 : vector<16xi1>, vector<16xf32>
      %add3A_1826 = arith.addf %add3A_1727, %select_n3A_1825 : vector<16xf32>
      %eq3A_1827 = arith.cmpi eq, %add3A_77, %broadcast_in_dim3A_1754 : vector<16xi32>
      %select_n3A_1828 = arith.select %eq3A_1827, %broadcast_in_dim3A_99, %broadcast_in_dim3A_101 : vector<16xi1>, vector<16xf32>
      %add3A_1829 = arith.addf %add3A_1730, %select_n3A_1828 : vector<16xf32>
      %eq3A_1830 = arith.cmpi eq, %add3A_80, %broadcast_in_dim3A_1754 : vector<16xi32>
      %select_n3A_1831 = arith.select %eq3A_1830, %broadcast_in_dim3A_99, %broadcast_in_dim3A_101 : vector<16xi1>, vector<16xf32>
      %add3A_1832 = arith.addf %add3A_1733, %select_n3A_1831 : vector<16xf32>
      %eq3A_1833 = arith.cmpi eq, %add3A_83, %broadcast_in_dim3A_1754 : vector<16xi32>
      %select_n3A_1834 = arith.select %eq3A_1833, %broadcast_in_dim3A_99, %broadcast_in_dim3A_101 : vector<16xi1>, vector<16xf32>
      %add3A_1835 = arith.addf %add3A_1736, %select_n3A_1834 : vector<16xf32>
      %eq3A_1836 = arith.cmpi eq, %add3A_86, %broadcast_in_dim3A_1754 : vector<16xi32>
      %select_n3A_1837 = arith.select %eq3A_1836, %broadcast_in_dim3A_99, %broadcast_in_dim3A_101 : vector<16xi1>, vector<16xf32>
      %add3A_1838 = arith.addf %add3A_1739, %select_n3A_1837 : vector<16xf32>
      %eq3A_1839 = arith.cmpi eq, %add3A_89, %broadcast_in_dim3A_1754 : vector<16xi32>
      %select_n3A_1840 = arith.select %eq3A_1839, %broadcast_in_dim3A_99, %broadcast_in_dim3A_101 : vector<16xi1>, vector<16xf32>
      %add3A_1841 = arith.addf %add3A_1742, %select_n3A_1840 : vector<16xf32>
      %eq3A_1842 = arith.cmpi eq, %add3A_92, %broadcast_in_dim3A_1754 : vector<16xi32>
      %select_n3A_1843 = arith.select %eq3A_1842, %broadcast_in_dim3A_99, %broadcast_in_dim3A_101 : vector<16xi1>, vector<16xf32>
      %add3A_1844 = arith.addf %add3A_1745, %select_n3A_1843 : vector<16xf32>
      %eq3A_1845 = arith.cmpi eq, %add3A_95, %broadcast_in_dim3A_1754 : vector<16xi32>
      %select_n3A_1846 = arith.select %eq3A_1845, %broadcast_in_dim3A_99, %broadcast_in_dim3A_101 : vector<16xi1>, vector<16xf32>
      %add3A_1847 = arith.addf %add3A_1748, %select_n3A_1846 : vector<16xf32>
      %eq3A_1848 = arith.cmpi eq, %add3A_98, %broadcast_in_dim3A_1754 : vector<16xi32>
      %select_n3A_1849 = arith.select %eq3A_1848, %broadcast_in_dim3A_99, %broadcast_in_dim3A_101 : vector<16xi1>, vector<16xf32>
      %add3A_1850 = arith.addf %add3A_1751, %select_n3A_1849 : vector<16xf32>
      scf.yield %add3A_1757, %add3A_1760, %add3A_1763, %add3A_1766, %add3A_1769, %add3A_1772, %add3A_1775, %add3A_1778, %add3A_1781, %add3A_1784, %add3A_1787, %add3A_1790, %add3A_1793, %add3A_1796, %add3A_1799, %add3A_1802, %add3A_1805, %add3A_1808, %add3A_1811, %add3A_1814, %add3A_1817, %add3A_1820, %add3A_1823, %add3A_1826, %add3A_1829, %add3A_1832, %add3A_1835, %add3A_1838, %add3A_1841, %add3A_1844, %add3A_1847, %add3A_1850 : vector<16xf32>, vector<16xf32>, vector<16xf32>, vector<16xf32>, vector<16xf32>, vector<16xf32>, vector<16xf32>, vector<16xf32>, vector<16xf32>, vector<16xf32>, vector<16xf32>, vector<16xf32>, vector<16xf32>, vector<16xf32>, vector<16xf32>, vector<16xf32>, vector<16xf32>, vector<16xf32>, vector<16xf32>, vector<16xf32>, vector<16xf32>, vector<16xf32>, vector<16xf32>, vector<16xf32>, vector<16xf32>, vector<16xf32>, vector<16xf32>, vector<16xf32>, vector<16xf32>, vector<16xf32>, vector<16xf32>, vector<16xf32>
    }
    %scan3A_106 = arith.constant 8 : i32
    %swap3A = arith.constant 0 : index
    %swap3A_107 = tpu.vector_load %arg5[%swap3A] {strides = array<i32>} : memref<512xf32, #tpu.memory_space<vmem>>, vector<16xf32>,
    %swap3A_108 = vector.shape_cast %swap3A_107 : vector<16xf32> to vector<16xf32>
    %swap3A_109 = vector.shape_cast %scan3A_105#0 : vector<16xf32> to vector<16xf32>
    tpu.vector_store %arg5[%swap3A], %swap3A_109 {strides = array<i32>} : memref<512xf32, #tpu.memory_space<vmem>>, vector<16xf32>,
    %swap3A_110 = arith.constant 16 : index
    %swap3A_111 = tpu.vector_load %arg5[%swap3A_110] {strides = array<i32>} : memref<512xf32, #tpu.memory_space<vmem>>, vector<16xf32>,
    %swap3A_112 = vector.shape_cast %swap3A_111 : vector<16xf32> to vector<16xf32>
    %swap3A_113 = vector.shape_cast %scan3A_105#1 : vector<16xf32> to vector<16xf32>
    tpu.vector_store %arg5[%swap3A_110], %swap3A_113 {strides = array<i32>} : memref<512xf32, #tpu.memory_space<vmem>>, vector<16xf32>,
    %swap3A_114 = arith.constant 32 : index
    %swap3A_115 = tpu.vector_load %arg5[%swap3A_114] {strides = array<i32>} : memref<512xf32, #tpu.memory_space<vmem>>, vector<16xf32>,
    %swap3A_116 = vector.shape_cast %swap3A_115 : vector<16xf32> to vector<16xf32>
    %swap3A_117 = vector.shape_cast %scan3A_105#2 : vector<16xf32> to vector<16xf32>
    tpu.vector_store %arg5[%swap3A_114], %swap3A_117 {strides = array<i32>} : memref<512xf32, #tpu.memory_space<vmem>>, vector<16xf32>,
    %swap3A_118 = arith.constant 48 : index
    %swap3A_119 = tpu.vector_load %arg5[%swap3A_118] {strides = array<i32>} : memref<512xf32, #tpu.memory_space<vmem>>, vector<16xf32>,
    %swap3A_120 = vector.shape_cast %swap3A_119 : vector<16xf32> to vector<16xf32>
    %swap3A_121 = vector.shape_cast %scan3A_105#3 : vector<16xf32> to vector<16xf32>
    tpu.vector_store %arg5[%swap3A_118], %swap3A_121 {strides = array<i32>} : memref<512xf32, #tpu.memory_space<vmem>>, vector<16xf32>,
    %swap3A_122 = arith.constant 64 : index
    %swap3A_123 = tpu.vector_load %arg5[%swap3A_122] {strides = array<i32>} : memref<512xf32, #tpu.memory_space<vmem>>, vector<16xf32>,
    %swap3A_124 = vector.shape_cast %swap3A_123 : vector<16xf32> to vector<16xf32>
    %swap3A_125 = vector.shape_cast %scan3A_105#4 : vector<16xf32> to vector<16xf32>
    tpu.vector_store %arg5[%swap3A_122], %swap3A_125 {strides = array<i32>} : memref<512xf32, #tpu.memory_space<vmem>>, vector<16xf32>,
    %swap3A_126 = arith.constant 80 : index
    %swap3A_127 = tpu.vector_load %arg5[%swap3A_126] {strides = array<i32>} : memref<512xf32, #tpu.memory_space<vmem>>, vector<16xf32>,
    %swap3A_128 = vector.shape_cast %swap3A_127 : vector<16xf32> to vector<16xf32>
    %swap3A_129 = vector.shape_cast %scan3A_105#5 : vector<16xf32> to vector<16xf32>
    tpu.vector_store %arg5[%swap3A_126], %swap3A_129 {strides = array<i32>} : memref<512xf32, #tpu.memory_space<vmem>>, vector<16xf32>,
    %swap3A_130 = arith.constant 96 : index
    %swap3A_131 = tpu.vector_load %arg5[%swap3A_130] {strides = array<i32>} : memref<512xf32, #tpu.memory_space<vmem>>, vector<16xf32>,
    %swap3A_132 = vector.shape_cast %swap3A_131 : vector<16xf32> to vector<16xf32>
    %swap3A_133 = vector.shape_cast %scan3A_105#6 : vector<16xf32> to vector<16xf32>
    tpu.vector_store %arg5[%swap3A_130], %swap3A_133 {strides = array<i32>} : memref<512xf32, #tpu.memory_space<vmem>>, vector<16xf32>,
    %swap3A_134 = arith.constant 112 : index
    %swap3A_135 = tpu.vector_load %arg5[%swap3A_134] {strides = array<i32>} : memref<512xf32, #tpu.memory_space<vmem>>, vector<16xf32>,
    %swap3A_136 = vector.shape_cast %swap3A_135 : vector<16xf32> to vector<16xf32>
    %swap3A_137 = vector.shape_cast %scan3A_105#7 : vector<16xf32> to vector<16xf32>
    tpu.vector_store %arg5[%swap3A_134], %swap3A_137 {strides = array<i32>} : memref<512xf32, #tpu.memory_space<vmem>>, vector<16xf32>,
    %swap3A_138 = arith.constant 128 : index
    %swap3A_139 = tpu.vector_load %arg5[%swap3A_138] {strides = array<i32>} : memref<512xf32, #tpu.memory_space<vmem>>, vector<16xf32>,
    %swap3A_140 = vector.shape_cast %swap3A_139 : vector<16xf32> to vector<16xf32>
    %swap3A_141 = vector.shape_cast %scan3A_105#8 : vector<16xf32> to vector<16xf32>
    tpu.vector_store %arg5[%swap3A_138], %swap3A_141 {strides = array<i32>} : memref<512xf32, #tpu.memory_space<vmem>>, vector<16xf32>,
    %swap3A_142 = arith.constant 144 : index
    %swap3A_143 = tpu.vector_load %arg5[%swap3A_142] {strides = array<i32>} : memref<512xf32, #tpu.memory_space<vmem>>, vector<16xf32>,
    %swap3A_144 = vector.shape_cast %swap3A_143 : vector<16xf32> to vector<16xf32>
    %swap3A_145 = vector.shape_cast %scan3A_105#9 : vector<16xf32> to vector<16xf32>
    tpu.vector_store %arg5[%swap3A_142], %swap3A_145 {strides = array<i32>} : memref<512xf32, #tpu.memory_space<vmem>>, vector<16xf32>,
    %swap3A_146 = arith.constant 160 : index
    %swap3A_147 = tpu.vector_load %arg5[%swap3A_146] {strides = array<i32>} : memref<512xf32, #tpu.memory_space<vmem>>, vector<16xf32>,
    %swap3A_148 = vector.shape_cast %swap3A_147 : vector<16xf32> to vector<16xf32>
    %swap3A_149 = vector.shape_cast %scan3A_105#10 : vector<16xf32> to vector<16xf32>
    tpu.vector_store %arg5[%swap3A_146], %swap3A_149 {strides = array<i32>} : memref<512xf32, #tpu.memory_space<vmem>>, vector<16xf32>,
    %swap3A_150 = arith.constant 176 : index
    %swap3A_151 = tpu.vector_load %arg5[%swap3A_150] {strides = array<i32>} : memref<512xf32, #tpu.memory_space<vmem>>, vector<16xf32>,
    %swap3A_152 = vector.shape_cast %swap3A_151 : vector<16xf32> to vector<16xf32>
    %swap3A_153 = vector.shape_cast %scan3A_105#11 : vector<16xf32> to vector<16xf32>
    tpu.vector_store %arg5[%swap3A_150], %swap3A_153 {strides = array<i32>} : memref<512xf32, #tpu.memory_space<vmem>>, vector<16xf32>,
    %swap3A_154 = arith.constant 192 : index
    %swap3A_155 = tpu.vector_load %arg5[%swap3A_154] {strides = array<i32>} : memref<512xf32, #tpu.memory_space<vmem>>, vector<16xf32>,
    %swap3A_156 = vector.shape_cast %swap3A_155 : vector<16xf32> to vector<16xf32>
    %swap3A_157 = vector.shape_cast %scan3A_105#12 : vector<16xf32> to vector<16xf32>
    tpu.vector_store %arg5[%swap3A_154], %swap3A_157 {strides = array<i32>} : memref<512xf32, #tpu.memory_space<vmem>>, vector<16xf32>,
    %swap3A_158 = arith.constant 208 : index
    %swap3A_159 = tpu.vector_load %arg5[%swap3A_158] {strides = array<i32>} : memref<512xf32, #tpu.memory_space<vmem>>, vector<16xf32>,
    %swap3A_160 = vector.shape_cast %swap3A_159 : vector<16xf32> to vector<16xf32>
    %swap3A_161 = vector.shape_cast %scan3A_105#13 : vector<16xf32> to vector<16xf32>
    tpu.vector_store %arg5[%swap3A_158], %swap3A_161 {strides = array<i32>} : memref<512xf32, #tpu.memory_space<vmem>>, vector<16xf32>,
    %swap3A_162 = arith.constant 224 : index
    %swap3A_163 = tpu.vector_load %arg5[%swap3A_162] {strides = array<i32>} : memref<512xf32, #tpu.memory_space<vmem>>, vector<16xf32>,
    %swap3A_164 = vector.shape_cast %swap3A_163 : vector<16xf32> to vector<16xf32>
    %swap3A_165 = vector.shape_cast %scan3A_105#14 : vector<16xf32> to vector<16xf32>
    tpu.vector_store %arg5[%swap3A_162], %swap3A_165 {strides = array<i32>} : memref<512xf32, #tpu.memory_space<vmem>>, vector<16xf32>,
    %swap3A_166 = arith.constant 240 : index
    %swap3A_167 = tpu.vector_load %arg5[%swap3A_166] {strides = array<i32>} : memref<512xf32, #tpu.memory_space<vmem>>, vector<16xf32>,
    %swap3A_168 = vector.shape_cast %swap3A_167 : vector<16xf32> to vector<16xf32>
    %swap3A_169 = vector.shape_cast %scan3A_105#15 : vector<16xf32> to vector<16xf32>
    tpu.vector_store %arg5[%swap3A_166], %swap3A_169 {strides = array<i32>} : memref<512xf32, #tpu.memory_space<vmem>>, vector<16xf32>,
    %swap3A_170 = arith.constant 256 : index
    %swap3A_171 = tpu.vector_load %arg5[%swap3A_170] {strides = array<i32>} : memref<512xf32, #tpu.memory_space<vmem>>, vector<16xf32>,
    %swap3A_172 = vector.shape_cast %swap3A_171 : vector<16xf32> to vector<16xf32>
    %swap3A_173 = vector.shape_cast %scan3A_105#16 : vector<16xf32> to vector<16xf32>
    tpu.vector_store %arg5[%swap3A_170], %swap3A_173 {strides = array<i32>} : memref<512xf32, #tpu.memory_space<vmem>>, vector<16xf32>,
    %swap3A_174 = arith.constant 272 : index
    %swap3A_175 = tpu.vector_load %arg5[%swap3A_174] {strides = array<i32>} : memref<512xf32, #tpu.memory_space<vmem>>, vector<16xf32>,
    %swap3A_176 = vector.shape_cast %swap3A_175 : vector<16xf32> to vector<16xf32>
    %swap3A_177 = vector.shape_cast %scan3A_105#17 : vector<16xf32> to vector<16xf32>
    tpu.vector_store %arg5[%swap3A_174], %swap3A_177 {strides = array<i32>} : memref<512xf32, #tpu.memory_space<vmem>>, vector<16xf32>,
    %swap3A_178 = arith.constant 288 : index
    %swap3A_179 = tpu.vector_load %arg5[%swap3A_178] {strides = array<i32>} : memref<512xf32, #tpu.memory_space<vmem>>, vector<16xf32>,
    %swap3A_180 = vector.shape_cast %swap3A_179 : vector<16xf32> to vector<16xf32>
    %swap3A_181 = vector.shape_cast %scan3A_105#18 : vector<16xf32> to vector<16xf32>
    tpu.vector_store %arg5[%swap3A_178], %swap3A_181 {strides = array<i32>} : memref<512xf32, #tpu.memory_space<vmem>>, vector<16xf32>,
    %swap3A_182 = arith.constant 304 : index
    %swap3A_183 = tpu.vector_load %arg5[%swap3A_182] {strides = array<i32>} : memref<512xf32, #tpu.memory_space<vmem>>, vector<16xf32>,
    %swap3A_184 = vector.shape_cast %swap3A_183 : vector<16xf32> to vector<16xf32>
    %swap3A_185 = vector.shape_cast %scan3A_105#19 : vector<16xf32> to vector<16xf32>
    tpu.vector_store %arg5[%swap3A_182], %swap3A_185 {strides = array<i32>} : memref<512xf32, #tpu.memory_space<vmem>>, vector<16xf32>,
    %swap3A_186 = arith.constant 320 : index
    %swap3A_187 = tpu.vector_load %arg5[%swap3A_186] {strides = array<i32>} : memref<512xf32, #tpu.memory_space<vmem>>, vector<16xf32>,
    %swap3A_188 = vector.shape_cast %swap3A_187 : vector<16xf32> to vector<16xf32>
    %swap3A_189 = vector.shape_cast %scan3A_105#20 : vector<16xf32> to vector<16xf32>
    tpu.vector_store %arg5[%swap3A_186], %swap3A_189 {strides = array<i32>} : memref<512xf32, #tpu.memory_space<vmem>>, vector<16xf32>,
    %swap3A_190 = arith.constant 336 : index
    %swap3A_191 = tpu.vector_load %arg5[%swap3A_190] {strides = array<i32>} : memref<512xf32, #tpu.memory_space<vmem>>, vector<16xf32>,
    %swap3A_192 = vector.shape_cast %swap3A_191 : vector<16xf32> to vector<16xf32>
    %swap3A_193 = vector.shape_cast %scan3A_105#21 : vector<16xf32> to vector<16xf32>
    tpu.vector_store %arg5[%swap3A_190], %swap3A_193 {strides = array<i32>} : memref<512xf32, #tpu.memory_space<vmem>>, vector<16xf32>,
    %swap3A_194 = arith.constant 352 : index
    %swap3A_195 = tpu.vector_load %arg5[%swap3A_194] {strides = array<i32>} : memref<512xf32, #tpu.memory_space<vmem>>, vector<16xf32>,
    %swap3A_196 = vector.shape_cast %swap3A_195 : vector<16xf32> to vector<16xf32>
    %swap3A_197 = vector.shape_cast %scan3A_105#22 : vector<16xf32> to vector<16xf32>
    tpu.vector_store %arg5[%swap3A_194], %swap3A_197 {strides = array<i32>} : memref<512xf32, #tpu.memory_space<vmem>>, vector<16xf32>,
    %swap3A_198 = arith.constant 368 : index
    %swap3A_199 = tpu.vector_load %arg5[%swap3A_198] {strides = array<i32>} : memref<512xf32, #tpu.memory_space<vmem>>, vector<16xf32>,
    %swap3A_200 = vector.shape_cast %swap3A_199 : vector<16xf32> to vector<16xf32>
    %swap3A_201 = vector.shape_cast %scan3A_105#23 : vector<16xf32> to vector<16xf32>
    tpu.vector_store %arg5[%swap3A_198], %swap3A_201 {strides = array<i32>} : memref<512xf32, #tpu.memory_space<vmem>>, vector<16xf32>,
    %swap3A_202 = arith.constant 384 : index
    %swap3A_203 = tpu.vector_load %arg5[%swap3A_202] {strides = array<i32>} : memref<512xf32, #tpu.memory_space<vmem>>, vector<16xf32>,
    %swap3A_204 = vector.shape_cast %swap3A_203 : vector<16xf32> to vector<16xf32>
    %swap3A_205 = vector.shape_cast %scan3A_105#24 : vector<16xf32> to vector<16xf32>
    tpu.vector_store %arg5[%swap3A_202], %swap3A_205 {strides = array<i32>} : memref<512xf32, #tpu.memory_space<vmem>>, vector<16xf32>,
    %swap3A_206 = arith.constant 400 : index
    %swap3A_207 = tpu.vector_load %arg5[%swap3A_206] {strides = array<i32>} : memref<512xf32, #tpu.memory_space<vmem>>, vector<16xf32>,
    %swap3A_208 = vector.shape_cast %swap3A_207 : vector<16xf32> to vector<16xf32>
    %swap3A_209 = vector.shape_cast %scan3A_105#25 : vector<16xf32> to vector<16xf32>
    tpu.vector_store %arg5[%swap3A_206], %swap3A_209 {strides = array<i32>} : memref<512xf32, #tpu.memory_space<vmem>>, vector<16xf32>,
    %swap3A_210 = arith.constant 416 : index
    %swap3A_211 = tpu.vector_load %arg5[%swap3A_210] {strides = array<i32>} : memref<512xf32, #tpu.memory_space<vmem>>, vector<16xf32>,
    %swap3A_212 = vector.shape_cast %swap3A_211 : vector<16xf32> to vector<16xf32>
    %swap3A_213 = vector.shape_cast %scan3A_105#26 : vector<16xf32> to vector<16xf32>
    tpu.vector_store %arg5[%swap3A_210], %swap3A_213 {strides = array<i32>} : memref<512xf32, #tpu.memory_space<vmem>>, vector<16xf32>,
    %swap3A_214 = arith.constant 432 : index
    %swap3A_215 = tpu.vector_load %arg5[%swap3A_214] {strides = array<i32>} : memref<512xf32, #tpu.memory_space<vmem>>, vector<16xf32>,
    %swap3A_216 = vector.shape_cast %swap3A_215 : vector<16xf32> to vector<16xf32>
    %swap3A_217 = vector.shape_cast %scan3A_105#27 : vector<16xf32> to vector<16xf32>
    tpu.vector_store %arg5[%swap3A_214], %swap3A_217 {strides = array<i32>} : memref<512xf32, #tpu.memory_space<vmem>>, vector<16xf32>,
    %swap3A_218 = arith.constant 448 : index
    %swap3A_219 = tpu.vector_load %arg5[%swap3A_218] {strides = array<i32>} : memref<512xf32, #tpu.memory_space<vmem>>, vector<16xf32>,
    %swap3A_220 = vector.shape_cast %swap3A_219 : vector<16xf32> to vector<16xf32>
    %swap3A_221 = vector.shape_cast %scan3A_105#28 : vector<16xf32> to vector<16xf32>
    tpu.vector_store %arg5[%swap3A_218], %swap3A_221 {strides = array<i32>} : memref<512xf32, #tpu.memory_space<vmem>>, vector<16xf32>,
    %swap3A_222 = arith.constant 464 : index
    %swap3A_223 = tpu.vector_load %arg5[%swap3A_222] {strides = array<i32>} : memref<512xf32, #tpu.memory_space<vmem>>, vector<16xf32>,
    %swap3A_224 = vector.shape_cast %swap3A_223 : vector<16xf32> to vector<16xf32>
    %swap3A_225 = vector.shape_cast %scan3A_105#29 : vector<16xf32> to vector<16xf32>
    tpu.vector_store %arg5[%swap3A_222], %swap3A_225 {strides = array<i32>} : memref<512xf32, #tpu.memory_space<vmem>>, vector<16xf32>,
    %swap3A_226 = arith.constant 480 : index
    %swap3A_227 = tpu.vector_load %arg5[%swap3A_226] {strides = array<i32>} : memref<512xf32, #tpu.memory_space<vmem>>, vector<16xf32>,
    %swap3A_228 = vector.shape_cast %swap3A_227 : vector<16xf32> to vector<16xf32>
    %swap3A_229 = vector.shape_cast %scan3A_105#30 : vector<16xf32> to vector<16xf32>
    tpu.vector_store %arg5[%swap3A_226], %swap3A_229 {strides = array<i32>} : memref<512xf32, #tpu.memory_space<vmem>>, vector<16xf32>,
    %swap3A_230 = arith.constant 496 : index
    %swap3A_231 = tpu.vector_load %arg5[%swap3A_230] {strides = array<i32>} : memref<512xf32, #tpu.memory_space<vmem>>, vector<16xf32>,
    %swap3A_232 = vector.shape_cast %swap3A_231 : vector<16xf32> to vector<16xf32>
    %swap3A_233 = vector.shape_cast %scan3A_105#31 : vector<16xf32> to vector<16xf32>
    tpu.vector_store %arg5[%swap3A_230], %swap3A_233 {strides = array<i32>} : memref<512xf32, #tpu.memory_space<vmem>>, vector<16xf32>,
    "tpu.region"() ({
      %run_scoped3A = tpu.sem_alloc : memref<!tpu.dma_semaphore, #tpu.memory_space<semaphore_mem>>
      %dma_start3A = arith.constant 0 : i32
      %dma_start3A_234 = tpu.memref_slice %arg3[%add3A, %dma_start3A] : memref<32x512xf32, #tpu.memory_space<hbm>> -> memref<1x512xf32, #tpu.memory_space<hbm>>
      %dma_start3A_235 = tpu.memref_squeeze %dma_start3A_234 : memref<1x512xf32, #tpu.memory_space<hbm>> -> memref<512xf32, #tpu.memory_space<hbm>>
      %dma_start3A_236 = arith.constant 0 : i32
      %dma_start3A_237 = tpu.memref_slice %arg3[%add3A, %dma_start3A_236] : memref<32x512xf32, #tpu.memory_space<hbm>> -> memref<1x512xf32, #tpu.memory_space<hbm>>
      %dma_start3A_238 = tpu.memref_squeeze %dma_start3A_237 : memref<1x512xf32, #tpu.memory_space<hbm>> -> memref<512xf32, #tpu.memory_space<hbm>>
      tpu.enqueue_dma source(%arg5 : memref<512xf32, #tpu.memory_space<vmem>>) target(%dma_start3A_238 : memref<512xf32, #tpu.memory_space<hbm>>) target_semaphore(%run_scoped3A : memref<!tpu.dma_semaphore, #tpu.memory_space<semaphore_mem>>)
      %dma_wait3A = arith.constant 0 : i32
      %dma_wait3A_239 = tpu.memref_slice %arg3[%add3A, %dma_wait3A] : memref<32x512xf32, #tpu.memory_space<hbm>> -> memref<1x512xf32, #tpu.memory_space<hbm>>
      %dma_wait3A_240 = tpu.memref_squeeze %dma_wait3A_239 : memref<1x512xf32, #tpu.memory_space<hbm>> -> memref<512xf32, #tpu.memory_space<hbm>>
      %dma_wait3A_241 = arith.constant 0 : i32
      %dma_wait3A_242 = tpu.memref_slice %arg3[%add3A, %dma_wait3A_241] : memref<32x512xf32, #tpu.memory_space<hbm>> -> memref<1x512xf32, #tpu.memory_space<hbm>>
      %dma_wait3A_243 = tpu.memref_squeeze %dma_wait3A_242 : memref<1x512xf32, #tpu.memory_space<hbm>> -> memref<512xf32, #tpu.memory_space<hbm>>
      tpu.wait_dma2 semaphore(%run_scoped3A : memref<!tpu.dma_semaphore, #tpu.memory_space<semaphore_mem>>) src(%arg5 : memref<512xf32, #tpu.memory_space<vmem>>) dst(%dma_wait3A_243 : memref<512xf32, #tpu.memory_space<hbm>>)
      tpu.yield
    }) : () -> ()
    return
  }
}

module attributes {stable_mosaic.version = 14 : i64} {
  func.func @_labsum_body(%arg0: memref<4096x256xf32, #tpu.memory_space<vmem>>, %arg1: memref<512x256xf32, #tpu.memory_space<vmem>>, %arg2: memref<4096x1xi32, #tpu.memory_space<vmem>>, %arg3: memref<512x256xf32, #tpu.memory_space<vmem>>) attributes {dimension_semantics = [], scalar_prefetch = 0 : i64, scratch_operands = 0 : i64, tpu.core_type = #tpu.core_type<tc>} {
    %get3A = arith.constant 0 : index
    %get3A_0 = arith.constant 0 : index
    %get3A_1 = vector.load %arg0[%get3A, %get3A_0] : memref<4096x256xf32, #tpu.memory_space<vmem>>, vector<4096x256xf32>
    %get3A_2 = arith.constant 0 : index
    %get3A_3 = arith.constant 0 : index
    %get3A_4 = vector.load %arg1[%get3A_2, %get3A_3] : memref<512x256xf32, #tpu.memory_space<vmem>>, vector<512x256xf32>
    %mul3A = arith.mulf %get3A_4, %get3A_4 : vector<512x256xf32>
    %reduce_sum3A = arith.constant dense<0.000000e+00> : vector<512xf32>
    %reduce_sum3A_5 = vector.multi_reduction <add>, %mul3A, %reduce_sum3A [1] : vector<512x256xf32> to vector<512xf32>
    %broadcast_in_dim3A = vector.shape_cast %reduce_sum3A_5 : vector<512xf32> to vector<512x1xf32>
    %transpose3A = tpu.transpose %broadcast_in_dim3A, [1, 0] : vector<512x1xf32> -> vector<1x512xf32>
    %dot_general3A = arith.constant dense<0.000000e+00> : vector<4096x512xf32>
    %dot_general3A_6 = tpu.matmul %get3A_1, %get3A_4, %dot_general3A {dimension_numbers = #tpu.dot_dimension_numbers<[1], [1], [0], [0], [0, 0, 1, 0], [], []>, transpose_lhs_hint = false} : vector<4096x256xf32>, vector<512x256xf32>, vector<4096x512xf32> -> vector<4096x512xf32>
    %mul3A_7 = arith.constant 2.000000e+00 : f32
    %mul3A_8 = vector.broadcast %mul3A_7 : f32 to vector<4096x512xf32>
    %mul3A_9 = arith.mulf %mul3A_8, %dot_general3A_6 : vector<4096x512xf32>
    %sub3A = vector.broadcast %transpose3A : vector<1x512xf32> to vector<4096x512xf32>
    %sub3A_10 = arith.subf %sub3A, %mul3A_9 : vector<4096x512xf32>
    %reduce_min3A = arith.constant dense<0x7F800000> : vector<4096xf32>
    %reduce_min3A_11 = vector.multi_reduction <minimumf>, %sub3A_10, %reduce_min3A [1] : vector<4096x512xf32> to vector<4096xf32>
    %broadcast_in_dim3A_12 = vector.shape_cast %reduce_min3A_11 : vector<4096xf32> to vector<4096x1xf32>
    %iota3A = tpu.iota {dimensions = array<i32: 1>} : vector<4096x512xi32>
    %eq3A = vector.broadcast %broadcast_in_dim3A_12 : vector<4096x1xf32> to vector<4096x512xf32>
    %eq3A_13 = arith.cmpf oeq, %sub3A_10, %eq3A : vector<4096x512xf32>
    %jit3A = arith.constant 512 : i32
    %broadcast_in_dim3A_14 = vector.broadcast %jit3A : i32 to vector<4096x512xi32>
    %select_n3A = arith.select %eq3A_13, %iota3A, %broadcast_in_dim3A_14 : vector<4096x512xi1>, vector<4096x512xi32>
    %reduce_min3A_15 = arith.constant dense<2147483647> : vector<4096xi32>
    %reduce_min3A_16 = vector.multi_reduction <minsi>, %select_n3A, %reduce_min3A_15 [1] : vector<4096x512xi32> to vector<4096xi32>
    %broadcast_in_dim3A_17 = vector.shape_cast %reduce_min3A_16 : vector<4096xi32> to vector<4096x1xi32>
    %swap3A = arith.constant 0 : index
    %swap3A_18 = arith.constant 0 : index
    %swap3A_19 = vector.load %arg2[%swap3A, %swap3A_18] : memref<4096x1xi32, #tpu.memory_space<vmem>>, vector<4096x1xi32>
    tpu.vector_store %arg2[%swap3A, %swap3A_18], %broadcast_in_dim3A_17 {strides = array<i32>} : memref<4096x1xi32, #tpu.memory_space<vmem>>, vector<4096x1xi32>,
    %eq3A_20 = vector.broadcast %broadcast_in_dim3A_17 : vector<4096x1xi32> to vector<4096x512xi32>
    %eq3A_21 = arith.cmpi eq, %eq3A_20, %iota3A : vector<4096x512xi32>
    %convert_element_type3A = arith.extui %eq3A_21 : vector<4096x512xi1> to vector<4096x512xi32>
    %convert_element_type3A_22 = arith.sitofp %convert_element_type3A : vector<4096x512xi32> to vector<4096x512xf32>
    %dot_general3A_23 = arith.constant dense<0.000000e+00> : vector<512x256xf32>
    %dot_general3A_24 = tpu.matmul %convert_element_type3A_22, %get3A_1, %dot_general3A_23 {dimension_numbers = #tpu.dot_dimension_numbers<[0], [0], [1], [1], [0, 1, 1, 1], [], []>, precision = #tpu.contract_precision<fp32>, transpose_lhs_hint = false} : vector<4096x512xf32>, vector<4096x256xf32>, vector<512x256xf32> -> vector<512x256xf32>
    %swap3A_25 = arith.constant 0 : index
    %swap3A_26 = arith.constant 0 : index
    %swap3A_27 = vector.load %arg3[%swap3A_25, %swap3A_26] : memref<512x256xf32, #tpu.memory_space<vmem>>, vector<512x256xf32>
    tpu.vector_store %arg3[%swap3A_25, %swap3A_26], %dot_general3A_24 {strides = array<i32>} : memref<512x256xf32, #tpu.memory_space<vmem>>, vector<512x256xf32>,
    return
  }
}

module attributes {stable_mosaic.version = 14 : i64} {
  func.func @_init_body(%arg0: memref<4096x256xf32, #tpu.memory_space<vmem>>, %arg1: memref<256x4096xf32, #tpu.memory_space<vmem>>, %arg2: memref<511x1x4096xf32, #tpu.memory_space<vmem>>, %arg3: memref<512x256xf32, #tpu.memory_space<vmem>>, %arg4: memref<1x1xf32, #tpu.memory_space<vmem>>) attributes {dimension_semantics = [], scalar_prefetch = 0 : i64, scratch_operands = 0 : i64, tpu.core_type = #tpu.core_type<tc>} {
    %get3A = arith.constant 0 : index
    %get3A_0 = arith.constant 0 : index
    %get3A_1 = vector.load %arg1[%get3A, %get3A_0] : memref<256x4096xf32, #tpu.memory_space<vmem>>, vector<256x4096xf32>
    %mul3A = arith.mulf %get3A_1, %get3A_1 : vector<256x4096xf32>
    %reduce_sum3A = arith.constant dense<0.000000e+00> : vector<4096xf32>
    %reduce_sum3A_2 = vector.multi_reduction <add>, %mul3A, %reduce_sum3A [0] : vector<256x4096xf32> to vector<4096xf32>
    %broadcast_in_dim3A = vector.shape_cast %reduce_sum3A_2 : vector<4096xf32> to vector<1x4096xf32>
    %get3A_3 = arith.constant 2876 : index
    %get3A_4 = arith.constant 0 : index
    %get3A_5 = vector.load %arg0[%get3A_3, %get3A_4] : memref<4096x256xf32, #tpu.memory_space<vmem>>, vector<1x256xf32>
    %swap3A = arith.constant 0 : index
    %swap3A_6 = arith.constant 0 : index
    %swap3A_7 = vector.load %arg3[%swap3A, %swap3A_6] : memref<512x256xf32, #tpu.memory_space<vmem>>, vector<1x256xf32>
    tpu.vector_store %arg3[%swap3A, %swap3A_6], %get3A_5 {strides = array<i32>} : memref<512x256xf32, #tpu.memory_space<vmem>>, vector<1x256xf32>,
    %iota3A = tpu.iota {dimensions = array<i32: 1>} : vector<1x4096xi32>
    %mul3A_8 = arith.mulf %get3A_5, %get3A_5 : vector<1x256xf32>
    %reduce_sum3A_9 = vector.shape_cast %mul3A_8 : vector<1x256xf32> to vector<1x1x256xf32>
    %reduce_sum3A_10 = arith.constant dense<0.000000e+00> : vector<1xf32>
    %reduce_sum3A_11 = vector.multi_reduction <add>, %reduce_sum3A_9, %reduce_sum3A_10 [1, 2] : vector<1x1x256xf32> to vector<1xf32>
    %reduce_sum3A_12 = vector.shape_cast %reduce_sum3A_11 : vector<1xf32> to vector<1x1x1xf32>
    %reduce_sum3A_13 = vector.extract %reduce_sum3A_12[0, 0, 0] : f32 from vector<1x1x1xf32>
    %dot_general3A = arith.constant dense<0.000000e+00> : vector<1x4096xf32>
    %dot_general3A_14 = tpu.matmul %get3A_5, %get3A_1, %dot_general3A {dimension_numbers = #tpu.dot_dimension_numbers<[1], [0], [0], [1], [0, 0, 1, 1], [], []>, precision = #tpu.contract_precision<fp32>, transpose_lhs_hint = false} : vector<1x256xf32>, vector<256x4096xf32>, vector<1x4096xf32> -> vector<1x4096xf32>
    %mul3A_15 = arith.constant 2.000000e+00 : f32
    %mul3A_16 = vector.broadcast %mul3A_15 : f32 to vector<1x4096xf32>
    %mul3A_17 = arith.mulf %mul3A_16, %dot_general3A_14 : vector<1x4096xf32>
    %sub3A = arith.subf %broadcast_in_dim3A, %mul3A_17 : vector<1x4096xf32>
    %add3A = vector.broadcast %reduce_sum3A_13 : f32 to vector<1x4096xf32>
    %add3A_18 = arith.addf %sub3A, %add3A : vector<1x4096xf32>
    %scan3A = arith.constant 1 : i32
    %scan3A_19 = arith.constant 511 : i32
    %scan3A_20 = arith.addi %scan3A, %scan3A_19 : i32
    %scan3A_21 = arith.constant 1 : i32
    %scan3A_22 = scf.for %scan3A_47 = %scan3A to %scan3A_20 step %scan3A_21 iter_args(%scan3A_48 = %add3A_18) -> (vector<1x4096xf32>)  : i32 {
      %max3A = arith.constant 9.99999996E-13 : f32
      %max3A_49 = vector.broadcast %max3A : f32 to vector<1x4096xf32>
      %max3A_50 = arith.maximumf %scan3A_48, %max3A_49 : vector<1x4096xf32>
      %sub3A_51 = arith.constant 1 : i32
      %sub3A_52 = arith.subi %scan3A_47, %sub3A_51 : i32
      %get3A_53 = arith.index_cast %sub3A_52 : i32 to index
      %get3A_54 = arith.constant 0 : index
      %get3A_55 = arith.constant 0 : index
      %get3A_56 = vector.load %arg2[%get3A_53, %get3A_54, %get3A_55] : memref<511x1x4096xf32, #tpu.memory_space<vmem>>, vector<1x1x4096xf32>
      %get3A_57 = vector.shape_cast %get3A_56 : vector<1x1x4096xf32> to vector<1x4096xf32>
      %mul3A_58 = arith.mulf %max3A_50, %get3A_57 : vector<1x4096xf32>
      %reduce_max3A = vector.shape_cast %mul3A_58 : vector<1x4096xf32> to vector<1x1x4096xf32>
      %reduce_max3A_59 = arith.constant dense<0xFF800000> : vector<1xf32>
      %reduce_max3A_60 = vector.multi_reduction <maximumf>, %reduce_max3A, %reduce_max3A_59 [1, 2] : vector<1x1x4096xf32> to vector<1xf32>
      %reduce_max3A_61 = vector.shape_cast %reduce_max3A_60 : vector<1xf32> to vector<1x1x1xf32>
      %reduce_max3A_62 = vector.extract %reduce_max3A_61[0, 0, 0] : f32 from vector<1x1x1xf32>
      %eq3A = vector.broadcast %reduce_max3A_62 : f32 to vector<1x4096xf32>
      %eq3A_63 = arith.cmpf oeq, %mul3A_58, %eq3A : vector<1x4096xf32>
      %jit3A = arith.constant 4096 : i32
      %broadcast_in_dim3A_64 = vector.broadcast %jit3A : i32 to vector<1x4096xi32>
      %select_n3A = arith.select %eq3A_63, %iota3A, %broadcast_in_dim3A_64 : vector<1x4096xi1>, vector<1x4096xi32>
      %reduce_min3A = vector.shape_cast %select_n3A : vector<1x4096xi32> to vector<1x1x4096xi32>
      %reduce_min3A_65 = arith.constant dense<2147483647> : vector<1xi32>
      %reduce_min3A_66 = vector.multi_reduction <minsi>, %reduce_min3A, %reduce_min3A_65 [1, 2] : vector<1x1x4096xi32> to vector<1xi32>
      %reduce_min3A_67 = vector.shape_cast %reduce_min3A_66 : vector<1xi32> to vector<1x1x1xi32>
      %reduce_min3A_68 = vector.extract %reduce_min3A_67[0, 0, 0] : i32 from vector<1x1x1xi32>
      %get3A_69 = arith.index_cast %reduce_min3A_68 : i32 to index
      %get3A_70 = arith.constant 0 : index
      %get3A_71 = vector.load %arg0[%get3A_69, %get3A_70] : memref<4096x256xf32, #tpu.memory_space<vmem>>, vector<1x256xf32>
      %swap3A_72 = arith.index_cast %scan3A_47 : i32 to index
      %swap3A_73 = arith.constant 0 : index
      %swap3A_74 = vector.load %arg3[%swap3A_72, %swap3A_73] : memref<512x256xf32, #tpu.memory_space<vmem>>, vector<1x256xf32>
      tpu.vector_store %arg3[%swap3A_72, %swap3A_73], %get3A_71 {strides = array<i32>} : memref<512x256xf32, #tpu.memory_space<vmem>>, vector<1x256xf32>,
      %mul3A_75 = arith.mulf %get3A_71, %get3A_71 : vector<1x256xf32>
      %reduce_sum3A_76 = vector.shape_cast %mul3A_75 : vector<1x256xf32> to vector<1x1x256xf32>
      %reduce_sum3A_77 = arith.constant dense<0.000000e+00> : vector<1xf32>
      %reduce_sum3A_78 = vector.multi_reduction <add>, %reduce_sum3A_76, %reduce_sum3A_77 [1, 2] : vector<1x1x256xf32> to vector<1xf32>
      %reduce_sum3A_79 = vector.shape_cast %reduce_sum3A_78 : vector<1xf32> to vector<1x1x1xf32>
      %reduce_sum3A_80 = vector.extract %reduce_sum3A_79[0, 0, 0] : f32 from vector<1x1x1xf32>
      %dot_general3A_81 = arith.constant dense<0.000000e+00> : vector<1x4096xf32>
      %dot_general3A_82 = tpu.matmul %get3A_71, %get3A_1, %dot_general3A_81 {dimension_numbers = #tpu.dot_dimension_numbers<[1], [0], [0], [1], [0, 0, 1, 1], [], []>, precision = #tpu.contract_precision<fp32>, transpose_lhs_hint = false} : vector<1x256xf32>, vector<256x4096xf32>, vector<1x4096xf32> -> vector<1x4096xf32>
      %mul3A_83 = arith.constant 2.000000e+00 : f32
      %mul3A_84 = vector.broadcast %mul3A_83 : f32 to vector<1x4096xf32>
      %mul3A_85 = arith.mulf %mul3A_84, %dot_general3A_82 : vector<1x4096xf32>
      %sub3A_86 = arith.subf %broadcast_in_dim3A, %mul3A_85 : vector<1x4096xf32>
      %add3A_87 = vector.broadcast %reduce_sum3A_80 : f32 to vector<1x4096xf32>
      %add3A_88 = arith.addf %sub3A_86, %add3A_87 : vector<1x4096xf32>
      %min3A = arith.minimumf %scan3A_48, %add3A_88 : vector<1x4096xf32>
      scf.yield %min3A : vector<1x4096xf32>
    }
    %scan3A_23 = arith.constant 511 : i32
    %get3A_24 = arith.constant 0 : index
    %get3A_25 = arith.constant 0 : index
    %get3A_26 = vector.load %arg0[%get3A_24, %get3A_25] : memref<4096x256xf32, #tpu.memory_space<vmem>>, vector<4096x256xf32>
    %reduce_sum3A_27 = arith.constant dense<0.000000e+00> : vector<256xf32>
    %reduce_sum3A_28 = vector.multi_reduction <add>, %get3A_26, %reduce_sum3A_27 [0] : vector<4096x256xf32> to vector<256xf32>
    %broadcast_in_dim3A_29 = vector.shape_cast %reduce_sum3A_28 : vector<256xf32> to vector<1x256xf32>
    %div3A = arith.constant 4.096000e+03 : f32
    %div3A_30 = vector.broadcast %div3A : f32 to vector<1x256xf32>
    %div3A_31 = arith.divf %broadcast_in_dim3A_29, %div3A_30 : vector<1x256xf32>
    %sub3A_32 = vector.broadcast %div3A_31 : vector<1x256xf32> to vector<4096x256xf32>
    %sub3A_33 = arith.subf %get3A_26, %sub3A_32 : vector<4096x256xf32>
    %integer_pow3A = arith.mulf %sub3A_33, %sub3A_33 : vector<4096x256xf32>
    %reduce_sum3A_34 = vector.shape_cast %integer_pow3A : vector<4096x256xf32> to vector<1x4096x256xf32>
    %reduce_sum3A_35 = arith.constant dense<0.000000e+00> : vector<1xf32>
    %reduce_sum3A_36 = vector.multi_reduction <add>, %reduce_sum3A_34, %reduce_sum3A_35 [1, 2] : vector<1x4096x256xf32> to vector<1xf32>
    %reduce_sum3A_37 = vector.shape_cast %reduce_sum3A_36 : vector<1xf32> to vector<1x1x1xf32>
    %reduce_sum3A_38 = vector.extract %reduce_sum3A_37[0, 0, 0] : f32 from vector<1x1x1xf32>
    %div3A_39 = arith.constant 0x49800000 : f32
    %div3A_40 = arith.divf %reduce_sum3A_38, %div3A_39 : f32
    %mul3A_41 = arith.constant 9.99999974E-5 : f32
    %mul3A_42 = arith.mulf %mul3A_41, %div3A_40 : f32
    %broadcast_in_dim3A_43 = vector.broadcast %mul3A_42 : f32 to vector<1x1xf32>
    %swap3A_44 = arith.constant 0 : index
    %swap3A_45 = arith.constant 0 : index
    %swap3A_46 = vector.load %arg4[%swap3A_44, %swap3A_45] : memref<1x1xf32, #tpu.memory_space<vmem>>, vector<1x1xf32>
    tpu.vector_store %arg4[%swap3A_44, %swap3A_45], %broadcast_in_dim3A_43 {strides = array<i32>} : memref<1x1xf32, #tpu.memory_space<vmem>>, vector<1x1xf32>,
    return
  }
}

module attributes {stable_mosaic.version = 14 : i64} {
  func.func @_update_body(%arg0: memref<512x256xf32, #tpu.memory_space<vmem>>, %arg1: memref<512x256xf32, #tpu.memory_space<vmem>>, %arg2: memref<32x512xf32, #tpu.memory_space<vmem>>, %arg3: memref<512x256xf32, #tpu.memory_space<vmem>>, %arg4: memref<1x1xf32, #tpu.memory_space<vmem>>) attributes {dimension_semantics = [], scalar_prefetch = 0 : i64, scratch_operands = 0 : i64, tpu.core_type = #tpu.core_type<tc>} {
    %get3A = arith.constant 0 : index
    %get3A_0 = arith.constant 0 : index
    %get3A_1 = vector.load %arg0[%get3A, %get3A_0] : memref<512x256xf32, #tpu.memory_space<vmem>>, vector<512x256xf32>
    %get3A_2 = arith.constant 0 : index
    %get3A_3 = arith.constant 0 : index
    %get3A_4 = vector.load %arg1[%get3A_2, %get3A_3] : memref<512x256xf32, #tpu.memory_space<vmem>>, vector<512x256xf32>
    %get3A_5 = arith.constant 0 : index
    %get3A_6 = arith.constant 0 : index
    %get3A_7 = vector.load %arg2[%get3A_5, %get3A_6] : memref<32x512xf32, #tpu.memory_space<vmem>>, vector<32x512xf32>
    %reduce_sum3A = arith.constant dense<0.000000e+00> : vector<512xf32>
    %reduce_sum3A_8 = vector.multi_reduction <add>, %get3A_7, %reduce_sum3A [0] : vector<32x512xf32> to vector<512xf32>
    %broadcast_in_dim3A = vector.shape_cast %reduce_sum3A_8 : vector<512xf32> to vector<1x512xf32>
    %transpose3A = tpu.transpose %broadcast_in_dim3A, [1, 0] : vector<1x512xf32> -> vector<512x1xf32>
    %gt3A = arith.constant 0.000000e+00 : f32
    %gt3A_9 = vector.broadcast %gt3A : f32 to vector<512x1xf32>
    %gt3A_10 = arith.cmpf ogt, %transpose3A, %gt3A_9 : vector<512x1xf32>
    %max3A = arith.constant 1.000000e+00 : f32
    %max3A_11 = vector.broadcast %max3A : f32 to vector<512x1xf32>
    %max3A_12 = arith.maximumf %transpose3A, %max3A_11 : vector<512x1xf32>
    %div3A = vector.broadcast %max3A_12 : vector<512x1xf32> to vector<512x256xf32>
    %div3A_13 = arith.divf %get3A_4, %div3A : vector<512x256xf32>
    %broadcast_in_dim3A_14 = vector.shape_cast %gt3A_10 : vector<512x1xi1> to vector<512x1xi1>
    %broadcast_in_dim3A_15 = vector.broadcast %broadcast_in_dim3A_14 : vector<512x1xi1> to vector<512x256xi1>
    %select_n3A = arith.select %broadcast_in_dim3A_15, %div3A_13, %get3A_1 : vector<512x256xi1>, vector<512x256xf32>
    %swap3A = arith.constant 0 : index
    %swap3A_16 = arith.constant 0 : index
    %swap3A_17 = vector.load %arg3[%swap3A, %swap3A_16] : memref<512x256xf32, #tpu.memory_space<vmem>>, vector<512x256xf32>
    tpu.vector_store %arg3[%swap3A, %swap3A_16], %select_n3A {strides = array<i32>} : memref<512x256xf32, #tpu.memory_space<vmem>>, vector<512x256xf32>,
    %sub3A = arith.subf %select_n3A, %get3A_1 : vector<512x256xf32>
    %integer_pow3A = arith.mulf %sub3A, %sub3A : vector<512x256xf32>
    %reduce_sum3A_18 = vector.shape_cast %integer_pow3A : vector<512x256xf32> to vector<1x512x256xf32>
    %reduce_sum3A_19 = arith.constant dense<0.000000e+00> : vector<1xf32>
    %reduce_sum3A_20 = vector.multi_reduction <add>, %reduce_sum3A_18, %reduce_sum3A_19 [1, 2] : vector<1x512x256xf32> to vector<1xf32>
    %reduce_sum3A_21 = vector.shape_cast %reduce_sum3A_20 : vector<1xf32> to vector<1x1x1xf32>
    %reduce_sum3A_22 = vector.extract %reduce_sum3A_21[0, 0, 0] : f32 from vector<1x1x1xf32>
    %broadcast_in_dim3A_23 = vector.broadcast %reduce_sum3A_22 : f32 to vector<1x1xf32>
    %swap3A_24 = arith.constant 0 : index
    %swap3A_25 = arith.constant 0 : index
    %swap3A_26 = vector.load %arg4[%swap3A_24, %swap3A_25] : memref<1x1xf32, #tpu.memory_space<vmem>>, vector<1x1xf32>
    tpu.vector_store %arg4[%swap3A_24, %swap3A_25], %broadcast_in_dim3A_23 {strides = array<i32>} : memref<1x1xf32, #tpu.memory_space<vmem>>, vector<1x1xf32>,
    return
  }
}

</mosaic_0001>

<sc_bundles>
// kernel: body.11.cloned.1.call-start
scs
__scs_entry_jumppad:
0x0: {  	(pc) =	sbr.rel $0x88, $3  }
0x1: {  	(tag) =	ssettag $0x0;
	lr =	simm.s32 $0x1  }
0x2: {  	[smem:$0x3FA0] =	sst lr;
	_ =	strace $0xD0000000  }
0x3: {  	_ = 	snop  }
0x4: {  	_ = 	snop  }
0x5: {  	_ = 	snop  }
0x6: {  	_ = 	snop  }
0x7: {  	_ = 	snop  }
__scs_overlays_trampoline_lowered:
0x8: {  	[smem:$0x3FAF] =	sst s0  }
0x9: {  	[smem:$0x3FB0] =	sst s1  }
0xa: {  	[smem:$0x3FB1] =	sst s2  }
0xb: {  	[smem:$0x3FB2] =	sst s3  }
0xc: {  	[smem:$0x3FB3] =	sst s4  }
0xd: {  	[smem:$0x3FB4] =	sst s5  }
0xe: {  	[smem:$0x3FB5] =	sst s6  }
0xf: {  	[smem:$0x3FB6] =	sst s7  }
0x10: {  	[smem:$0x3FB7] =	sst s8  }
0x11: {  	[smem:$0x3FB8] =	sst s9;
	s0 =	simm.s32 @!p0 $0x0  }
0x12: {  	s1 =	sld [smem:$0x3F9E];
	s0 =	simm.s32 @p0 $0x1  }
0x13: {  	[smem:$0x3FB9] =	sst s0;
	s0 =	simm.s32 @!p1 $0x0  }
0x14: {  	s2 =	sld [smem:$0x3F9D];
	s0 =	simm.s32 @p1 $0x1  }
0x15: {  	[smem:$0x3FBA] =	sst s0;
	s0 =	simm.s32 @!p2 $0x0  }
0x16: {  	s3 =	sld [smem:$0x3FDB];
	s0 =	simm.s32 @p2 $0x1  }
0x17: {  	s4 =	simm.s32 $0x1BF5;
	[smem:$0x3FBC] =	sst s0  }
0x18: {  	s0 =	sld [smem:$0x3F9F];
	_ =	swait.ge [sflag:s4], $0x0  }
0x19: {  	s7 =	sld [smem:$0x3FA0]  }
0x1a: {  	s8 =	sadd.s32 $0xFFFFE003, lr  }
0x1b: {  	s9 =	sadd.s32 $0xFFFFFEF7, lr;
	s5 =	simm.s32 $0xFFFFFFFF;
	p2 =	slt.u32 s8, $0xFFFFF086  }
0x1c: {  	p1 =	slt.u32 s9, $0xF7A;
	s5 =	simm.s32 @!p2 $0x0  }
0x1d: {  	s5 =	simm.s32 @p1 $0x1;
	p0 =	seq.s32 s7, s2  }
0x1e: {  	s7 =	smul.u32 @!p0 $0xF7A, s2;
	p2 =	seq.s32 @!p0 s5, $0x0  }
0x1f: {  	s9 =	smul.u32 $0xF7A, s1;
	s8 =	simm.s32 @!p0 $0x1BF5;
	p2 =	por !p2, p0  }
0x20: {  	[sflag:s8] =	ssyncset.s32 @!p0 $0xFFFFF086;
	s6 =	sadd.s32 @!p0 s3, s7;
	s7 =	simm.s32 @!p0 $0x108  }
0x21: {  	s3 =	sadd.s32 s3, s9;
	s6 =	sadd.s32 @!p0 $0x88, s6;
	s7 =	simm.s32 @p2 $0x1082  }
0x22: {  	[simem:s7], [sflag:s8] =	dma.local @!p0 [hbm:s6], $0xF7A  }
0x23: {  	s9 =	sor.u32 $0xD0000000, s2;
	s6 =	simm.s32 $0x108;
	_ =	swait.ge @!p0 [sflag:s8], $0x0  }
0x24: {  	s3 =	sadd.s32 $0x88, s3;
	s6 =	simm.s32 @!p1 $0x1082;
	[sflag:s4] =	ssyncset.s32 $0xFFFFF086  }
0x25: {  	[simem:s6], [sflag:s4] =	dma.local [hbm:s3], $0xF7A  }
0x26: {  	[smem:$0x3FA0] =	sst s1;
	(tag) =	ssettag s2;
	_ =	strace s9  }
0x27: {  	s1 =	sld [smem:$0x3FB0]  }
0x28: {  	s2 =	sld [smem:$0x3FB1]  }
0x29: {  	s4 =	sld [smem:$0x3FB3]  }
0x2a: {  	p0 =	seq.s32 s5, $0x0;
	s5 =	sld [smem:$0x3FB4]  }
0x2b: {  	s6 =	sld [smem:$0x3FB5]  }
0x2c: {  	s7 =	sld [smem:$0x3FB6]  }
0x2d: {  	s3 =	simm.s32 $0x108;
	s8 =	sld [smem:$0x3FB7]  }
0x2e: {  	s3 =	simm.s32 @!p0 $0x1082;
	s9 =	sld [smem:$0x3FB8]  }
0x2f: {  	lr =	sadd.s32 s0, s3;
	s0 =	sld [smem:$0x3FAF]  }
0x30: {  	s3 =	sld [smem:$0x3FB2]  }
0x31: {  	[smem:$0x3FBB] =	sst s10  }
0x32: {  	s10 =	sld [smem:$0x3FB9];
	_ =	sdelay $0x3  }
0x33: {  	p0 =	seq.s32 s10, $0x1;
	s10 =	sld [smem:$0x3FBB];
	_ =	sdelay $0x3  }
0x34: {  	[smem:$0x3FBB] =	sst s10  }
0x35: {  	s10 =	sld [smem:$0x3FBA];
	_ =	sdelay $0x3  }
0x36: {  	p1 =	seq.s32 s10, $0x1;
	s10 =	sld [smem:$0x3FBB];
	_ =	sdelay $0x3  }
0x37: {  	[smem:$0x3FBB] =	sst s10  }
0x38: {  	s10 =	sld [smem:$0x3FBC]  }
0x39: {  	_ = 	snop;
	(pc) =	sbr.ind lr, $3  }
0x3a: {  	_ = 	snop  }
0x3b: {  	_ = 	snop  }
0x3c: {  	p2 =	seq.s32 s10, $0x1;
	s10 =	sld [smem:$0x3FBB]  }
0x3d: {  	_ =	shalt  }
0x3e: {  	_ =	shalt  }
0x3f: {  	_ =	shalt  }
0x40: {  	_ =	shalt  }
0x41: {  	_ =	shalt  }
0x42: {  	_ =	shalt  }
0x43: {  	_ =	shalt  }
0x44: {  	_ =	shalt  }
0x45: {  	_ =	shalt  }
0x46: {  	_ =	shalt  }
0x47: {  	_ =	shalt  }
0x48: {  	_ =	shalt  }
0x49: {  	_ =	shalt  }
0x4a: {  	_ =	shalt  }
0x4b: {  	_ =	shalt  }
0x4c: {  	_ =	shalt  }
0x4d: {  	_ =	shalt  }
0x4e: {  	_ =	shalt  }
0x4f: {  	_ =	shalt  }
0x50: {  	_ =	shalt  }
0x51: {  	_ =	shalt  }
0x52: {  	_ =	shalt  }
0x53: {  	_ =	shalt  }
0x54: {  	_ =	shalt  }
0x55: {  	_ =	shalt  }
0x56: {  	_ =	shalt  }
0x57: {  	_ =	shalt  }
0x58: {  	_ =	shalt  }
0x59: {  	_ =	shalt  }
0x5a: {  	_ =	shalt  }
0x5b: {  	_ =	shalt  }
0x5c: {  	_ =	shalt  }
0x5d: {  	_ =	shalt  }
0x5e: {  	_ =	shalt  }
0x5f: {  	_ =	shalt  }
0x60: {  	_ =	shalt  }
0x61: {  	_ =	shalt  }
0x62: {  	_ =	shalt  }
0x63: {  	_ =	shalt  }
0x64: {  	_ =	shalt  }
0x65: {  	_ =	shalt  }
0x66: {  	_ =	shalt  }
0x67: {  	_ =	shalt  }
0x68: {  	_ =	shalt  }
0x69: {  	_ =	shalt  }
0x6a: {  	_ =	shalt  }
0x6b: {  	_ =	shalt  }
0x6c: {  	_ =	shalt  }
0x6d: {  	_ =	shalt  }
0x6e: {  	_ =	shalt  }
0x6f: {  	_ =	shalt  }
0x70: {  	_ =	shalt  }
0x71: {  	_ =	shalt  }
0x72: {  	_ =	shalt  }
0x73: {  	_ =	shalt  }
0x74: {  	_ =	shalt  }
0x75: {  	_ =	shalt  }
0x76: {  	_ =	shalt  }
0x77: {  	_ =	shalt  }
0x78: {  	_ =	shalt  }
0x79: {  	_ =	shalt  }
0x7a: {  	_ =	shalt  }
0x7b: {  	_ =	shalt  }
0x7c: {  	_ =	shalt  }
0x7d: {  	_ =	shalt  }
0x7e: {  	_ =	shalt  }
0x7f: {  	_ =	shalt  }
0x80: {  	_ =	shalt  }
0x81: {  	_ =	shalt  }
0x82: {  	_ =	shalt  }
0x83: {  	_ =	shalt  }
0x84: {  	_ =	shalt  }
0x85: {  	_ =	shalt  }
0x86: {  	_ =	shalt  }
0x87: {  	_ =	shalt  }
.Lfunc_end0:
.L_simem_size_0:
called_computation_lowered:
.L_overlay_start_0:
0x88: {  	s2 =	sld [smem:$0x3FD9]  }
0x89: {  	s3 =	sld [smem:$0x3FFE];
	_ =	sdelay $0x1  }
0x8a: {  	s1 =	srdreg.scid  }
0x8b: {  	s0 =	sand.u32 $0x1, s1  }
0x8c: {  	s17 =	sshll.u32 s0, $0xA;
	s2 =	sadd.s32 s3, s2  }
0x8d: {  	s2 =	sadd.s32 s2, s17  }
0x8e: {  	[smem:$0x3FC7] =	sst s2  }
0x8f: {  	_ = 	snop  }
0x90: {  	s2 =	sld [smem:$0x3FD0];
	(tm) =	ssettm $0x1  }
0x91: {  	s18 =	sld [smem:$0x3FFB];
	_ =	sdelay $0x3  }
0x92: {  	_ =	strace s18  }
0x93: {  	s3 =	sld [smem:$0x3FFC];
	_ =	sdelay $0x3  }
0x94: {  	_ =	strace s3  }
0x95: {  	s3 =	sld [smem:$0x3FFD];
	_ =	sdelay $0x3  }
0x96: {  	_ =	strace s3  }
0x97: {  	_ =	strace $0x8FFFFFFF  }
0x98: {  	s19 =	sld [smem:$0x3FDB];
	_ =	sdelay $0x1  }
0x99: {  	s4 =	simm.s32 $_scs_section_size  }
0x9a: {  	s5 =	simm.s32 $_size__tile_overlayer_lowered;
	s6 =	simm.s32 $_tile_overlayer_lowered  }
0x9b: {  	s22 =	simm.s32 $0x1BFF;
	s21 =	sshll.u32 s6, $0x1;
	s3 =	sadd.s32 s4, s19  }
0x9c: {  	s7 =	simm.s32 $0x0;
	s20 =	sshll.u32 s5, $0x1;
	s5 =	sadd.s32 s21, s3  }
0x9d: {  	[timem:s7], [sflag:s22] =	dma.local [hbm:s5], s20  }
0x9e: {  	_ =	swait.ge [sflag:s22], s20  }
0x9f: {  	s4 =	ssub.s32 $0x0, s20;
	[sflag:s22] =	ssyncset.done $0x0  }
0xa0: {  	[sflag:s22] =	ssyncadd.s32 s4;
	_ =	sdelay $0x1  }
0xa1: {  	s23 =	simm.s32 $0x1B8B  }
0xa2: {  	_ =	swait.ge [sflag:s23], $0x1  }
0xa3: {  	[sflag:s23] =	ssyncset.done $0x0  }
0xa4: {  	s25 =	simm.s32 $0x1B8E;
	s24 =	sld [smem:$0x3FFE];
	[sflag:s23] =	ssyncadd.s32 $0xFFFFFFFF  }
0xa5: {  	s26 =	simm.s32 $execute0_lowered;
	[smem:$0x3FD2] =	sst s25  }
0xa6: {  	s5 =	sshll.u32 s26, $0x1;
	_ =	strace $0x80000046;
	[dreg:$0x1] =	wrdreg $0xFFFFFFFF  }
0xa7: {  	s28 =	simm.s32 $_size_execute0_lowered;
	s3 =	sadd.s32 s3, s5;
	[dreg:$0x0] =	wrdreg $0x0  }
0xa8: {  	s5 =	sshll.u32 s28, $0x1;
	[dreg:$0x2] =	wrdreg s3  }
0xa9: {  	[dreg:$0x3] =	wrdreg s5  }
0xaa: {  	[dreg:$0x4] =	wrdreg $0xC0  }
0xab: {  	_ =	task [dreg:s7], $0x5FFFF  }
0xac: {  	[dreg:$0x1] =	wrdreg $0xFFFFFFFF  }
0xad: {  	[dreg:$0x0] =	wrdreg $0x60  }
0xae: {  	[dreg:$0x2] =	wrdreg s24  }
0xaf: {  	[dreg:$0x3] =	wrdreg s2  }
0xb0: {  	[dreg:$0x4] =	wrdreg $0x9  }
0xb1: {  	_ =	task.clear_ibuf [dreg:s7], $0x5FFFF;
	_ =	strace $0x90000046  }
0xb2: {  	s29 =	simm.s32 $0x9;
	_ =	strace $0x80000048  }
0xb3: {  	_ =	swait.ge [sflag:s29], $0x1  }
0xb4: {  	[sflag:s29] =	ssyncadd.s32 $0xFFFFFFFF  }
0xb5: {  	_ =	strace $0x90000048  }
0xb6: {  	_ =	sfence  }
0xb7: {  	s30 =	sld [smem:$0x0];
	_ =	sdelay $0x2  }
0xb8: {  	s31 =	sshll.u32 s1, $0xD;
	s1 =	sshrl.u32 s1, $0x2  }
0xb9: {  	s3 =	sand.u32 $0x4000, s31;
	s1 =	sadd.s32 s1, s30  }
0xba: {  	s0 =	sor.u32 s3, s0;
	s1 =	sshll.u32 s1, $0x11  }
0xbb: {  	s0 =	sor.u32 s1, s0  }
0xbc: {  	s0 =	sadd.s32 $0x8F2B, s0  }
0xbd: {  	[sflag:s0] =	ssyncadd.remote.s32 $0x1  }
0xbe: {  	_ =	sfence.sel $0xFFFF  }
0xbf: {  	[dreg:$0x0] =	wrdreg $0xFFFFFFFF;
	(pc) =	sbr.abs _section_cstart, $3  }
0xc0: {  	[dreg:$0x1] =	wrdreg $0xFFFFFFFF  }
0xc1: {  	_ =	task.clear_ibuf [dreg:s7], $0x2FFFF;
	_ =	strace $0x9FFFFFFF  }
0xc2: {  	(tm) =	ssettm $0x7FFFFFFF  }
0xc3: {  	_ =	shalt  }
tec
execute0_lowered:
.L_overlay_start_1:
0x0: {  	(tag) =	ssettag $0x1  }
0x1: {  	s3 =	rddreg [dreg:$0x0]  }
0x2: {  	v4 =	vlaneseq.u32;
	s4 =	rddreg [dreg:$0x1];
	s1 =	simm.s32 $0x0  }
0x3: {  	v1 =	vimm.f32 $0.0e+00;
	[smem:$0x7FF] =	sst s1;
	v0 =	vor.u32 $0x1C0, v4  }
0x4: {  	s0 =	rddreg [dreg:$0x2];
	v5 =	vor.u32 $0x10, v4;
	v6 =	vor.u32 $0x20, v4;
	v9 =	vor.u32 $0x30, v4;
	_ =	strace $0x80000047;
	[tilespmem:$0x1FF60] =	vst v0  }
0x5: {  	v10 =	vor.u32 $0x40, v4;
	v11 =	vor.u32 $0x50, v4;
	v33 =	vor.u32 $0x1F0, v4;
	[tilespmem:$0x1FF90] =	vst v6  }
0x6: {  	v12 =	vor.u32 $0x60, v4;
	v13 =	vor.u32 $0x70, v4;
	v14 =	vor.u32 $0x80, v4;
	[tilespmem:$0x1FFA0] =	vst v33  }
0x7: {  	s5 =	srdreg.scid;
	s2 =	stileid.u32;
	s9 =	simm.s32 $0x0;
	v15 =	vor.u32 $0x90, v4;
	v16 =	vor.u32 $0xA0, v4;
	v17 =	vor.u32 $0xB0, v4;
	[tilespmem:$0x1FFB0] =	vst v5  }
0x8: {  	s5 =	sand.u32 $0x1, s5;
	v18 =	vor.u32 $0xC0, v4;
	v19 =	vor.u32 $0xD0, v4;
	s6 =	sshll.u32 s2, $0x5;
	v20 =	vor.u32 $0xE0, v4;
	s8 =	sshll.u32 s2, $0x7;
	[tilespmem:$0x1FFC0] =	vst v9  }
0x9: {  	v21 =	vor.u32 $0xF0, v4;
	v22 =	vor.u32 $0x100, v4;
	v23 =	vor.u32 $0x110, v4;
	s7 =	sshll.u32 s5, $0x4;
	s5 =	ssub.s32 $0x2, s5;
	s31 =	sand.u32 $0x600, s8;
	[tilespmem:$0x1FFD0] =	vst v10  }
0xa: {  	v24 =	vor.u32 $0x120, v4;
	v25 =	vor.u32 $0x130, v4;
	v26 =	vor.u32 $0x140, v4;
	s8 =	simm.s32 $0x80;
	[tilespmem:$0x1FFE0] =	vst v11;
	s6 =	sor.u32 s7, s6;
	s30 =	sshrl.u32 s5, $0x1  }
0xb: {  	v27 =	vor.u32 $0x150, v4;
	v28 =	vor.u32 $0x160, v4;
	v0 =	vor.u32 $0x1D0, v4;
	[tilespmem:$0x1FFF0] =	vst v12;
	s4 =	sadd.s32 s4, s31;
	s7 =	simm.s32 $0x400;
	s3 =	sadd.s32 s6, s3  }
0xc: {  	v29 =	vor.u32 $0x170, v4;
	v30 =	vor.u32 $0x180, v4;
	[tilespmem:$0x1FF70] =	vst v0;
	v0 =	vor.u32 $0x1E0, v4;
	s5 =	ssub.s32 s5, s30;
	s6 =	sand.u32 $0x70, s6;
	s3 =	sadd.s32 $0x1400, s3  }
0xd: {  	v31 =	vor.u32 $0x190, v4;
	v32 =	vor.u32 $0x1A0, v4;
	v8 =	vor.u32 $0x1B0, v4;
	[tilespmem:$0x1FF80] =	vst v0;
	s4 =	sadd.s32 s6, s4;
	s5 =	smax.u32 s5, $0x1;
	s6 =	simm.s32 $0x1  }
.LBB2_1:
0xe: {  	v34 =	vimm.f32 $0.0e+00;
	v35 =	vimm.f32 $0.0e+00  }
0xf: {  	v36 =	vimm.f32 $0.0e+00;
	v37 =	vimm.f32 $0.0e+00;
	v38 =	vimm.f32 $0.0e+00  }
0x10: {  	v39 =	vimm.f32 $0.0e+00;
	v40 =	vimm.f32 $0.0e+00;
	v41 =	vimm.f32 $0.0e+00  }
0x11: {  	v42 =	vimm.f32 $0.0e+00;
	v43 =	vimm.f32 $0.0e+00;
	v44 =	vimm.f32 $0.0e+00  }
0x12: {  	v45 =	vimm.f32 $0.0e+00;
	v46 =	vimm.f32 $0.0e+00;
	v47 =	vimm.f32 $0.0e+00  }
0x13: {  	v48 =	vimm.f32 $0.0e+00;
	v49 =	vimm.f32 $0.0e+00;
	v50 =	vimm.f32 $0.0e+00  }
0x14: {  	v51 =	vimm.f32 $0.0e+00;
	v52 =	vimm.f32 $0.0e+00;
	v53 =	vimm.f32 $0.0e+00  }
0x15: {  	[tilespmem:s1], [sflag:$0x1] =	stream.linear.gather [hbm4b:s3+s1], $0x80, $0x38;
	v54 =	vimm.f32 $0.0e+00;
	v55 =	vimm.f32 $0.0e+00;
	v56 =	vimm.f32 $0.0e+00;
	[tilespmem:$0x280] =	vst v63  }
0x16: {  	v57 =	vimm.f32 $0.0e+00;
	v58 =	vimm.f32 $0.0e+00;
	v59 =	vimm.f32 $0.0e+00;
	_ =	swait.ge [sflag:s6], $0x80  }
0x17: {  	v60 =	vimm.f32 $0.0e+00;
	v61 =	vimm.f32 $0.0e+00;
	v62 =	vimm.f32 $0.0e+00;
	[sflag:s6] =	ssyncset.done $0x0  }
0x18: {  	s10 =	simm.s32 $0x0;
	v63 =	vimm.f32 $0.0e+00;
	v0 =	vimm.f32 $0.0e+00;
	v2 =	vimm.f32 $0.0e+00;
	[sflag:s6] =	ssyncadd.s32 $0xFFFFFF80  }
.LBB2_2:
0x19: {  	s11 =	sshra.s32 s10, $0x2  }
0x1a: {  	v7 =	vld [tilespmem:s11+$0x0];
	_ =	sdelay $0x4  }
0x1b: {  	v3 =	vbroadcast v7, $0x0;
	_ =	sdelay $0x1  }
0x1c: {  	vm0 =	veq.s32 v3, v4;
	vm1 =	veq.s32 v3, v5;
	vm10 =	veq.s32 v3, v6  }
0x1d: {  	vm11 =	veq.s32 v3, v9;
	vm12 =	veq.s32 v3, v10;
	vm13 =	veq.s32 v3, v11  }
0x1e: {  	vm14 =	veq.s32 v3, v12;
	vm15 =	veq.s32 v3, v13;
	vm4 =	veq.s32 v3, v14  }
0x1f: {  	vm5 =	veq.s32 v3, v15;
	vm6 =	veq.s32 v3, v16;
	vm7 =	veq.s32 v3, v17  }
0x20: {  	vm8 =	veq.s32 v3, v18;
	v4 =	vsel vm0, $0x3F800000, v1;
	v5 =	vsel vm1, $0x3F800000, v1  }
0x21: {  	vm9 =	veq.s32 v3, v19;
	v33 =	vadd.f32 v4, v2;
	v0 =	vadd.f32 v5, v0  }
0x22: {  	v4 =	vsel vm10, $0x3F800000, v1;
	v5 =	vsel vm11, $0x3F800000, v1;
	vm10 =	veq.s32 v3, v20  }
0x23: {  	vm11 =	veq.s32 v3, v21;
	v4 =	vadd.f32 v4, v63;
	v63 =	vsel vm12, $0x3F800000, v1  }
0x24: {  	v5 =	vadd.f32 v5, v62;
	v62 =	vsel vm13, $0x3F800000, v1;
	vm12 =	veq.s32 v3, v22  }
0x25: {  	vm13 =	veq.s32 v3, v23;
	v61 =	vadd.f32 v63, v61;
	v60 =	vadd.f32 v62, v60  }
0x26: {  	v62 =	vsel vm14, $0x3F800000, v1;
	v63 =	vsel vm15, $0x3F800000, v1;
	vm14 =	veq.s32 v3, v24  }
0x27: {  	v9 =	vld [tilespmem:$0x1FF60];
	vm15 =	veq.s32 v3, v25;
	v59 =	vadd.f32 v62, v59;
	v58 =	vadd.f32 v63, v58  }
0x28: {  	v62 =	vsel vm4, $0x3F800000, v1;
	v63 =	vsel vm6, $0x3F800000, v1;
	vm4 =	veq.s32 v3, v26  }
0x29: {  	v6 =	vld [tilespmem:$0x1FFA0];
	vm6 =	veq.s32 v3, v28;
	v57 =	vadd.f32 v62, v57;
	v62 =	vsel vm5, $0x3F800000, v1  }
0x2a: {  	v55 =	vadd.f32 v63, v55;
	v63 =	vsel vm9, $0x3F800000, v1;
	vm9 =	veq.s32 v3, v31  }
0x2b: {  	v56 =	vadd.f32 v62, v56;
	v62 =	vsel vm7, $0x3F800000, v1;
	v52 =	vadd.f32 v63, v52  }
0x2c: {  	v63 =	vsel vm12, $0x3F800000, v1;
	vm12 =	veq.s32 v3, v9;
	v54 =	vadd.f32 v62, v54  }
0x2d: {  	v62 =	vsel vm8, $0x3F800000, v1;
	v49 =	vadd.f32 v63, v49;
	v63 =	vsel vm15, $0x3F800000, v1  }
0x2e: {  	vm15 =	veq.s32 v3, v6;
	v53 =	vadd.f32 v62, v53;
	v62 =	vsel vm10, $0x3F800000, v1  }
0x2f: {  	v46 =	vadd.f32 v63, v46;
	v63 =	vsel vm6, $0x3F800000, v1;
	v51 =	vadd.f32 v62, v51  }
0x30: {  	v62 =	vsel vm11, $0x3F800000, v1;
	v43 =	vadd.f32 v63, v43;
	v63 =	vsel vm9, $0x3F800000, v1  }
0x31: {  	v50 =	vadd.f32 v62, v50;
	v40 =	vadd.f32 v63, v40;
	v63 =	vsel vm12, $0x3F800000, v1  }
0x32: {  	v62 =	vsel vm13, $0x3F800000, v1;
	v37 =	vadd.f32 v63, v37;
	v63 =	vbroadcast v7, $0x1  }
0x33: {  	v6 =	vlaneseq.u32;
	v48 =	vadd.f32 v62, v48;
	v62 =	vsel vm14, $0x3F800000, v1  }
0x34: {  	v47 =	vadd.f32 v62, v47;
	v62 =	vsel vm4, $0x3F800000, v1;
	vm4 =	veq.s32 v63, v6;
	v6 =	vld [tilespmem:$0x1FFB0];
	_ =	sdelay $0x2  }
0x35: {  	[tilespmem:$0x1FF50] =	vst v0;
	v0 =	vld [tilespmem:$0x1FF70]  }
0x36: {  	v10 =	vld [tilespmem:$0x1FF80];
	vm5 =	veq.s32 v3, v27;
	vm7 =	veq.s32 v3, v29;
	vm8 =	veq.s32 v3, v30  }
0x37: {  	v45 =	vadd.f32 v62, v45;
	v62 =	vsel vm5, $0x3F800000, v1;
	vm5 =	veq.s32 v63, v6;
	v6 =	vld [tilespmem:$0x1FF90]  }
0x38: {  	vm10 =	veq.s32 v3, v32;
	v44 =	vadd.f32 v62, v44;
	v62 =	vsel vm7, $0x3F800000, v1  }
0x39: {  	vm11 =	veq.s32 v3, v8;
	v42 =	vadd.f32 v62, v42;
	v62 =	vsel vm8, $0x3F800000, v1  }
0x3a: {  	vm13 =	veq.s32 v3, v0;
	v41 =	vadd.f32 v62, v41;
	v62 =	vsel vm10, $0x3F800000, v1  }
0x3b: {  	vm14 =	veq.s32 v3, v10;
	v39 =	vadd.f32 v62, v39;
	v62 =	vsel vm11, $0x3F800000, v1  }
0x3c: {  	v38 =	vadd.f32 v62, v38;
	v62 =	vsel vm13, $0x3F800000, v1;
	vm6 =	veq.s32 v63, v6;
	v6 =	vld [tilespmem:$0x1FF50]  }
0x3d: {  	v36 =	vadd.f32 v62, v36;
	v62 =	vsel vm14, $0x3F800000, v1  }
0x3e: {  	v3 =	vadd.f32 v62, v35;
	v62 =	vsel vm15, $0x3F800000, v1  }
0x3f: {  	v34 =	vadd.f32 v62, v34;
	v62 =	vsel vm4, $0x3F800000, v1  }
0x40: {  	v12 =	vmov v8;
	v8 =	vadd.f32 v33, v62;
	v62 =	vsel vm5, $0x3F800000, v1  }
0x41: {  	v11 =	vmov v7;
	v7 =	vadd.f32 v6, v62;
	v6 =	vld [tilespmem:$0x1FFC0];
	_ =	sdelay $0x4  }
0x42: {  	vm7 =	veq.s32 v63, v6;
	v6 =	vld [tilespmem:$0x1FFD0];
	_ =	sdelay $0x4  }
0x43: {  	vm8 =	veq.s32 v63, v6;
	v6 =	vld [tilespmem:$0x1FFE0];
	_ =	sdelay $0x4  }
0x44: {  	vm9 =	veq.s32 v63, v6;
	v6 =	vld [tilespmem:$0x1FFF0];
	_ =	sdelay $0x2  }
0x45: {  	vm12 =	veq.s32 v63, v14  }
0x46: {  	vm11 =	veq.s32 v63, v13;
	vm13 =	veq.s32 v63, v15;
	vm14 =	veq.s32 v63, v16  }
0x47: {  	vm15 =	veq.s32 v63, v17;
	v33 =	vsel vm9, $0x3F800000, v1;
	vm10 =	veq.s32 v63, v6  }
0x48: {  	vm4 =	veq.s32 v63, v18;
	v60 =	vadd.f32 v60, v33;
	v33 =	vsel vm10, $0x3F800000, v1  }
0x49: {  	vm5 =	veq.s32 v63, v19;
	v59 =	vadd.f32 v59, v33;
	v33 =	vsel vm11, $0x3F800000, v1  }
0x4a: {  	v62 =	vsel vm6, $0x3F800000, v1;
	v58 =	vadd.f32 v58, v33;
	v33 =	vsel vm12, $0x3F800000, v1  }
0x4b: {  	vm6 =	veq.s32 v63, v20;
	v57 =	vadd.f32 v57, v33;
	v33 =	vsel vm13, $0x3F800000, v1  }
0x4c: {  	v4 =	vadd.f32 v4, v62;
	v56 =	vadd.f32 v56, v33;
	v33 =	vsel vm14, $0x3F800000, v1  }
0x4d: {  	v62 =	vsel vm7, $0x3F800000, v1;
	v55 =	vadd.f32 v55, v33;
	v33 =	vsel vm15, $0x3F800000, v1  }
0x4e: {  	vm7 =	veq.s32 v63, v21;
	v54 =	vadd.f32 v54, v33;
	v33 =	vsel vm4, $0x3F800000, v1  }
0x4f: {  	v5 =	vadd.f32 v5, v62;
	v53 =	vadd.f32 v53, v33;
	v33 =	vsel vm5, $0x3F800000, v1  }
0x50: {  	v62 =	vsel vm8, $0x3F800000, v1;
	v52 =	vadd.f32 v52, v33;
	v33 =	vsel vm6, $0x3F800000, v1  }
0x51: {  	vm8 =	veq.s32 v63, v22;
	v51 =	vadd.f32 v51, v33;
	v33 =	vsel vm7, $0x3F800000, v1  }
0x52: {  	vm9 =	veq.s32 v63, v23;
	v50 =	vadd.f32 v50, v33;
	v33 =	vsel vm8, $0x3F800000, v1  }
0x53: {  	vm10 =	veq.s32 v63, v24;
	v49 =	vadd.f32 v49, v33;
	v33 =	vsel vm9, $0x3F800000, v1  }
0x54: {  	vm11 =	veq.s32 v63, v25;
	v48 =	vadd.f32 v48, v33;
	v33 =	vsel vm10, $0x3F800000, v1  }
0x55: {  	vm12 =	veq.s32 v63, v26;
	v47 =	vadd.f32 v47, v33;
	v33 =	vsel vm11, $0x3F800000, v1  }
0x56: {  	vm13 =	veq.s32 v63, v27;
	v46 =	vadd.f32 v46, v33;
	v33 =	vsel vm12, $0x3F800000, v1  }
0x57: {  	vm14 =	veq.s32 v63, v28;
	v45 =	vadd.f32 v45, v33;
	v33 =	vsel vm13, $0x3F800000, v1  }
0x58: {  	vm15 =	veq.s32 v63, v29;
	v44 =	vadd.f32 v44, v33;
	v33 =	vsel vm14, $0x3F800000, v1  }
0x59: {  	vm4 =	veq.s32 v63, v30;
	v43 =	vadd.f32 v43, v33;
	v33 =	vsel vm15, $0x3F800000, v1  }
0x5a: {  	vm5 =	veq.s32 v63, v31;
	v42 =	vadd.f32 v42, v33;
	v33 =	vsel vm4, $0x3F800000, v1  }
0x5b: {  	vm6 =	veq.s32 v63, v32;
	v41 =	vadd.f32 v41, v33;
	v33 =	vsel vm5, $0x3F800000, v1  }
0x5c: {  	vm7 =	veq.s32 v63, v12;
	v40 =	vadd.f32 v40, v33;
	v33 =	vsel vm6, $0x3F800000, v1  }
0x5d: {  	vm9 =	veq.s32 v63, v0;
	v39 =	vadd.f32 v39, v33;
	v33 =	vsel vm7, $0x3F800000, v1  }
0x5e: {  	vm10 =	veq.s32 v63, v10;
	v38 =	vadd.f32 v38, v33;
	v33 =	vsel vm9, $0x3F800000, v1  }
0x5f: {  	v36 =	vadd.f32 v36, v33;
	v33 =	vsel vm10, $0x3F800000, v1  }
0x60: {  	v3 =	vadd.f32 v3, v33;
	v33 =	vld [tilespmem:$0x1FFA0];
	_ =	sdelay $0x3  }
0x61: {  	v6 =	vbroadcast v11, $0x2  }
0x62: {  	vm11 =	veq.s32 v63, v33;
	v33 =	vlaneseq.u32  }
0x63: {  	vm12 =	veq.s32 v6, v33  }
0x64: {  	v35 =	vadd.f32 v61, v62;
	v62 =	vsel vm12, $0x3F800000, v1  }
0x65: {  	v2 =	vadd.f32 v8, v62;
	v8 =	vld [tilespmem:$0x1FFC0]  }
0x66: {  	v33 =	vld [tilespmem:$0x1FFB0];
	_ =	sdelay $0x3  }
0x67: {  	vm15 =	veq.s32 v6, v8;
	v8 =	vld [tilespmem:$0x1FFD0]  }
0x68: {  	vm13 =	veq.s32 v6, v33  }
0x69: {  	vm8 =	veq.s32 v63, v9;
	v33 =	vsel vm13, $0x3F800000, v1  }
0x6a: {  	v61 =	vsel vm8, $0x3F800000, v1;
	v7 =	vadd.f32 v7, v33;
	v33 =	vld [tilespmem:$0x1FF90]  }
0x6b: {  	vm8 =	veq.s32 v6, v14;
	v37 =	vadd.f32 v37, v61  }
0x6c: {  	vm7 =	veq.s32 v6, v13;
	vm9 =	veq.s32 v6, v15;
	vm4 =	veq.s32 v6, v8;
	v8 =	vld [tilespmem:$0x1FFE0]  }
0x6d: {  	vm10 =	veq.s32 v6, v16;
	v61 =	vsel vm11, $0x3F800000, v1;
	vm11 =	veq.s32 v6, v17  }
0x6e: {  	v34 =	vadd.f32 v34, v61;
	vm12 =	veq.s32 v6, v18;
	vm13 =	veq.s32 v6, v19  }
0x6f: {  	vm14 =	veq.s32 v6, v33;
	v33 =	vsel vm15, $0x3F800000, v1;
	vm15 =	veq.s32 v6, v21  }
0x70: {  	v61 =	vsel vm14, $0x3F800000, v1;
	v5 =	vadd.f32 v5, v33;
	v33 =	vsel vm4, $0x3F800000, v1  }
0x71: {  	vm14 =	veq.s32 v6, v20;
	v4 =	vadd.f32 v4, v61;
	vm5 =	veq.s32 v6, v8;
	v8 =	vld [tilespmem:$0x1FFF0]  }
0x72: {  	v35 =	vadd.f32 v35, v33;
	v61 =	vsel vm5, $0x3F800000, v1;
	vm5 =	veq.s32 v6, v23  }
0x73: {  	v60 =	vadd.f32 v60, v61;
	v61 =	vsel vm8, $0x3F800000, v1;
	vm8 =	veq.s32 v6, v26  }
0x74: {  	v57 =	vadd.f32 v57, v61;
	v61 =	vsel vm11, $0x3F800000, v1;
	vm11 =	veq.s32 v6, v29  }
0x75: {  	v54 =	vadd.f32 v54, v61;
	v61 =	vsel vm14, $0x3F800000, v1;
	vm14 =	veq.s32 v6, v32  }
0x76: {  	vm6 =	veq.s32 v6, v8;
	v51 =	vadd.f32 v51, v61;
	v61 =	vsel vm5, $0x3F800000, v1  }
0x77: {  	vm5 =	veq.s32 v6, v0;
	v33 =	vsel vm6, $0x3F800000, v1;
	v48 =	vadd.f32 v48, v61  }
0x78: {  	v61 =	vsel vm8, $0x3F800000, v1;
	v59 =	vadd.f32 v59, v33;
	v33 =	vsel vm7, $0x3F800000, v1  }
0x79: {  	v45 =	vadd.f32 v45, v61;
	v61 =	vsel vm11, $0x3F800000, v1;
	v58 =	vadd.f32 v58, v33  }
0x7a: {  	v33 =	vsel vm9, $0x3F800000, v1;
	v42 =	vadd.f32 v42, v61;
	v61 =	vsel vm14, $0x3F800000, v1  }
0x7b: {  	v56 =	vadd.f32 v56, v33;
	v33 =	vsel vm10, $0x3F800000, v1;
	v39 =	vadd.f32 v39, v61  }
0x7c: {  	v61 =	vsel vm5, $0x3F800000, v1;
	v55 =	vadd.f32 v55, v33;
	v33 =	vsel vm12, $0x3F800000, v1  }
0x7d: {  	v36 =	vadd.f32 v36, v61;
	v61 =	vld [tilespmem:$0x1FFA0];
	v53 =	vadd.f32 v53, v33;
	v33 =	vsel vm13, $0x3F800000, v1  }
0x7e: {  	vm4 =	veq.s32 v6, v22;
	v52 =	vadd.f32 v52, v33;
	v33 =	vsel vm15, $0x3F800000, v1  }
0x7f: {  	vm6 =	veq.s32 v6, v24;
	v50 =	vadd.f32 v50, v33;
	v33 =	vsel vm4, $0x3F800000, v1  }
0x80: {  	v49 =	vadd.f32 v49, v33;
	v33 =	vsel vm6, $0x3F800000, v1  }
0x81: {  	v63 =	vbroadcast v11, $0x3;
	vm7 =	veq.s32 v6, v25;
	v47 =	vadd.f32 v47, v33  }
0x82: {  	v33 =	vsel vm7, $0x3F800000, v1;
	vm7 =	veq.s32 v6, v61;
	v61 =	vlaneseq.u32  }
0x83: {  	vm8 =	veq.s32 v63, v61;
	v61 =	vld [tilespmem:$0x1FFB0];
	_ =	sdelay $0x3  }
0x84: {  	vm9 =	veq.s32 v6, v27  }
0x85: {  	v46 =	vadd.f32 v46, v33;
	v33 =	vsel vm9, $0x3F800000, v1;
	vm9 =	veq.s32 v63, v61  }
0x86: {  	v61 =	vsel vm9, $0x3F800000, v1  }
0x87: {  	v8 =	vmovc v0;
	vm10 =	veq.s32 v6, v28;
	vm5 =	veq.s32 v63, v15;
	v0 =	vadd.f32 v7, v61;
	v7 =	vld [tilespmem:$0x1FFC0]  }
0x88: {  	vm12 =	veq.s32 v6, v30;
	vm13 =	veq.s32 v6, v31;
	vm6 =	veq.s32 v6, v10  }
0x89: {  	vm15 =	veq.s32 v6, v12;
	vm4 =	veq.s32 v6, v9;
	v62 =	vsel vm6, $0x3F800000, v1  }
0x8a: {  	vm6 =	veq.s32 v63, v16;
	v3 =	vadd.f32 v3, v62;
	v6 =	vsel vm7, $0x3F800000, v1  }
0x8b: {  	vm7 =	veq.s32 v63, v17;
	v44 =	vadd.f32 v44, v33;
	v33 =	vsel vm10, $0x3F800000, v1;
	v61 =	vld [tilespmem:$0x1FF90]  }
0x8c: {  	v6 =	vadd.f32 v34, v6;
	v34 =	vsel vm8, $0x3F800000, v1;
	vm11 =	veq.s32 v63, v7;
	v7 =	vld [tilespmem:$0x1FFD0]  }
0x8d: {  	vm8 =	veq.s32 v63, v18;
	v43 =	vadd.f32 v43, v33;
	v33 =	vsel vm12, $0x3F800000, v1  }
0x8e: {  	v2 =	vadd.f32 v2, v34;
	v41 =	vadd.f32 v41, v33;
	v33 =	vsel vm13, $0x3F800000, v1  }
0x8f: {  	v40 =	vadd.f32 v40, v33;
	v33 =	vsel vm15, $0x3F800000, v1;
	vm15 =	veq.s32 v63, v13  }
0x90: {  	v38 =	vadd.f32 v38, v33;
	v33 =	vsel vm4, $0x3F800000, v1;
	vm4 =	veq.s32 v63, v14  }
0x91: {  	v37 =	vadd.f32 v37, v33;
	vm10 =	veq.s32 v63, v61;
	vm12 =	veq.s32 v63, v7;
	v7 =	vld [tilespmem:$0x1FFE0]  }
0x92: {  	vm9 =	veq.s32 v63, v19;
	v34 =	vsel vm10, $0x3F800000, v1;
	vm10 =	veq.s32 v63, v20  }
0x93: {  	v4 =	vadd.f32 v4, v34;
	v34 =	vsel vm11, $0x3F800000, v1;
	vm11 =	veq.s32 v63, v21  }
0x94: {  	v5 =	vadd.f32 v5, v34;
	v61 =	vsel vm12, $0x3F800000, v1;
	vm12 =	veq.s32 v63, v22  }
0x95: {  	v34 =	vadd.f32 v35, v61;
	v61 =	vsel vm15, $0x3F800000, v1;
	vm15 =	veq.s32 v63, v25  }
0x96: {  	v58 =	vadd.f32 v58, v61;
	v61 =	vsel vm6, $0x3F800000, v1;
	vm13 =	veq.s32 v63, v7;
	v7 =	vld [tilespmem:$0x1FFF0]  }
0x97: {  	vm6 =	veq.s32 v63, v28;
	v55 =	vadd.f32 v55, v61;
	v61 =	vsel vm9, $0x3F800000, v1  }
0x98: {  	vm9 =	veq.s32 v63, v31;
	v52 =	vadd.f32 v52, v61;
	v61 =	vsel vm12, $0x3F800000, v1  }
0x99: {  	vm12 =	veq.s32 v63, v9;
	v62 =	vsel vm13, $0x3F800000, v1;
	v49 =	vadd.f32 v49, v61  }
0x9a: {  	vm13 =	veq.s32 v63, v23;
	v61 =	vsel vm15, $0x3F800000, v1;
	v35 =	vadd.f32 v60, v62  }
0x9b: {  	v46 =	vadd.f32 v46, v61;
	v61 =	vsel vm6, $0x3F800000, v1;
	vm14 =	veq.s32 v63, v7  }
0x9c: {  	v43 =	vadd.f32 v43, v61;
	v61 =	vsel vm9, $0x3F800000, v1;
	v60 =	vsel vm14, $0x3F800000, v1  }
0x9d: {  	v40 =	vadd.f32 v40, v61;
	v59 =	vadd.f32 v59, v60;
	v60 =	vsel vm4, $0x3F800000, v1  }
0x9e: {  	v61 =	vsel vm12, $0x3F800000, v1;
	v57 =	vadd.f32 v57, v60;
	v60 =	vsel vm5, $0x3F800000, v1  }
0x9f: {  	v33 =	vmovc v11;
	v37 =	vadd.f32 v37, v61;
	v56 =	vadd.f32 v56, v60;
	v60 =	vsel vm7, $0x3F800000, v1  }
0xa0: {  	v11 =	vmovc v9;
	v9 =	vmovc v33;
	v61 =	vbroadcast v33, $0x4;
	v33 =	vld [tilespmem:$0x1FFA0];
	v54 =	vadd.f32 v54, v60;
	v60 =	vsel vm8, $0x3F800000, v1  }
0xa1: {  	vm14 =	veq.s32 v63, v24;
	v53 =	vadd.f32 v53, v60;
	v60 =	vsel vm10, $0x3F800000, v1  }
0xa2: {  	v7 =	vld [tilespmem:$0x1FFC0];
	vm4 =	veq.s32 v63, v26;
	v51 =	vadd.f32 v51, v60;
	v60 =	vsel vm11, $0x3F800000, v1  }
0xa3: {  	vm5 =	veq.s32 v63, v27;
	v50 =	vadd.f32 v50, v60;
	v60 =	vsel vm13, $0x3F800000, v1  }
0xa4: {  	vm7 =	veq.s32 v63, v29;
	v48 =	vadd.f32 v48, v60;
	v60 =	vsel vm14, $0x3F800000, v1  }
0xa5: {  	vm15 =	veq.s32 v63, v33;
	v47 =	vadd.f32 v47, v60;
	v60 =	vsel vm4, $0x3F800000, v1  }
0xa6: {  	v33 =	vlaneseq.u32;
	v45 =	vadd.f32 v45, v60;
	v60 =	vsel vm5, $0x3F800000, v1  }
0xa7: {  	v44 =	vadd.f32 v44, v60;
	v60 =	vsel vm7, $0x3F800000, v1;
	vm7 =	veq.s32 v61, v7;
	v7 =	vld [tilespmem:$0x1FFD0]  }
0xa8: {  	vm12 =	veq.s32 v61, v14;
	vm4 =	veq.s32 v61, v33;
	v33 =	vld [tilespmem:$0x1FFB0]  }
0xa9: {  	vm8 =	veq.s32 v63, v30;
	vm10 =	veq.s32 v63, v32;
	vm11 =	veq.s32 v63, v12  }
0xaa: {  	vm13 =	veq.s32 v63, v8;
	v42 =	vadd.f32 v42, v60;
	v60 =	vsel vm8, $0x3F800000, v1  }
0xab: {  	vm14 =	veq.s32 v63, v10;
	v41 =	vadd.f32 v41, v60;
	v60 =	vsel vm10, $0x3F800000, v1  }
0xac: {  	v63 =	vbroadcast v9, $0x5;
	v39 =	vadd.f32 v39, v60;
	vm8 =	veq.s32 v61, v7;
	v7 =	vld [tilespmem:$0x1FFE0]  }
0xad: {  	v60 =	vsel vm11, $0x3F800000, v1;
	vm5 =	veq.s32 v61, v33;
	v33 =	vld [tilespmem:$0x1FF90];
	vm11 =	veq.s32 v61, v13  }
0xae: {  	v38 =	vadd.f32 v38, v60;
	v60 =	vsel vm13, $0x3F800000, v1;
	vm13 =	veq.s32 v61, v15  }
0xaf: {  	v36 =	vadd.f32 v36, v60;
	v60 =	vsel vm14, $0x3F800000, v1;
	vm14 =	veq.s32 v61, v16  }
0xb0: {  	v3 =	vadd.f32 v3, v60;
	v60 =	vsel vm15, $0x3F800000, v1;
	vm15 =	veq.s32 v61, v17  }
0xb1: {  	v6 =	vadd.f32 v6, v60;
	v60 =	vsel vm4, $0x3F800000, v1;
	vm9 =	veq.s32 v61, v7;
	v7 =	vld [tilespmem:$0x1FFF0]  }
0xb2: {  	vm4 =	veq.s32 v61, v18;
	v2 =	vadd.f32 v2, v60;
	vm6 =	veq.s32 v61, v33  }
0xb3: {  	v60 =	vsel vm5, $0x3F800000, v1;
	vm5 =	veq.s32 v61, v19;
	v33 =	vsel vm6, $0x3F800000, v1  }
0xb4: {  	v0 =	vadd.f32 v0, v60;
	v4 =	vadd.f32 v4, v33;
	v33 =	vsel vm7, $0x3F800000, v1  }
0xb5: {  	vm6 =	veq.s32 v61, v20;
	v5 =	vadd.f32 v5, v33;
	v33 =	vsel vm8, $0x3F800000, v1  }
0xb6: {  	v34 =	vadd.f32 v34, v33;
	v33 =	vsel vm9, $0x3F800000, v1;
	vm10 =	veq.s32 v61, v7  }
0xb7: {  	vm7 =	veq.s32 v61, v21;
	v35 =	vadd.f32 v35, v33;
	v33 =	vsel vm10, $0x3F800000, v1  }
0xb8: {  	vm8 =	veq.s32 v61, v22;
	v59 =	vadd.f32 v59, v33;
	v33 =	vsel vm11, $0x3F800000, v1  }
0xb9: {  	vm9 =	veq.s32 v61, v23;
	v58 =	vadd.f32 v58, v33;
	v33 =	vsel vm12, $0x3F800000, v1  }
0xba: {  	vm10 =	veq.s32 v61, v24;
	v57 =	vadd.f32 v57, v33;
	v33 =	vsel vm13, $0x3F800000, v1  }
0xbb: {  	vm11 =	veq.s32 v61, v25;
	v56 =	vadd.f32 v56, v33;
	v33 =	vsel vm14, $0x3F800000, v1  }
0xbc: {  	vm12 =	veq.s32 v61, v26;
	v55 =	vadd.f32 v55, v33;
	v33 =	vsel vm15, $0x3F800000, v1  }
0xbd: {  	vm13 =	veq.s32 v61, v27;
	v54 =	vadd.f32 v54, v33;
	v33 =	vsel vm4, $0x3F800000, v1  }
0xbe: {  	vm14 =	veq.s32 v61, v28;
	v53 =	vadd.f32 v53, v33;
	v33 =	vsel vm5, $0x3F800000, v1  }
0xbf: {  	vm15 =	veq.s32 v61, v29;
	v52 =	vadd.f32 v52, v33;
	v33 =	vsel vm6, $0x3F800000, v1  }
0xc0: {  	vm4 =	veq.s32 v61, v30;
	v51 =	vadd.f32 v51, v33;
	v33 =	vsel vm7, $0x3F800000, v1  }
0xc1: {  	vm5 =	veq.s32 v61, v31;
	v50 =	vadd.f32 v50, v33;
	v33 =	vsel vm8, $0x3F800000, v1  }
0xc2: {  	vm6 =	veq.s32 v61, v32;
	vm8 =	veq.s32 v61, v11;
	v49 =	vadd.f32 v49, v33  }
0xc3: {  	v33 =	vsel vm9, $0x3F800000, v1;
	v60 =	vsel vm8, $0x3F800000, v1;
	vm9 =	veq.s32 v61, v8  }
0xc4: {  	v48 =	vadd.f32 v48, v33;
	v33 =	vsel vm10, $0x3F800000, v1;
	vm10 =	veq.s32 v61, v10  }
0xc5: {  	v7 =	vld [tilespmem:$0x1FFC0];
	v62 =	vsel vm9, $0x3F800000, v1;
	v37 =	vadd.f32 v37, v60;
	v60 =	vsel vm10, $0x3F800000, v1  }
0xc6: {  	v47 =	vadd.f32 v47, v33;
	v33 =	vsel vm11, $0x3F800000, v1;
	v3 =	vadd.f32 v3, v60;
	v60 =	vld [tilespmem:$0x1FFA0]  }
0xc7: {  	v36 =	vadd.f32 v36, v62;
	v62 =	vld [tilespmem:$0x1FFB0];
	v46 =	vadd.f32 v46, v33;
	v33 =	vsel vm12, $0x3F800000, v1  }
0xc8: {  	vm7 =	veq.s32 v61, v12;
	v45 =	vadd.f32 v45, v33;
	v33 =	vsel vm13, $0x3F800000, v1  }
0xc9: {  	vm8 =	veq.s32 v63, v14;
	v44 =	vadd.f32 v44, v33;
	v33 =	vsel vm14, $0x3F800000, v1  }
0xca: {  	v43 =	vadd.f32 v43, v33;
	v33 =	vsel vm15, $0x3F800000, v1;
	vm15 =	veq.s32 v63, v7;
	v7 =	vld [tilespmem:$0x1FFD0]  }
0xcb: {  	vm9 =	veq.s32 v63, v15;
	vm11 =	veq.s32 v61, v60;
	v60 =	vlaneseq.u32  }
0xcc: {  	vm13 =	veq.s32 v63, v62;
	vm12 =	veq.s32 v63, v60;
	v60 =	vsel vm11, $0x3F800000, v1  }
0xcd: {  	vm10 =	veq.s32 v63, v16;
	v6 =	vadd.f32 v6, v60;
	v60 =	vsel vm13, $0x3F800000, v1  }
0xce: {  	v42 =	vadd.f32 v42, v33;
	v33 =	vsel vm4, $0x3F800000, v1;
	v0 =	vadd.f32 v0, v60;
	v60 =	vld [tilespmem:$0x1FF90]  }
0xcf: {  	v41 =	vadd.f32 v41, v33;
	v33 =	vsel vm5, $0x3F800000, v1;
	vm4 =	veq.s32 v63, v7;
	v7 =	vld [tilespmem:$0x1FFE0]  }
0xd0: {  	v62 =	vbroadcast v9, $0x6;
	v40 =	vadd.f32 v40, v33;
	v33 =	vsel vm6, $0x3F800000, v1  }
0xd1: {  	vm11 =	veq.s32 v63, v17;
	v39 =	vadd.f32 v39, v33;
	v33 =	vsel vm7, $0x3F800000, v1  }
0xd2: {  	v61 =	vsel vm12, $0x3F800000, v1;
	vm7 =	veq.s32 v63, v13;
	vm12 =	veq.s32 v63, v18  }
0xd3: {  	vm13 =	veq.s32 v63, v19;
	v38 =	vadd.f32 v38, v33;
	v2 =	vadd.f32 v2, v61  }
0xd4: {  	v61 =	vsel vm15, $0x3F800000, v1;
	vm14 =	veq.s32 v63, v60;
	vm5 =	veq.s32 v63, v7;
	v7 =	vld [tilespmem:$0x1FFF0]  }
0xd5: {  	vm15 =	veq.s32 v63, v21;
	v5 =	vadd.f32 v5, v61;
	v60 =	vsel vm14, $0x3F800000, v1  }
0xd6: {  	vm14 =	veq.s32 v63, v20;
	v4 =	vadd.f32 v4, v60;
	v60 =	vsel vm4, $0x3F800000, v1  }
0xd7: {  	vm4 =	veq.s32 v63, v22;
	v34 =	vadd.f32 v34, v60;
	v60 =	vsel vm5, $0x3F800000, v1  }
0xd8: {  	vm5 =	veq.s32 v63, v23;
	v35 =	vadd.f32 v35, v60;
	v60 =	vsel vm7, $0x3F800000, v1  }
0xd9: {  	vm7 =	veq.s32 v63, v25;
	vm6 =	veq.s32 v63, v7;
	v58 =	vadd.f32 v58, v60  }
0xda: {  	v60 =	vsel vm8, $0x3F800000, v1;
	vm8 =	veq.s32 v63, v26;
	v61 =	vsel vm6, $0x3F800000, v1  }
0xdb: {  	v57 =	vadd.f32 v57, v60;
	v60 =	vsel vm10, $0x3F800000, v1;
	vm6 =	veq.s32 v63, v24  }
0xdc: {  	vm10 =	veq.s32 v63, v28;
	v59 =	vadd.f32 v59, v61;
	v61 =	vsel vm9, $0x3F800000, v1  }
0xdd: {  	v55 =	vadd.f32 v55, v60;
	v60 =	vsel vm11, $0x3F800000, v1;
	vm9 =	veq.s32 v63, v27  }
0xde: {  	vm11 =	veq.s32 v63, v29;
	v56 =	vadd.f32 v56, v61;
	v61 =	vsel vm12, $0x3F800000, v1  }
0xdf: {  	v54 =	vadd.f32 v54, v60;
	v60 =	vsel vm13, $0x3F800000, v1;
	vm12 =	veq.s32 v63, v30  }
0xe0: {  	vm13 =	veq.s32 v63, v31;
	v53 =	vadd.f32 v53, v61;
	v52 =	vadd.f32 v52, v60  }
0xe1: {  	v33 =	vmovc v8;
	v60 =	vsel vm14, $0x3F800000, v1;
	v61 =	vsel vm15, $0x3F800000, v1;
	vm14 =	veq.s32 v63, v32  }
0xe2: {  	v8 =	vmovc v10;
	vm15 =	veq.s32 v63, v12;
	v51 =	vadd.f32 v51, v60;
	v50 =	vadd.f32 v50, v61  }
0xe3: {  	v60 =	vsel vm4, $0x3F800000, v1;
	v61 =	vsel vm6, $0x3F800000, v1;
	vm6 =	veq.s32 v63, v8  }
0xe4: {  	v49 =	vadd.f32 v49, v60;
	v60 =	vsel vm5, $0x3F800000, v1;
	v47 =	vadd.f32 v47, v61  }
0xe5: {  	v7 =	vld [tilespmem:$0x1FFC0];
	v61 =	vsel vm9, $0x3F800000, v1;
	v48 =	vadd.f32 v48, v60;
	v60 =	vsel vm7, $0x3F800000, v1  }
0xe6: {  	v44 =	vadd.f32 v44, v61;
	v61 =	vsel vm12, $0x3F800000, v1;
	v46 =	vadd.f32 v46, v60  }
0xe7: {  	v60 =	vsel vm8, $0x3F800000, v1;
	v41 =	vadd.f32 v41, v61;
	v61 =	vsel vm15, $0x3F800000, v1  }
0xe8: {  	v45 =	vadd.f32 v45, v60;
	v60 =	vsel vm10, $0x3F800000, v1;
	v38 =	vadd.f32 v38, v61  }
0xe9: {  	v61 =	vsel vm6, $0x3F800000, v1;
	v43 =	vadd.f32 v43, v60;
	v60 =	vsel vm11, $0x3F800000, v1  }
0xea: {  	v3 =	vadd.f32 v3, v61;
	v61 =	vlaneseq.u32;
	vm11 =	veq.s32 v62, v7;
	v7 =	vld [tilespmem:$0x1FFD0]  }
0xeb: {  	v42 =	vadd.f32 v42, v60;
	v60 =	vsel vm13, $0x3F800000, v1;
	vm8 =	veq.s32 v62, v61;
	v61 =	vld [tilespmem:$0x1FFB0]  }
0xec: {  	vm4 =	veq.s32 v63, v11;
	v40 =	vadd.f32 v40, v60;
	v60 =	vsel vm14, $0x3F800000, v1  }
0xed: {  	vm5 =	veq.s32 v63, v33;
	v39 =	vadd.f32 v39, v60;
	v60 =	vsel vm4, $0x3F800000, v1  }
0xee: {  	v37 =	vadd.f32 v37, v60;
	v60 =	vsel vm5, $0x3F800000, v1  }
0xef: {  	v36 =	vadd.f32 v36, v60;
	v60 =	vld [tilespmem:$0x1FFA0]  }
0xf0: {  	vm15 =	veq.s32 v62, v13;
	vm12 =	veq.s32 v62, v7;
	v7 =	vld [tilespmem:$0x1FFE0];
	vm9 =	veq.s32 v62, v61  }
0xf1: {  	vm6 =	veq.s32 v62, v16;
	vm4 =	veq.s32 v62, v14;
	v61 =	vsel vm9, $0x3F800000, v1  }
0xf2: {  	vm5 =	veq.s32 v62, v15;
	v0 =	vadd.f32 v0, v61;
	v61 =	vsel vm12, $0x3F800000, v1  }
0xf3: {  	vm9 =	veq.s32 v62, v19;
	vm12 =	veq.s32 v62, v22;
	v34 =	vadd.f32 v34, v61  }
0xf4: {  	v61 =	vsel vm15, $0x3F800000, v1;
	vm15 =	veq.s32 v62, v25;
	vm7 =	veq.s32 v63, v60  }
0xf5: {  	vm13 =	veq.s32 v62, v7;
	v58 =	vadd.f32 v58, v61;
	v61 =	vsel vm6, $0x3F800000, v1  }
0xf6: {  	v7 =	vld [tilespmem:$0x1FFF0];
	vm6 =	veq.s32 v62, v28;
	v60 =	vsel vm7, $0x3F800000, v1;
	v55 =	vadd.f32 v55, v61  }
0xf7: {  	v63 =	vld [tilespmem:$0x1FFA0];
	vm7 =	veq.s32 v62, v17;
	v6 =	vadd.f32 v6, v60;
	v60 =	vsel vm8, $0x3F800000, v1  }
0xf8: {  	v61 =	vsel vm9, $0x3F800000, v1;
	vm9 =	veq.s32 v62, v31;
	v2 =	vadd.f32 v2, v60;
	v60 =	vld [tilespmem:$0x1FF90]  }
0xf9: {  	vm8 =	veq.s32 v62, v18;
	v52 =	vadd.f32 v52, v61;
	v61 =	vsel vm12, $0x3F800000, v1  }
0xfa: {  	vm12 =	veq.s32 v62, v11;
	v49 =	vadd.f32 v49, v61;
	v61 =	vsel vm15, $0x3F800000, v1  }
0xfb: {  	v46 =	vadd.f32 v46, v61;
	v61 =	vsel vm6, $0x3F800000, v1;
	vm14 =	veq.s32 v62, v7  }
0xfc: {  	v43 =	vadd.f32 v43, v61;
	v61 =	vsel vm9, $0x3F800000, v1;
	vm15 =	veq.s32 v62, v63  }
0xfd: {  	v10 =	vmovc v33;
	v33 =	vmovc v9;
	v40 =	vadd.f32 v40, v61;
	v61 =	vsel vm12, $0x3F800000, v1;
	vm10 =	veq.s32 v62, v60  }
0xfe: {  	v37 =	vadd.f32 v37, v61;
	v61 =	vbroadcast v33, $0x7;
	v60 =	vsel vm10, $0x3F800000, v1  }
0xff: {  	vm10 =	veq.s32 v62, v20;
	v4 =	vadd.f32 v4, v60;
	v60 =	vsel vm11, $0x3F800000, v1  }
0x100: {  	vm11 =	veq.s32 v62, v21;
	v5 =	vadd.f32 v5, v60;
	v60 =	vsel vm13, $0x3F800000, v1  }
0x101: {  	vm13 =	veq.s32 v62, v23;
	v35 =	vadd.f32 v35, v60;
	v60 =	vsel vm14, $0x3F800000, v1  }
0x102: {  	vm14 =	veq.s32 v62, v24;
	v59 =	vadd.f32 v59, v60;
	v60 =	vsel vm4, $0x3F800000, v1  }
0x103: {  	vm4 =	veq.s32 v62, v26;
	v57 =	vadd.f32 v57, v60;
	v60 =	vsel vm5, $0x3F800000, v1  }
0x104: {  	vm5 =	veq.s32 v62, v27;
	v56 =	vadd.f32 v56, v60;
	v60 =	vsel vm7, $0x3F800000, v1  }
0x105: {  	vm7 =	veq.s32 v62, v29;
	v54 =	vadd.f32 v54, v60;
	v60 =	vsel vm8, $0x3F800000, v1  }
0x106: {  	vm8 =	veq.s32 v62, v30;
	v53 =	vadd.f32 v53, v60;
	v60 =	vsel vm10, $0x3F800000, v1  }
0x107: {  	v7 =	vld [tilespmem:$0x1FFC0];
	vm10 =	veq.s32 v62, v32;
	v51 =	vadd.f32 v51, v60;
	v60 =	vsel vm11, $0x3F800000, v1  }
0x108: {  	vm11 =	veq.s32 v62, v12;
	v50 =	vadd.f32 v50, v60;
	v60 =	vsel vm13, $0x3F800000, v1  }
0x109: {  	vm13 =	veq.s32 v62, v10;
	v48 =	vadd.f32 v48, v60;
	v60 =	vsel vm14, $0x3F800000, v1  }
0x10a: {  	vm14 =	veq.s32 v62, v8;
	v47 =	vadd.f32 v47, v60;
	v60 =	vsel vm4, $0x3F800000, v1  }
0x10b: {  	v62 =	vlaneseq.u32;
	v45 =	vadd.f32 v45, v60;
	v60 =	vsel vm5, $0x3F800000, v1  }
0x10c: {  	v44 =	vadd.f32 v44, v60;
	v60 =	vsel vm7, $0x3F800000, v1;
	vm7 =	veq.s32 v61, v7;
	v7 =	vld [tilespmem:$0x1FFD0]  }
0x10d: {  	vm4 =	veq.s32 v61, v62;
	v62 =	vld [tilespmem:$0x1FFB0];
	_ =	sdelay $0x2  }
0x10e: {  	v42 =	vadd.f32 v42, v60;
	v60 =	vsel vm8, $0x3F800000, v1  }
0x10f: {  	v41 =	vadd.f32 v41, v60;
	v60 =	vsel vm10, $0x3F800000, v1;
	vm8 =	veq.s32 v61, v7;
	v7 =	vld [tilespmem:$0x1FFE0]  }
0x110: {  	v39 =	vadd.f32 v39, v60;
	v60 =	vsel vm11, $0x3F800000, v1;
	vm5 =	veq.s32 v61, v62;
	v62 =	vld [tilespmem:$0x1FF90]  }
0x111: {  	v38 =	vadd.f32 v38, v60;
	v60 =	vsel vm13, $0x3F800000, v1  }
0x112: {  	v63 =	vbroadcast v33, $0x8;
	v36 =	vadd.f32 v36, v60;
	v60 =	vsel vm14, $0x3F800000, v1  }
0x113: {  	vm12 =	veq.s32 v61, v14;
	v3 =	vadd.f32 v3, v60;
	v60 =	vsel vm15, $0x3F800000, v1  }
0x114: {  	v6 =	vadd.f32 v6, v60;
	v60 =	vsel vm4, $0x3F800000, v1;
	vm9 =	veq.s32 v61, v7;
	v7 =	vld [tilespmem:$0x1FFF0]  }
0x115: {  	v2 =	vadd.f32 v2, v60;
	v60 =	vsel vm5, $0x3F800000, v1;
	vm6 =	veq.s32 v61, v62  }
0x116: {  	vm11 =	veq.s32 v61, v13;
	v0 =	vadd.f32 v0, v60;
	v60 =	vsel vm6, $0x3F800000, v1  }
0x117: {  	vm13 =	veq.s32 v61, v15;
	v4 =	vadd.f32 v4, v60;
	v60 =	vsel vm7, $0x3F800000, v1  }
0x118: {  	vm14 =	veq.s32 v61, v16;
	v5 =	vadd.f32 v5, v60;
	v60 =	vsel vm8, $0x3F800000, v1  }
0x119: {  	v34 =	vadd.f32 v34, v60;
	v60 =	vsel vm9, $0x3F800000, v1;
	vm10 =	veq.s32 v61, v7  }
0x11a: {  	vm15 =	veq.s32 v61, v17;
	v35 =	vadd.f32 v35, v60;
	v60 =	vsel vm10, $0x3F800000, v1  }
0x11b: {  	vm4 =	veq.s32 v61, v18;
	v59 =	vadd.f32 v59, v60;
	v60 =	vsel vm11, $0x3F800000, v1  }
0x11c: {  	vm5 =	veq.s32 v61, v19;
	v58 =	vadd.f32 v58, v60;
	v60 =	vsel vm12, $0x3F800000, v1  }
0x11d: {  	vm6 =	veq.s32 v61, v20;
	v57 =	vadd.f32 v57, v60;
	v60 =	vsel vm13, $0x3F800000, v1  }
0x11e: {  	vm7 =	veq.s32 v61, v21;
	v56 =	vadd.f32 v56, v60;
	v60 =	vsel vm14, $0x3F800000, v1  }
0x11f: {  	vm8 =	veq.s32 v61, v22;
	v55 =	vadd.f32 v55, v60;
	v60 =	vsel vm15, $0x3F800000, v1  }
0x120: {  	vm9 =	veq.s32 v61, v23;
	v54 =	vadd.f32 v54, v60;
	v60 =	vsel vm4, $0x3F800000, v1  }
0x121: {  	vm10 =	veq.s32 v61, v24;
	v53 =	vadd.f32 v53, v60;
	v60 =	vsel vm5, $0x3F800000, v1  }
0x122: {  	vm11 =	veq.s32 v61, v25;
	v52 =	vadd.f32 v52, v60;
	v60 =	vsel vm6, $0x3F800000, v1  }
0x123: {  	vm12 =	veq.s32 v61, v26;
	v51 =	vadd.f32 v51, v60;
	v60 =	vsel vm7, $0x3F800000, v1  }
0x124: {  	vm13 =	veq.s32 v61, v27;
	v50 =	vadd.f32 v50, v60;
	v60 =	vsel vm8, $0x3F800000, v1  }
0x125: {  	vm14 =	veq.s32 v61, v28;
	v49 =	vadd.f32 v49, v60;
	v60 =	vsel vm9, $0x3F800000, v1  }
0x126: {  	vm15 =	veq.s32 v61, v29;
	v48 =	vadd.f32 v48, v60;
	v60 =	vsel vm10, $0x3F800000, v1  }
0x127: {  	v7 =	vld [tilespmem:$0x1FFC0];
	vm4 =	veq.s32 v61, v30;
	v47 =	vadd.f32 v47, v60;
	v60 =	vsel vm11, $0x3F800000, v1  }
0x128: {  	vm5 =	veq.s32 v61, v31;
	v46 =	vadd.f32 v46, v60;
	v60 =	vsel vm12, $0x3F800000, v1  }
0x129: {  	vm6 =	veq.s32 v61, v32;
	v45 =	vadd.f32 v45, v60;
	v60 =	vsel vm13, $0x3F800000, v1  }
0x12a: {  	vm7 =	veq.s32 v61, v12;
	v44 =	vadd.f32 v44, v60;
	v60 =	vsel vm14, $0x3F800000, v1  }
0x12b: {  	vm8 =	veq.s32 v61, v11;
	v43 =	vadd.f32 v43, v60;
	v60 =	vsel vm15, $0x3F800000, v1  }
0x12c: {  	vm15 =	veq.s32 v63, v7;
	v7 =	vld [tilespmem:$0x1FFD0];
	v42 =	vadd.f32 v42, v60;
	v60 =	vsel vm4, $0x3F800000, v1  }
0x12d: {  	vm9 =	veq.s32 v61, v10;
	v41 =	vadd.f32 v41, v60;
	v60 =	vsel vm5, $0x3F800000, v1  }
0x12e: {  	v62 =	vsel vm9, $0x3F800000, v1;
	v40 =	vadd.f32 v40, v60;
	v60 =	vsel vm6, $0x3F800000, v1  }
0x12f: {  	vm10 =	veq.s32 v61, v8;
	v39 =	vadd.f32 v39, v60;
	v60 =	vsel vm7, $0x3F800000, v1  }
0x130: {  	v36 =	vadd.f32 v36, v62;
	v62 =	vld [tilespmem:$0x1FFB0];
	v38 =	vadd.f32 v38, v60;
	v60 =	vsel vm8, $0x3F800000, v1  }
0x131: {  	vm4 =	veq.s32 v63, v7;
	v7 =	vld [tilespmem:$0x1FFE0];
	v37 =	vadd.f32 v37, v60;
	v60 =	vsel vm10, $0x3F800000, v1  }
0x132: {  	v3 =	vadd.f32 v3, v60;
	v60 =	vld [tilespmem:$0x1FFA0];
	_ =	sdelay $0x2  }
0x133: {  	vm9 =	veq.s32 v63, v15;
	vm13 =	veq.s32 v63, v62;
	v62 =	vbroadcast v33, $0x9  }
0x134: {  	vm7 =	veq.s32 v63, v13;
	vm8 =	veq.s32 v63, v14;
	vm5 =	veq.s32 v63, v7;
	v7 =	vld [tilespmem:$0x1FFF0]  }
0x135: {  	vm10 =	veq.s32 v63, v16;
	vm11 =	veq.s32 v61, v60;
	v60 =	vlaneseq.u32  }
0x136: {  	vm12 =	veq.s32 v63, v60;
	v60 =	vsel vm11, $0x3F800000, v1;
	vm11 =	veq.s32 v63, v17  }
0x137: {  	v61 =	vsel vm12, $0x3F800000, v1;
	v6 =	vadd.f32 v6, v60;
	v60 =	vsel vm13, $0x3F800000, v1  }
0x138: {  	vm12 =	veq.s32 v63, v18;
	vm13 =	veq.s32 v63, v19;
	v2 =	vadd.f32 v2, v61  }
0x139: {  	v0 =	vadd.f32 v0, v60;
	v60 =	vld [tilespmem:$0x1FF90];
	v61 =	vsel vm15, $0x3F800000, v1;
	vm6 =	veq.s32 v63, v7  }
0x13a: {  	vm15 =	veq.s32 v63, v21;
	v5 =	vadd.f32 v5, v61;
	v61 =	vsel vm6, $0x3F800000, v1  }
0x13b: {  	vm6 =	veq.s32 v63, v24;
	v59 =	vadd.f32 v59, v61;
	v61 =	vsel vm9, $0x3F800000, v1  }
0x13c: {  	vm9 =	veq.s32 v63, v27;
	v56 =	vadd.f32 v56, v61;
	v61 =	vsel vm12, $0x3F800000, v1  }
0x13d: {  	vm12 =	veq.s32 v63, v30;
	v53 =	vadd.f32 v53, v61;
	v61 =	vsel vm15, $0x3F800000, v1  }
0x13e: {  	vm15 =	veq.s32 v63, v12;
	vm14 =	veq.s32 v63, v60;
	v50 =	vadd.f32 v50, v61  }
0x13f: {  	v61 =	vsel vm6, $0x3F800000, v1;
	vm6 =	veq.s32 v63, v8;
	v60 =	vsel vm14, $0x3F800000, v1  }
0x140: {  	vm14 =	veq.s32 v63, v20;
	v47 =	vadd.f32 v47, v61;
	v61 =	vsel vm9, $0x3F800000, v1  }
0x141: {  	v4 =	vadd.f32 v4, v60;
	v60 =	vsel vm4, $0x3F800000, v1;
	vm4 =	veq.s32 v63, v22  }
0x142: {  	v44 =	vadd.f32 v44, v61;
	v61 =	vsel vm12, $0x3F800000, v1;
	v34 =	vadd.f32 v34, v60  }
0x143: {  	v60 =	vsel vm5, $0x3F800000, v1;
	vm5 =	veq.s32 v63, v23;
	v41 =	vadd.f32 v41, v61  }
0x144: {  	v61 =	vsel vm15, $0x3F800000, v1;
	v35 =	vadd.f32 v35, v60;
	v60 =	vsel vm7, $0x3F800000, v1  }
0x145: {  	vm7 =	veq.s32 v63, v25;
	v58 =	vadd.f32 v58, v60;
	v60 =	vsel vm8, $0x3F800000, v1  }
0x146: {  	v38 =	vadd.f32 v38, v61;
	v57 =	vadd.f32 v57, v60;
	v60 =	vsel vm10, $0x3F800000, v1  }
0x147: {  	v61 =	vsel vm6, $0x3F800000, v1;
	v55 =	vadd.f32 v55, v60;
	v60 =	vsel vm11, $0x3F800000, v1  }
0x148: {  	vm8 =	veq.s32 v63, v26;
	v54 =	vadd.f32 v54, v60;
	v60 =	vsel vm13, $0x3F800000, v1  }
0x149: {  	v3 =	vadd.f32 v3, v61;
	v52 =	vadd.f32 v52, v60;
	v60 =	vsel vm14, $0x3F800000, v1  }
0x14a: {  	v61 =	vlaneseq.u32;
	v51 =	vadd.f32 v51, v60;
	v60 =	vsel vm4, $0x3F800000, v1  }
0x14b: {  	v7 =	vld [tilespmem:$0x1FFC0];
	vm10 =	veq.s32 v63, v28;
	v49 =	vadd.f32 v49, v60;
	v60 =	vsel vm5, $0x3F800000, v1  }
0x14c: {  	vm11 =	veq.s32 v63, v29;
	v48 =	vadd.f32 v48, v60;
	v60 =	vsel vm7, $0x3F800000, v1  }
0x14d: {  	vm13 =	veq.s32 v63, v31;
	v46 =	vadd.f32 v46, v60;
	v60 =	vsel vm8, $0x3F800000, v1  }
0x14e: {  	vm14 =	veq.s32 v63, v32;
	v45 =	vadd.f32 v45, v60;
	v60 =	vsel vm10, $0x3F800000, v1  }
0x14f: {  	vm8 =	veq.s32 v62, v61;
	v61 =	vld [tilespmem:$0x1FFB0];
	v43 =	vadd.f32 v43, v60;
	v60 =	vsel vm11, $0x3F800000, v1  }
0x150: {  	vm11 =	veq.s32 v62, v7;
	v7 =	vld [tilespmem:$0x1FFD0];
	v42 =	vadd.f32 v42, v60;
	v60 =	vsel vm13, $0x3F800000, v1  }
0x151: {  	vm4 =	veq.s32 v63, v11;
	v40 =	vadd.f32 v40, v60;
	v60 =	vsel vm14, $0x3F800000, v1  }
0x152: {  	vm5 =	veq.s32 v63, v10;
	v39 =	vadd.f32 v39, v60;
	v60 =	vsel vm4, $0x3F800000, v1  }
0x153: {  	vm15 =	veq.s32 v62, v13;
	v37 =	vadd.f32 v37, v60;
	v60 =	vsel vm5, $0x3F800000, v1  }
0x154: {  	vm6 =	veq.s32 v62, v16;
	vm9 =	veq.s32 v62, v61;
	v36 =	vadd.f32 v36, v60;
	v60 =	vld [tilespmem:$0x1FFA0]  }
0x155: {  	vm4 =	veq.s32 v62, v14;
	v61 =	vsel vm9, $0x3F800000, v1;
	vm12 =	veq.s32 v62, v7  }
0x156: {  	vm5 =	veq.s32 v62, v15;
	v0 =	vadd.f32 v0, v61;
	v7 =	vld [tilespmem:$0x1FFE0];
	v61 =	vsel vm12, $0x3F800000, v1  }
0x157: {  	vm9 =	veq.s32 v62, v19;
	v34 =	vadd.f32 v34, v61;
	v61 =	vsel vm15, $0x3F800000, v1  }
0x158: {  	vm12 =	veq.s32 v62, v22;
	vm15 =	veq.s32 v62, v25;
	v58 =	vadd.f32 v58, v61  }
0x159: {  	v61 =	vsel vm6, $0x3F800000, v1;
	vm6 =	veq.s32 v62, v28;
	vm7 =	veq.s32 v63, v60  }
0x15a: {  	v55 =	vadd.f32 v55, v61;
	v61 =	vsel vm9, $0x3F800000, v1;
	v60 =	vsel vm7, $0x3F800000, v1  }
0x15b: {  	vm13 =	veq.s32 v62, v7;
	v7 =	vld [tilespmem:$0x1FFF0];
	v6 =	vadd.f32 v6, v60;
	v60 =	vsel vm8, $0x3F800000, v1  }
0x15c: {  	v52 =	vadd.f32 v52, v61;
	v61 =	vsel vm12, $0x3F800000, v1;
	v2 =	vadd.f32 v2, v60;
	v60 =	vld [tilespmem:$0x1FF90]  }
0x15d: {  	vm9 =	veq.s32 v62, v31;
	v63 =	vld [tilespmem:$0x1FFA0];
	v49 =	vadd.f32 v49, v61;
	v61 =	vsel vm15, $0x3F800000, v1  }
0x15e: {  	vm12 =	veq.s32 v62, v11;
	v46 =	vadd.f32 v46, v61;
	v61 =	vsel vm6, $0x3F800000, v1  }
0x15f: {  	vm7 =	veq.s32 v62, v17;
	v43 =	vadd.f32 v43, v61;
	v61 =	vsel vm9, $0x3F800000, v1  }
0x160: {  	vm8 =	veq.s32 v62, v18;
	v40 =	vadd.f32 v40, v61;
	v61 =	vsel vm12, $0x3F800000, v1  }
0x161: {  	vm14 =	veq.s32 v62, v7;
	v37 =	vadd.f32 v37, v61;
	vm10 =	veq.s32 v62, v60  }
0x162: {  	v61 =	vbroadcast v33, $0xA;
	vm15 =	veq.s32 v62, v63;
	v60 =	vsel vm10, $0x3F800000, v1  }
0x163: {  	vm10 =	veq.s32 v62, v20;
	v4 =	vadd.f32 v4, v60;
	v60 =	vsel vm11, $0x3F800000, v1  }
0x164: {  	vm11 =	veq.s32 v62, v21;
	v5 =	vadd.f32 v5, v60;
	v60 =	vsel vm13, $0x3F800000, v1  }
0x165: {  	vm13 =	veq.s32 v62, v23;
	v35 =	vadd.f32 v35, v60;
	v60 =	vsel vm14, $0x3F800000, v1  }
0x166: {  	vm14 =	veq.s32 v62, v24;
	v59 =	vadd.f32 v59, v60;
	v60 =	vsel vm4, $0x3F800000, v1  }
0x167: {  	vm4 =	veq.s32 v62, v26;
	v57 =	vadd.f32 v57, v60;
	v60 =	vsel vm5, $0x3F800000, v1  }
0x168: {  	vm5 =	veq.s32 v62, v27;
	v56 =	vadd.f32 v56, v60;
	v60 =	vsel vm7, $0x3F800000, v1  }
0x169: {  	vm7 =	veq.s32 v62, v29;
	v54 =	vadd.f32 v54, v60;
	v60 =	vsel vm8, $0x3F800000, v1  }
0x16a: {  	vm8 =	veq.s32 v62, v30;
	v53 =	vadd.f32 v53, v60;
	v60 =	vsel vm10, $0x3F800000, v1  }
0x16b: {  	v7 =	vld [tilespmem:$0x1FFC0];
	vm10 =	veq.s32 v62, v32;
	v51 =	vadd.f32 v51, v60;
	v60 =	vsel vm11, $0x3F800000, v1  }
0x16c: {  	vm11 =	veq.s32 v62, v12;
	v50 =	vadd.f32 v50, v60;
	v60 =	vsel vm13, $0x3F800000, v1  }
0x16d: {  	vm13 =	veq.s32 v62, v10;
	v48 =	vadd.f32 v48, v60;
	v60 =	vsel vm14, $0x3F800000, v1  }
0x16e: {  	vm14 =	veq.s32 v62, v8;
	v47 =	vadd.f32 v47, v60;
	v60 =	vsel vm4, $0x3F800000, v1  }
0x16f: {  	v62 =	vlaneseq.u32;
	v45 =	vadd.f32 v45, v60;
	v60 =	vsel vm5, $0x3F800000, v1  }
0x170: {  	v44 =	vadd.f32 v44, v60;
	v60 =	vsel vm7, $0x3F800000, v1;
	vm7 =	veq.s32 v61, v7;
	v7 =	vld [tilespmem:$0x1FFD0]  }
0x171: {  	vm4 =	veq.s32 v61, v62;
	v62 =	vld [tilespmem:$0x1FFB0];
	_ =	sdelay $0x2  }
0x172: {  	v42 =	vadd.f32 v42, v60;
	v60 =	vsel vm8, $0x3F800000, v1  }
0x173: {  	v41 =	vadd.f32 v41, v60;
	v60 =	vsel vm10, $0x3F800000, v1;
	vm8 =	veq.s32 v61, v7;
	v7 =	vld [tilespmem:$0x1FFE0]  }
0x174: {  	v39 =	vadd.f32 v39, v60;
	v60 =	vsel vm11, $0x3F800000, v1;
	vm5 =	veq.s32 v61, v62;
	v62 =	vld [tilespmem:$0x1FF90]  }
0x175: {  	v38 =	vadd.f32 v38, v60;
	v60 =	vsel vm13, $0x3F800000, v1  }
0x176: {  	v63 =	vbroadcast v33, $0xB;
	v36 =	vadd.f32 v36, v60;
	v60 =	vsel vm14, $0x3F800000, v1  }
0x177: {  	vm12 =	veq.s32 v61, v14;
	v3 =	vadd.f32 v3, v60;
	v60 =	vsel vm15, $0x3F800000, v1  }
0x178: {  	v6 =	vadd.f32 v6, v60;
	v60 =	vsel vm4, $0x3F800000, v1;
	vm9 =	veq.s32 v61, v7;
	v7 =	vld [tilespmem:$0x1FFF0]  }
0x179: {  	v2 =	vadd.f32 v2, v60;
	v60 =	vsel vm5, $0x3F800000, v1;
	vm6 =	veq.s32 v61, v62  }
0x17a: {  	vm11 =	veq.s32 v61, v13;
	v0 =	vadd.f32 v0, v60;
	v60 =	vsel vm6, $0x3F800000, v1  }
0x17b: {  	vm13 =	veq.s32 v61, v15;
	v4 =	vadd.f32 v4, v60;
	v60 =	vsel vm7, $0x3F800000, v1  }
0x17c: {  	vm14 =	veq.s32 v61, v16;
	v5 =	vadd.f32 v5, v60;
	v60 =	vsel vm8, $0x3F800000, v1  }
0x17d: {  	v34 =	vadd.f32 v34, v60;
	v60 =	vsel vm9, $0x3F800000, v1;
	vm10 =	veq.s32 v61, v7  }
0x17e: {  	vm15 =	veq.s32 v61, v17;
	v35 =	vadd.f32 v35, v60;
	v60 =	vsel vm10, $0x3F800000, v1  }
0x17f: {  	vm4 =	veq.s32 v61, v18;
	v59 =	vadd.f32 v59, v60;
	v60 =	vsel vm11, $0x3F800000, v1  }
0x180: {  	vm5 =	veq.s32 v61, v19;
	v58 =	vadd.f32 v58, v60;
	v60 =	vsel vm12, $0x3F800000, v1  }
0x181: {  	vm6 =	veq.s32 v61, v20;
	v57 =	vadd.f32 v57, v60;
	v60 =	vsel vm13, $0x3F800000, v1  }
0x182: {  	vm7 =	veq.s32 v61, v21;
	v56 =	vadd.f32 v56, v60;
	v60 =	vsel vm14, $0x3F800000, v1  }
0x183: {  	vm8 =	veq.s32 v61, v22;
	v55 =	vadd.f32 v55, v60;
	v60 =	vsel vm15, $0x3F800000, v1  }
0x184: {  	vm9 =	veq.s32 v61, v23;
	v54 =	vadd.f32 v54, v60;
	v60 =	vsel vm4, $0x3F800000, v1  }
0x185: {  	vm10 =	veq.s32 v61, v24;
	v53 =	vadd.f32 v53, v60;
	v60 =	vsel vm5, $0x3F800000, v1  }
0x186: {  	vm11 =	veq.s32 v61, v25;
	v52 =	vadd.f32 v52, v60;
	v60 =	vsel vm6, $0x3F800000, v1  }
0x187: {  	vm12 =	veq.s32 v61, v26;
	v51 =	vadd.f32 v51, v60;
	v60 =	vsel vm7, $0x3F800000, v1  }
0x188: {  	vm13 =	veq.s32 v61, v27;
	v50 =	vadd.f32 v50, v60;
	v60 =	vsel vm8, $0x3F800000, v1  }
0x189: {  	vm14 =	veq.s32 v61, v28;
	v49 =	vadd.f32 v49, v60;
	v60 =	vsel vm9, $0x3F800000, v1  }
0x18a: {  	vm15 =	veq.s32 v61, v29;
	v48 =	vadd.f32 v48, v60;
	v60 =	vsel vm10, $0x3F800000, v1  }
0x18b: {  	v7 =	vld [tilespmem:$0x1FFC0];
	vm4 =	veq.s32 v61, v30;
	v47 =	vadd.f32 v47, v60;
	v60 =	vsel vm11, $0x3F800000, v1  }
0x18c: {  	vm5 =	veq.s32 v61, v31;
	v46 =	vadd.f32 v46, v60;
	v60 =	vsel vm12, $0x3F800000, v1  }
0x18d: {  	vm6 =	veq.s32 v61, v32;
	v45 =	vadd.f32 v45, v60;
	v60 =	vsel vm13, $0x3F800000, v1  }
0x18e: {  	vm7 =	veq.s32 v61, v12;
	v44 =	vadd.f32 v44, v60;
	v60 =	vsel vm14, $0x3F800000, v1  }
0x18f: {  	vm8 =	veq.s32 v61, v11;
	v43 =	vadd.f32 v43, v60;
	v60 =	vsel vm15, $0x3F800000, v1  }
0x190: {  	vm15 =	veq.s32 v63, v7;
	v7 =	vld [tilespmem:$0x1FFD0];
	v42 =	vadd.f32 v42, v60;
	v60 =	vsel vm4, $0x3F800000, v1  }
0x191: {  	vm9 =	veq.s32 v61, v10;
	v41 =	vadd.f32 v41, v60;
	v60 =	vsel vm5, $0x3F800000, v1  }
0x192: {  	v62 =	vsel vm9, $0x3F800000, v1;
	v40 =	vadd.f32 v40, v60;
	v60 =	vsel vm6, $0x3F800000, v1  }
0x193: {  	vm10 =	veq.s32 v61, v8;
	v39 =	vadd.f32 v39, v60;
	v60 =	vsel vm7, $0x3F800000, v1  }
0x194: {  	v36 =	vadd.f32 v36, v62;
	v62 =	vld [tilespmem:$0x1FFB0];
	v38 =	vadd.f32 v38, v60;
	v60 =	vsel vm8, $0x3F800000, v1  }
0x195: {  	vm4 =	veq.s32 v63, v7;
	v7 =	vld [tilespmem:$0x1FFE0];
	v37 =	vadd.f32 v37, v60;
	v60 =	vsel vm10, $0x3F800000, v1  }
0x196: {  	v3 =	vadd.f32 v3, v60;
	v60 =	vld [tilespmem:$0x1FFA0];
	_ =	sdelay $0x2  }
0x197: {  	vm9 =	veq.s32 v63, v15;
	vm13 =	veq.s32 v63, v62;
	v62 =	vbroadcast v33, $0xC  }
0x198: {  	vm7 =	veq.s32 v63, v13;
	vm8 =	veq.s32 v63, v14;
	vm5 =	veq.s32 v63, v7;
	v7 =	vld [tilespmem:$0x1FFF0]  }
0x199: {  	vm10 =	veq.s32 v63, v16;
	vm11 =	veq.s32 v61, v60;
	v60 =	vlaneseq.u32  }
0x19a: {  	vm12 =	veq.s32 v63, v60;
	v60 =	vsel vm11, $0x3F800000, v1;
	vm11 =	veq.s32 v63, v17  }
0x19b: {  	v61 =	vsel vm12, $0x3F800000, v1;
	v6 =	vadd.f32 v6, v60;
	v60 =	vsel vm13, $0x3F800000, v1  }
0x19c: {  	vm12 =	veq.s32 v63, v18;
	vm13 =	veq.s32 v63, v19;
	v2 =	vadd.f32 v2, v61  }
0x19d: {  	v0 =	vadd.f32 v0, v60;
	v60 =	vld [tilespmem:$0x1FF90];
	v61 =	vsel vm15, $0x3F800000, v1;
	vm6 =	veq.s32 v63, v7  }
0x19e: {  	vm15 =	veq.s32 v63, v21;
	v5 =	vadd.f32 v5, v61;
	v61 =	vsel vm6, $0x3F800000, v1  }
0x19f: {  	vm6 =	veq.s32 v63, v24;
	v59 =	vadd.f32 v59, v61;
	v61 =	vsel vm9, $0x3F800000, v1  }
0x1a0: {  	vm9 =	veq.s32 v63, v27;
	v56 =	vadd.f32 v56, v61;
	v61 =	vsel vm12, $0x3F800000, v1  }
0x1a1: {  	vm12 =	veq.s32 v63, v30;
	v53 =	vadd.f32 v53, v61;
	v61 =	vsel vm15, $0x3F800000, v1  }
0x1a2: {  	vm15 =	veq.s32 v63, v12;
	vm14 =	veq.s32 v63, v60;
	v50 =	vadd.f32 v50, v61  }
0x1a3: {  	v61 =	vsel vm6, $0x3F800000, v1;
	vm6 =	veq.s32 v63, v8;
	v60 =	vsel vm14, $0x3F800000, v1  }
0x1a4: {  	vm14 =	veq.s32 v63, v20;
	v47 =	vadd.f32 v47, v61;
	v61 =	vsel vm9, $0x3F800000, v1  }
0x1a5: {  	v4 =	vadd.f32 v4, v60;
	v60 =	vsel vm4, $0x3F800000, v1;
	vm4 =	veq.s32 v63, v22  }
0x1a6: {  	v44 =	vadd.f32 v44, v61;
	v61 =	vsel vm12, $0x3F800000, v1;
	v34 =	vadd.f32 v34, v60  }
0x1a7: {  	v60 =	vsel vm5, $0x3F800000, v1;
	vm5 =	veq.s32 v63, v23;
	v41 =	vadd.f32 v41, v61  }
0x1a8: {  	v61 =	vsel vm15, $0x3F800000, v1;
	v35 =	vadd.f32 v35, v60;
	v60 =	vsel vm7, $0x3F800000, v1  }
0x1a9: {  	vm7 =	veq.s32 v63, v25;
	v58 =	vadd.f32 v58, v60;
	v60 =	vsel vm8, $0x3F800000, v1  }
0x1aa: {  	v38 =	vadd.f32 v38, v61;
	v57 =	vadd.f32 v57, v60;
	v60 =	vsel vm10, $0x3F800000, v1  }
0x1ab: {  	v61 =	vsel vm6, $0x3F800000, v1;
	v55 =	vadd.f32 v55, v60;
	v60 =	vsel vm11, $0x3F800000, v1  }
0x1ac: {  	vm8 =	veq.s32 v63, v26;
	v54 =	vadd.f32 v54, v60;
	v60 =	vsel vm13, $0x3F800000, v1  }
0x1ad: {  	v3 =	vadd.f32 v3, v61;
	v52 =	vadd.f32 v52, v60;
	v60 =	vsel vm14, $0x3F800000, v1  }
0x1ae: {  	v61 =	vlaneseq.u32;
	v51 =	vadd.f32 v51, v60;
	v60 =	vsel vm4, $0x3F800000, v1  }
0x1af: {  	v7 =	vld [tilespmem:$0x1FFC0];
	vm10 =	veq.s32 v63, v28;
	v49 =	vadd.f32 v49, v60;
	v60 =	vsel vm5, $0x3F800000, v1  }
0x1b0: {  	vm11 =	veq.s32 v63, v29;
	v48 =	vadd.f32 v48, v60;
	v60 =	vsel vm7, $0x3F800000, v1  }
0x1b1: {  	vm13 =	veq.s32 v63, v31;
	v46 =	vadd.f32 v46, v60;
	v60 =	vsel vm8, $0x3F800000, v1  }
0x1b2: {  	vm14 =	veq.s32 v63, v32;
	v45 =	vadd.f32 v45, v60;
	v60 =	vsel vm10, $0x3F800000, v1  }
0x1b3: {  	vm8 =	veq.s32 v62, v61;
	v61 =	vld [tilespmem:$0x1FFB0];
	v43 =	vadd.f32 v43, v60;
	v60 =	vsel vm11, $0x3F800000, v1  }
0x1b4: {  	vm11 =	veq.s32 v62, v7;
	v7 =	vld [tilespmem:$0x1FFD0];
	v42 =	vadd.f32 v42, v60;
	v60 =	vsel vm13, $0x3F800000, v1  }
0x1b5: {  	vm4 =	veq.s32 v63, v11;
	v40 =	vadd.f32 v40, v60;
	v60 =	vsel vm14, $0x3F800000, v1  }
0x1b6: {  	vm5 =	veq.s32 v63, v10;
	v39 =	vadd.f32 v39, v60;
	v60 =	vsel vm4, $0x3F800000, v1  }
0x1b7: {  	vm15 =	veq.s32 v62, v13;
	v37 =	vadd.f32 v37, v60;
	v60 =	vsel vm5, $0x3F800000, v1  }
0x1b8: {  	vm6 =	veq.s32 v62, v16;
	vm9 =	veq.s32 v62, v61;
	v36 =	vadd.f32 v36, v60;
	v60 =	vld [tilespmem:$0x1FFA0]  }
0x1b9: {  	vm4 =	veq.s32 v62, v14;
	v61 =	vsel vm9, $0x3F800000, v1;
	vm12 =	veq.s32 v62, v7  }
0x1ba: {  	vm5 =	veq.s32 v62, v15;
	v0 =	vadd.f32 v0, v61;
	v7 =	vld [tilespmem:$0x1FFE0];
	v61 =	vsel vm12, $0x3F800000, v1  }
0x1bb: {  	vm9 =	veq.s32 v62, v19;
	v34 =	vadd.f32 v34, v61;
	v61 =	vsel vm15, $0x3F800000, v1  }
0x1bc: {  	vm12 =	veq.s32 v62, v22;
	vm15 =	veq.s32 v62, v25;
	v58 =	vadd.f32 v58, v61  }
0x1bd: {  	v61 =	vsel vm6, $0x3F800000, v1;
	vm6 =	veq.s32 v62, v28;
	vm7 =	veq.s32 v63, v60  }
0x1be: {  	v55 =	vadd.f32 v55, v61;
	v61 =	vsel vm9, $0x3F800000, v1;
	v60 =	vsel vm7, $0x3F800000, v1  }
0x1bf: {  	vm13 =	veq.s32 v62, v7;
	v7 =	vld [tilespmem:$0x1FFF0];
	v6 =	vadd.f32 v6, v60;
	v60 =	vsel vm8, $0x3F800000, v1  }
0x1c0: {  	v52 =	vadd.f32 v52, v61;
	v61 =	vsel vm12, $0x3F800000, v1;
	v2 =	vadd.f32 v2, v60;
	v60 =	vld [tilespmem:$0x1FF90]  }
0x1c1: {  	vm9 =	veq.s32 v62, v31;
	v63 =	vld [tilespmem:$0x1FFA0];
	v49 =	vadd.f32 v49, v61;
	v61 =	vsel vm15, $0x3F800000, v1  }
0x1c2: {  	vm12 =	veq.s32 v62, v11;
	v46 =	vadd.f32 v46, v61;
	v61 =	vsel vm6, $0x3F800000, v1  }
0x1c3: {  	vm7 =	veq.s32 v62, v17;
	v43 =	vadd.f32 v43, v61;
	v61 =	vsel vm9, $0x3F800000, v1  }
0x1c4: {  	vm8 =	veq.s32 v62, v18;
	v40 =	vadd.f32 v40, v61;
	v61 =	vsel vm12, $0x3F800000, v1  }
0x1c5: {  	vm14 =	veq.s32 v62, v7;
	v37 =	vadd.f32 v37, v61;
	vm10 =	veq.s32 v62, v60  }
0x1c6: {  	v61 =	vbroadcast v33, $0xD;
	vm15 =	veq.s32 v62, v63;
	v60 =	vsel vm10, $0x3F800000, v1  }
0x1c7: {  	vm10 =	veq.s32 v62, v20;
	v4 =	vadd.f32 v4, v60;
	v60 =	vsel vm11, $0x3F800000, v1  }
0x1c8: {  	vm11 =	veq.s32 v62, v21;
	v5 =	vadd.f32 v5, v60;
	v60 =	vsel vm13, $0x3F800000, v1  }
0x1c9: {  	vm13 =	veq.s32 v62, v23;
	v35 =	vadd.f32 v35, v60;
	v60 =	vsel vm14, $0x3F800000, v1  }
0x1ca: {  	vm14 =	veq.s32 v62, v24;
	v59 =	vadd.f32 v59, v60;
	v60 =	vsel vm4, $0x3F800000, v1  }
0x1cb: {  	vm4 =	veq.s32 v62, v26;
	v57 =	vadd.f32 v57, v60;
	v60 =	vsel vm5, $0x3F800000, v1  }
0x1cc: {  	vm5 =	veq.s32 v62, v27;
	v56 =	vadd.f32 v56, v60;
	v60 =	vsel vm7, $0x3F800000, v1  }
0x1cd: {  	vm7 =	veq.s32 v62, v29;
	v54 =	vadd.f32 v54, v60;
	v60 =	vsel vm8, $0x3F800000, v1  }
0x1ce: {  	vm8 =	veq.s32 v62, v30;
	v53 =	vadd.f32 v53, v60;
	v60 =	vsel vm10, $0x3F800000, v1  }
0x1cf: {  	v7 =	vld [tilespmem:$0x1FFC0];
	vm10 =	veq.s32 v62, v32;
	v51 =	vadd.f32 v51, v60;
	v60 =	vsel vm11, $0x3F800000, v1  }
0x1d0: {  	vm11 =	veq.s32 v62, v12;
	v50 =	vadd.f32 v50, v60;
	v60 =	vsel vm13, $0x3F800000, v1  }
0x1d1: {  	vm13 =	veq.s32 v62, v10;
	v48 =	vadd.f32 v48, v60;
	v60 =	vsel vm14, $0x3F800000, v1  }
0x1d2: {  	vm14 =	veq.s32 v62, v8;
	v47 =	vadd.f32 v47, v60;
	v60 =	vsel vm4, $0x3F800000, v1  }
0x1d3: {  	v62 =	vlaneseq.u32;
	v45 =	vadd.f32 v45, v60;
	v60 =	vsel vm5, $0x3F800000, v1  }
0x1d4: {  	v44 =	vadd.f32 v44, v60;
	v60 =	vsel vm7, $0x3F800000, v1;
	vm7 =	veq.s32 v61, v7;
	v7 =	vld [tilespmem:$0x1FFD0]  }
0x1d5: {  	vm4 =	veq.s32 v61, v62;
	v62 =	vld [tilespmem:$0x1FFB0];
	_ =	sdelay $0x2  }
0x1d6: {  	v42 =	vadd.f32 v42, v60;
	v60 =	vsel vm8, $0x3F800000, v1  }
0x1d7: {  	v41 =	vadd.f32 v41, v60;
	v60 =	vsel vm10, $0x3F800000, v1;
	vm8 =	veq.s32 v61, v7;
	v7 =	vld [tilespmem:$0x1FFE0]  }
0x1d8: {  	v39 =	vadd.f32 v39, v60;
	v60 =	vsel vm11, $0x3F800000, v1;
	vm5 =	veq.s32 v61, v62;
	v62 =	vld [tilespmem:$0x1FF90]  }
0x1d9: {  	v38 =	vadd.f32 v38, v60;
	v60 =	vsel vm13, $0x3F800000, v1  }
0x1da: {  	v36 =	vadd.f32 v36, v60;
	v60 =	vsel vm14, $0x3F800000, v1  }
0x1db: {  	v3 =	vadd.f32 v3, v60;
	v60 =	vsel vm15, $0x3F800000, v1  }
0x1dc: {  	v6 =	vadd.f32 v6, v60;
	v60 =	vsel vm4, $0x3F800000, v1;
	vm9 =	veq.s32 v61, v7;
	v7 =	vld [tilespmem:$0x1FFF0]  }
0x1dd: {  	v2 =	vadd.f32 v2, v60;
	v60 =	vsel vm5, $0x3F800000, v1;
	vm6 =	veq.s32 v61, v62  }
0x1de: {  	v0 =	vadd.f32 v0, v60;
	v60 =	vsel vm6, $0x3F800000, v1  }
0x1df: {  	v63 =	vbroadcast v33, $0xE;
	v4 =	vadd.f32 v4, v60;
	v60 =	vsel vm7, $0x3F800000, v1  }
0x1e0: {  	vm12 =	veq.s32 v61, v14;
	v5 =	vadd.f32 v5, v60;
	v60 =	vsel vm8, $0x3F800000, v1  }
0x1e1: {  	v34 =	vadd.f32 v34, v60;
	v60 =	vsel vm9, $0x3F800000, v1;
	vm10 =	veq.s32 v61, v7  }
0x1e2: {  	vm11 =	veq.s32 v61, v13;
	v35 =	vadd.f32 v35, v60;
	v60 =	vsel vm10, $0x3F800000, v1  }
0x1e3: {  	vm13 =	veq.s32 v61, v15;
	v59 =	vadd.f32 v59, v60;
	v60 =	vsel vm11, $0x3F800000, v1  }
0x1e4: {  	vm14 =	veq.s32 v61, v16;
	v58 =	vadd.f32 v58, v60;
	v60 =	vsel vm12, $0x3F800000, v1  }
0x1e5: {  	vm15 =	veq.s32 v61, v17;
	v57 =	vadd.f32 v57, v60;
	v60 =	vsel vm13, $0x3F800000, v1  }
0x1e6: {  	vm4 =	veq.s32 v61, v18;
	v56 =	vadd.f32 v56, v60;
	v60 =	vsel vm14, $0x3F800000, v1  }
0x1e7: {  	vm5 =	veq.s32 v61, v19;
	v55 =	vadd.f32 v55, v60;
	v60 =	vsel vm15, $0x3F800000, v1  }
0x1e8: {  	vm6 =	veq.s32 v61, v20;
	v54 =	vadd.f32 v54, v60;
	v60 =	vsel vm4, $0x3F800000, v1  }
0x1e9: {  	vm7 =	veq.s32 v61, v21;
	v53 =	vadd.f32 v53, v60;
	v60 =	vsel vm5, $0x3F800000, v1  }
0x1ea: {  	vm8 =	veq.s32 v61, v22;
	v52 =	vadd.f32 v52, v60;
	v60 =	vsel vm6, $0x3F800000, v1  }
0x1eb: {  	vm9 =	veq.s32 v61, v23;
	v51 =	vadd.f32 v51, v60;
	v60 =	vsel vm7, $0x3F800000, v1  }
0x1ec: {  	vm10 =	veq.s32 v61, v24;
	v50 =	vadd.f32 v50, v60;
	v60 =	vsel vm8, $0x3F800000, v1  }
0x1ed: {  	vm11 =	veq.s32 v61, v25;
	v49 =	vadd.f32 v49, v60;
	v60 =	vsel vm9, $0x3F800000, v1  }
0x1ee: {  	vm12 =	veq.s32 v61, v26;
	v48 =	vadd.f32 v48, v60;
	v60 =	vsel vm10, $0x3F800000, v1  }
0x1ef: {  	vm13 =	veq.s32 v61, v27;
	v47 =	vadd.f32 v47, v60;
	v60 =	vsel vm11, $0x3F800000, v1  }
0x1f0: {  	vm14 =	veq.s32 v61, v28;
	v46 =	vadd.f32 v46, v60;
	v60 =	vsel vm12, $0x3F800000, v1  }
0x1f1: {  	vm15 =	veq.s32 v61, v29;
	v45 =	vadd.f32 v45, v60;
	v60 =	vsel vm13, $0x3F800000, v1  }
0x1f2: {  	v7 =	vld [tilespmem:$0x1FFC0];
	vm4 =	veq.s32 v61, v30;
	v44 =	vadd.f32 v44, v60;
	v60 =	vsel vm14, $0x3F800000, v1  }
0x1f3: {  	vm5 =	veq.s32 v61, v31;
	v43 =	vadd.f32 v43, v60;
	v60 =	vsel vm15, $0x3F800000, v1  }
0x1f4: {  	vm6 =	veq.s32 v61, v32;
	v42 =	vadd.f32 v42, v60;
	v60 =	vsel vm4, $0x3F800000, v1  }
0x1f5: {  	vm7 =	veq.s32 v61, v12;
	v41 =	vadd.f32 v41, v60;
	v60 =	vsel vm5, $0x3F800000, v1  }
0x1f6: {  	vm8 =	veq.s32 v61, v11;
	v40 =	vadd.f32 v40, v60;
	v60 =	vsel vm6, $0x3F800000, v1  }
0x1f7: {  	vm15 =	veq.s32 v63, v7;
	v7 =	vld [tilespmem:$0x1FFD0];
	v39 =	vadd.f32 v39, v60;
	v60 =	vsel vm7, $0x3F800000, v1  }
0x1f8: {  	vm10 =	veq.s32 v61, v8;
	v38 =	vadd.f32 v38, v60;
	v60 =	vsel vm8, $0x3F800000, v1  }
0x1f9: {  	vm9 =	veq.s32 v61, v10;
	v37 =	vadd.f32 v37, v60;
	v60 =	vsel vm10, $0x3F800000, v1  }
0x1fa: {  	v62 =	vsel vm9, $0x3F800000, v1;
	v3 =	vadd.f32 v3, v60;
	v60 =	vld [tilespmem:$0x1FFA0]  }
0x1fb: {  	v36 =	vadd.f32 v36, v62;
	v62 =	vld [tilespmem:$0x1FFB0]  }
0x1fc: {  	vm4 =	veq.s32 v63, v7;
	v7 =	vld [tilespmem:$0x1FFE0];
	_ =	sdelay $0x2  }
0x1fd: {  	vm11 =	veq.s32 v61, v60;
	v60 =	vlaneseq.u32  }
0x1fe: {  	vm13 =	veq.s32 v63, v62;
	vm12 =	veq.s32 v63, v60;
	v60 =	vsel vm11, $0x3F800000, v1  }
0x1ff: {  	vm5 =	veq.s32 v63, v7;
	v7 =	vld [tilespmem:$0x1FFF0];
	v6 =	vadd.f32 v6, v60;
	v60 =	vsel vm13, $0x3F800000, v1  }
0x200: {  	v0 =	vadd.f32 v0, v60;
	v60 =	vld [tilespmem:$0x1FF90]  }
0x201: {  	vm9 =	veq.s32 v63, v15;
	vm7 =	veq.s32 v63, v13  }
0x202: {  	vm8 =	veq.s32 v63, v14;
	vm10 =	veq.s32 v63, v16;
	vm11 =	veq.s32 v63, v17  }
0x203: {  	v61 =	vsel vm12, $0x3F800000, v1;
	vm12 =	veq.s32 v63, v18;
	vm13 =	veq.s32 v63, v19  }
0x204: {  	v2 =	vadd.f32 v2, v61;
	v61 =	vsel vm15, $0x3F800000, v1;
	vm6 =	veq.s32 v63, v7  }
0x205: {  	vm15 =	veq.s32 v63, v21;
	v5 =	vadd.f32 v5, v61;
	vm14 =	veq.s32 v63, v60  }
0x206: {  	v61 =	vsel vm6, $0x3F800000, v1;
	vm6 =	veq.s32 v63, v24;
	v60 =	vsel vm14, $0x3F800000, v1  }
0x207: {  	v59 =	vadd.f32 v59, v61;
	v4 =	vadd.f32 v4, v60;
	v60 =	vsel vm4, $0x3F800000, v1  }
0x208: {  	v61 =	vsel vm9, $0x3F800000, v1;
	v34 =	vadd.f32 v34, v60;
	v60 =	vsel vm5, $0x3F800000, v1  }
0x209: {  	vm9 =	veq.s32 v63, v27;
	v35 =	vadd.f32 v35, v60;
	v60 =	vsel vm7, $0x3F800000, v1  }
0x20a: {  	v56 =	vadd.f32 v56, v61;
	v58 =	vadd.f32 v58, v60;
	v60 =	vsel vm8, $0x3F800000, v1  }
0x20b: {  	v61 =	vsel vm12, $0x3F800000, v1;
	v57 =	vadd.f32 v57, v60;
	v60 =	vsel vm10, $0x3F800000, v1  }
0x20c: {  	v53 =	vadd.f32 v53, v61;
	v55 =	vadd.f32 v55, v60;
	v60 =	vsel vm11, $0x3F800000, v1  }
0x20d: {  	vm14 =	veq.s32 v63, v20;
	v54 =	vadd.f32 v54, v60;
	v60 =	vsel vm13, $0x3F800000, v1  }
0x20e: {  	vm4 =	veq.s32 v63, v22;
	v52 =	vadd.f32 v52, v60;
	v60 =	vsel vm14, $0x3F800000, v1  }
0x20f: {  	vm5 =	veq.s32 v63, v23;
	v51 =	vadd.f32 v51, v60;
	v60 =	vsel vm4, $0x3F800000, v1  }
0x210: {  	vm7 =	veq.s32 v63, v25;
	v49 =	vadd.f32 v49, v60;
	v60 =	vsel vm5, $0x3F800000, v1  }
0x211: {  	vm8 =	veq.s32 v63, v26;
	v48 =	vadd.f32 v48, v60;
	v60 =	vsel vm7, $0x3F800000, v1  }
0x212: {  	vm10 =	veq.s32 v63, v28;
	v46 =	vadd.f32 v46, v60;
	v60 =	vsel vm8, $0x3F800000, v1  }
0x213: {  	vm11 =	veq.s32 v63, v29;
	v45 =	vadd.f32 v45, v60;
	v60 =	vsel vm10, $0x3F800000, v1  }
0x214: {  	vm13 =	veq.s32 v63, v31;
	v43 =	vadd.f32 v43, v60;
	v60 =	vsel vm11, $0x3F800000, v1  }
0x215: {  	vm14 =	veq.s32 v63, v32;
	v42 =	vadd.f32 v42, v60;
	v60 =	vsel vm13, $0x3F800000, v1  }
0x216: {  	vm4 =	veq.s32 v63, v11;
	v40 =	vadd.f32 v40, v60;
	v60 =	vsel vm14, $0x3F800000, v1  }
0x217: {  	vm5 =	veq.s32 v63, v10;
	v39 =	vadd.f32 v39, v60;
	v60 =	vsel vm4, $0x3F800000, v1  }
0x218: {  	v61 =	vsel vm15, $0x3F800000, v1;
	v37 =	vadd.f32 v37, v60;
	v60 =	vsel vm5, $0x3F800000, v1  }
0x219: {  	v50 =	vadd.f32 v50, v61;
	v61 =	vsel vm6, $0x3F800000, v1;
	v36 =	vadd.f32 v36, v60;
	v60 =	vld [tilespmem:$0x1FFA0]  }
0x21a: {  	vm12 =	veq.s32 v63, v30;
	v47 =	vadd.f32 v47, v61;
	v61 =	vsel vm9, $0x3F800000, v1  }
0x21b: {  	vm15 =	veq.s32 v63, v12;
	v44 =	vadd.f32 v44, v61;
	v61 =	vsel vm12, $0x3F800000, v1  }
0x21c: {  	vm6 =	veq.s32 v63, v8;
	v41 =	vadd.f32 v41, v61;
	v61 =	vsel vm15, $0x3F800000, v1  }
0x21d: {  	v33 =	vbroadcast v33, $0xF;
	v38 =	vadd.f32 v38, v61;
	v61 =	vsel vm6, $0x3F800000, v1  }
0x21e: {  	v3 =	vadd.f32 v3, v61;
	v61 =	vlaneseq.u32;
	vm7 =	veq.s32 v63, v60  }
0x21f: {  	vm8 =	veq.s32 v33, v61;
	v60 =	vsel vm7, $0x3F800000, v1  }
0x220: {  	v6 =	vadd.f32 v6, v60;
	v60 =	vsel vm8, $0x3F800000, v1  }
0x221: {  	v2 =	vadd.f32 v2, v60;
	v60 =	vld [tilespmem:$0x1FF90]  }
0x222: {  	v7 =	vld [tilespmem:$0x1FFC0];
	_ =	sdelay $0x1  }
0x223: {  	v61 =	vld [tilespmem:$0x1FFB0];
	_ =	sdelay $0x1  }
0x224: {  	vm10 =	veq.s32 v33, v60  }
0x225: {  	vm11 =	veq.s32 v33, v7;
	v7 =	vld [tilespmem:$0x1FFD0];
	v60 =	vsel vm10, $0x3F800000, v1  }
0x226: {  	v63 =	vadd.f32 v4, v60;
	v4 =	vsel vm11, $0x3F800000, v1  }
0x227: {  	vm15 =	veq.s32 v33, v13;
	vm9 =	veq.s32 v33, v61;
	v62 =	vadd.f32 v5, v4;
	v4 =	vld [tilespmem:$0x1FFE0]  }
0x228: {  	vm6 =	veq.s32 v33, v16;
	vm4 =	veq.s32 v33, v14;
	v61 =	vsel vm9, $0x3F800000, v1;
	v5 =	vld [tilespmem:$0x1FFF0]  }
0x229: {  	vm5 =	veq.s32 v33, v15;
	vm9 =	veq.s32 v33, v19;
	v0 =	vadd.f32 v0, v61  }
0x22a: {  	vm12 =	veq.s32 v33, v7;
	vm7 =	veq.s32 v33, v17;
	vm8 =	veq.s32 v33, v18  }
0x22b: {  	vm10 =	veq.s32 v33, v20;
	v60 =	vsel vm12, $0x3F800000, v1;
	vm11 =	veq.s32 v33, v21  }
0x22c: {  	vm12 =	veq.s32 v33, v22;
	v61 =	vadd.f32 v34, v60;
	vm13 =	veq.s32 v33, v4  }
0x22d: {  	vm14 =	veq.s32 v33, v5;
	v5 =	vsel vm15, $0x3F800000, v1;
	vm15 =	veq.s32 v33, v25  }
0x22e: {  	v4 =	vsel vm13, $0x3F800000, v1;
	v58 =	vadd.f32 v58, v5;
	v5 =	vsel vm6, $0x3F800000, v1  }
0x22f: {  	vm13 =	veq.s32 v33, v23;
	vm6 =	veq.s32 v33, v28;
	v60 =	vadd.f32 v35, v4  }
0x230: {  	v4 =	vsel vm14, $0x3F800000, v1;
	v55 =	vadd.f32 v55, v5;
	v5 =	vsel vm9, $0x3F800000, v1  }
0x231: {  	vm14 =	veq.s32 v33, v24;
	vm9 =	veq.s32 v33, v31;
	v59 =	vadd.f32 v59, v4  }
0x232: {  	v4 =	vsel vm4, $0x3F800000, v1;
	v52 =	vadd.f32 v52, v5;
	v5 =	vsel vm12, $0x3F800000, v1  }
0x233: {  	vm4 =	veq.s32 v33, v26;
	vm12 =	veq.s32 v33, v11;
	v57 =	vadd.f32 v57, v4  }
0x234: {  	v4 =	vsel vm5, $0x3F800000, v1;
	v49 =	vadd.f32 v49, v5;
	v5 =	vsel vm15, $0x3F800000, v1  }
0x235: {  	vm5 =	veq.s32 v33, v27;
	v56 =	vadd.f32 v56, v4;
	v4 =	vsel vm7, $0x3F800000, v1  }
0x236: {  	v46 =	vadd.f32 v46, v5;
	v5 =	vsel vm6, $0x3F800000, v1;
	vm7 =	veq.s32 v33, v29  }
0x237: {  	v54 =	vadd.f32 v54, v4;
	v4 =	vsel vm8, $0x3F800000, v1;
	v43 =	vadd.f32 v43, v5  }
0x238: {  	vm8 =	veq.s32 v33, v30;
	v53 =	vadd.f32 v53, v4;
	v4 =	vsel vm10, $0x3F800000, v1  }
0x239: {  	v5 =	vsel vm9, $0x3F800000, v1;
	v51 =	vadd.f32 v51, v4;
	v4 =	vsel vm11, $0x3F800000, v1  }
0x23a: {  	v40 =	vadd.f32 v40, v5;
	v50 =	vadd.f32 v50, v4;
	v4 =	vsel vm13, $0x3F800000, v1  }
0x23b: {  	v5 =	vsel vm12, $0x3F800000, v1;
	v48 =	vadd.f32 v48, v4;
	v4 =	vsel vm14, $0x3F800000, v1  }
0x23c: {  	v37 =	vadd.f32 v37, v5;
	v5 =	vld [tilespmem:$0x1FFA0];
	v47 =	vadd.f32 v47, v4;
	v4 =	vsel vm4, $0x3F800000, v1  }
0x23d: {  	vm10 =	veq.s32 v33, v32;
	v45 =	vadd.f32 v45, v4;
	v4 =	vsel vm5, $0x3F800000, v1  }
0x23e: {  	vm11 =	veq.s32 v33, v12;
	v44 =	vadd.f32 v44, v4;
	v4 =	vsel vm7, $0x3F800000, v1  }
0x23f: {  	p0 =	sne.s32 s10, $0x1C0;
	v9 =	vld [tilespmem:$0x1FFC0];
	vm13 =	veq.s32 v33, v10;
	v42 =	vadd.f32 v42, v4;
	v4 =	vsel vm8, $0x3F800000, v1  }
.Ltmp0:
0x240: {  	v11 =	vld [tilespmem:$0x1FFE0];
	vm14 =	veq.s32 v33, v8;
	v41 =	vadd.f32 v41, v4;
	v4 =	vsel vm10, $0x3F800000, v1;
	(pc) =	sbr.rel @p0 .LBB2_2-.Ltmp0, $4  }
0x241: {  	v10 =	vld [tilespmem:$0x1FFD0];
	vm15 =	veq.s32 v33, v5;
	v39 =	vadd.f32 v39, v4;
	v4 =	vsel vm11, $0x3F800000, v1  }
0x242: {  	v8 =	vmovc v12;
	v12 =	vld [tilespmem:$0x1FFF0];
	v5 =	vsel vm14, $0x3F800000, v1;
	v38 =	vadd.f32 v38, v4;
	v4 =	vsel vm13, $0x3F800000, v1  }
0x243: {  	v35 =	vadd.f32 v3, v5;
	v5 =	vld [tilespmem:$0x1FFB0];
	v36 =	vadd.f32 v36, v4;
	v4 =	vsel vm15, $0x3F800000, v1  }
0x244: {  	s10 =	sadd.s32 $0x40, s10;
	v34 =	vadd.f32 v6, v4;
	v6 =	vld [tilespmem:$0x1FF90];
	v4 =	vlaneseq.u32  }
0x245: {  	[tilespmem:$0x80] =	vst v2  }
0x246: {  	[tilespmem:$0x90] =	vst v0  }
0x247: {  	[tilespmem:$0xA0] =	vst v63  }
0x248: {  	[tilespmem:$0xB0] =	vst v62  }
0x249: {  	[tilespmem:$0xC0] =	vst v61  }
0x24a: {  	[tilespmem:$0xD0] =	vst v60  }
0x24b: {  	[tilespmem:$0xE0] =	vst v59  }
0x24c: {  	[tilespmem:$0xF0] =	vst v58  }
0x24d: {  	[tilespmem:$0x100] =	vst v57  }
0x24e: {  	[tilespmem:$0x110] =	vst v56  }
0x24f: {  	[tilespmem:$0x120] =	vst v55  }
0x250: {  	[tilespmem:$0x130] =	vst v54  }
0x251: {  	[tilespmem:$0x140] =	vst v53  }
0x252: {  	[tilespmem:$0x150] =	vst v52  }
0x253: {  	[tilespmem:$0x160] =	vst v51  }
0x254: {  	[tilespmem:$0x170] =	vst v50  }
0x255: {  	[tilespmem:$0x180] =	vst v49  }
0x256: {  	[tilespmem:$0x190] =	vst v48  }
0x257: {  	[tilespmem:$0x1A0] =	vst v47  }
0x258: {  	[tilespmem:$0x1B0] =	vst v46  }
0x259: {  	[tilespmem:$0x1C0] =	vst v45  }
0x25a: {  	[tilespmem:$0x1D0] =	vst v44  }
0x25b: {  	[tilespmem:$0x1E0] =	vst v43  }
0x25c: {  	[tilespmem:$0x1F0] =	vst v42  }
0x25d: {  	[tilespmem:$0x200] =	vst v41  }
0x25e: {  	[tilespmem:$0x210] =	vst v40  }
0x25f: {  	[tilespmem:$0x220] =	vst v39  }
0x260: {  	[tilespmem:$0x230] =	vst v38  }
0x261: {  	[tilespmem:$0x240] =	vst v37  }
0x262: {  	[tilespmem:$0x250] =	vst v36;
	s9 =	sadd.s32 $0x1, s9  }
0x263: {  	[tilespmem:$0x260] =	vst v35;
	p0 =	sne.s32 s9, s5  }
.Ltmp1:
0x264: {  	[tilespmem:$0x270] =	vst v34;
	(pc) =	sbr.rel @p0 .LBB2_1-.Ltmp1, $4  }
0x265: {  	[hbm4b:s4+s8] =	stream.strided.scatter [tilespmem:s8], [sflag:$0x1], $0x200, s7, s8, $0x38;
	[tilespmem:$0x280] =	vst v63  }
0x266: {  	_ =	swait.ge [sflag:s6], $0x200  }
0x267: {  	[sflag:s6] =	ssyncset.done $0x0  }
0x268: {  	[sflag:s6] =	ssyncadd.s32 $0xFFFFFE00  }
0x269: {  	_ =	sfence.sel $0x180000  }
0x26a: {  	[bflag:$0x0] =	sbarrier.arrive $0xFFFF  }
0x26b: {  	p0 =	sne.s32 s2, $0x0;
	_ =	strace $0x90000047  }
0x26c: {  	s0 =	sadd.s32 @!p0 $0x100000, s0;
	[bflag:$0x2] =	sbarrier.arrive $0xFFFF  }
0x26d: {  	[sflag:s0] =	ssyncadd.tile.s32 @!p0 $0x1;
	_ =	shalt  }
.Lfunc_end2:
_tile_overlayer_lowered:
.L_overlay_start_2:
0x26e: {  	(tag) =	ssettag $0x2  }
0x26f: {  	s0 =	rddreg [dreg:$0x0];
	s2 =	stileid.u32  }
0x270: {  	s1 =	rddreg [dreg:$0x1];
	p0 =	sne.s32 s2, $0x0  }
0x271: {  	s3 =	rddreg [dreg:$0x2];
	[bflag:$0x3] =	sbarrier.arrive $0xFFFF;
	s2 =	simm.s32 @!p0 $0x1C01  }
0x272: {  	[timem:s3], [sflag:s2] =	dma.local @!p0 [hbm:s0], s1  }
0x273: {  	s0 =	simm.s32 @!p0 $0x1  }
0x274: {  	_ =	swait.ge @!p0 [sflag:s0], s1  }
0x275: {  	s1 =	ssub.s32 @!p0 $0x0, s1;
	[sflag:s0] =	ssyncset.done @!p0 $0x0  }
0x276: {  	[sflag:s0] =	ssyncadd.s32 @!p0 s1  }
0x277: {  	[bflag:$0x3] =	sbarrier.arrive $0xFFFF  }
0x278: {  	_ =	shalt  }

</sc_bundles>
